<compile_context>
chip_gen: v7x
topology: tpu7x:2x2x1
jax: 0.10.2.dev20260603
libtpu: 0.0.44.dev20260713+nightly
codegen_flags: <defaults>
</compile_context>

<pallas_src>
import jax
import jax.numpy as jnp
from jax import lax
from jax.experimental import pallas as pl
from jax.experimental.pallas import tpu as pltpu
from jax.experimental.pallas import tpu_sc as plsc

N = 10000
E = 320000
DIN = 128
DEDGE = 16
H = 8
DH = 16
DOUT = H * DH
ACC_W = 144

NW = 32
NB = 32
EPW = E // NW
BPW = EPW // NB + 1
EPAD = E + 2 * NB
NCH = N // NB

_HP = lax.Precision.HIGHEST



def _proj_nodes_body(x_ref, wq_ref, wk_ref, wv_ref, b_ref, q_ref, k_ref, v_ref):
    xb = x_ref[...]
    q_ref[...] = jnp.dot(xb, wq_ref[...], precision=_HP) + b_ref[0:1, :]
    k_ref[...] = jnp.dot(xb, wk_ref[...], precision=_HP) + b_ref[1:2, :]
    v_ref[...] = jnp.dot(xb, wv_ref[...], precision=_HP) + b_ref[2:3, :]


def _proj_edges_body(a_ref, we_ref, be_ref, eh_ref):
    eh_ref[...] = jnp.dot(a_ref[...], we_ref[...], precision=_HP) + be_ref[...]



def _sc_edge_body(q_hbm, k_hbm, v_hbm, eh_hbm, eidx_hbm, out_hbm,
                  ibuf0, ibuf1, q0, k0, v0, e0b, q1, k1, v1, e1b, msg_v,
                  dst_sc, acc_sh,
                  sq0, sk0, sv0, se0, sq1, sk1, sv1, se1, si0, si1, ssc):
    c = lax.axis_index("c")
    s = lax.axis_index("s")
    w = s * 2 + c
    ebase = w * EPW

    ibufs = (ibuf0, ibuf1)
    qb = (q0, q1)
    kb = (k0, k1)
    vb = (v0, v1)
    eb = (e0b, e1b)
    gsems = ((sq0, sk0, sv0, se0), (sq1, sk1, sv1, se1))
    isems = (si0, si1)

    zro = jnp.zeros((16,), jnp.float32)

    def mrow(r, carry):
        for cc in range(ACC_W // 16):
            msg_v[r, pl.ds(cc * 16, 16)] = zro
        return carry

    lax.fori_loop(0, NB, mrow, 0)

    nch = jnp.where(s < NCH % 16, NCH // 16 + 1, NCH // 16)

    def zcopy(i, carry):
        pltpu.sync_copy(msg_v, acc_sh.at[pl.ds((s + i * 16) * NB, NB)])
        return carry

    lax.fori_loop(0, nch, zcopy, 0)

    @pl.when(s == 15)
    def _zero_tail():
        pltpu.sync_copy(msg_v.at[pl.ds(0, 16)],
                        acc_sh.at[pl.ds(NCH * NB, 16)])

    plsc.subcore_barrier()

    def idx_descs(blk, p):
        e0 = ebase + blk * NB
        return (
            pltpu.make_async_copy(
                eidx_hbm.at[pl.ds(e0, NB)], ibufs[p].at[0], isems[p]),
            pltpu.make_async_copy(
                eidx_hbm.at[pl.ds(EPAD + e0, NB)], ibufs[p].at[1], isems[p]),
        )

    def idx_start(blk, p):
        for d in idx_descs(blk, p):
            d.start()

    def idx_wait(blk, p):
        for d in idx_descs(blk, p):
            d.wait()

    def gathers(p):
        return (
            pltpu.make_async_copy(q_hbm.at[ibufs[p].at[1]], qb[p], gsems[p][0]),
            pltpu.make_async_copy(k_hbm.at[ibufs[p].at[0]], kb[p], gsems[p][1]),
            pltpu.make_async_copy(v_hbm.at[ibufs[p].at[0]], vb[p], gsems[p][2]),
        )

    def eh_copy(blk, p):
        return pltpu.make_async_copy(
            eh_hbm.at[pl.ds(ebase + blk * NB, NB)], eb[p], gsems[p][3])

    def fire_block(blk, p):
        for cp in gathers(p):
            cp.start()
        eh_copy(blk, p).start()

    def wait_block(blk, p):
        for cp in gathers(p):
            cp.wait()
        eh_copy(blk, p).wait()

    def compute(p):
        iot = lax.iota(jnp.int32, 16)

        def egbody(egh, inner):
            eg = egh // H
            h = egh % H
            rows = eg * 16 + iot
            acc = jnp.zeros((16,), jnp.float32)
            for o in range(DH):
                col = ((iot + o) & 15) + (h * DH)
                gk = plsc.load_gather(kb[p], [rows, col])
                gq = plsc.load_gather(qb[p], [rows, col])
                ge = plsc.load_gather(eb[p], [rows, col])
                acc = acc + gk * gq * ge
            score = jnp.exp(jnp.clip(acc * 0.25, -5.0, 5.0))
            zcol = jnp.broadcast_to(jnp.int32(128) + h, (16,))
            plsc.store_scatter(msg_v, [rows, zcol], score)
            for o in range(DH):
                col = ((iot + o) & 15) + (h * DH)
                gv = plsc.load_gather(vb[p], [rows, col])
                plsc.store_scatter(msg_v, [rows, col], gv * score)
            return inner

        lax.fori_loop(0, (NB // 16) * H, egbody, 0)

    pltpu.sync_copy(eidx_hbm.at[pl.ds(ebase, NB)], ibuf0.at[0])
    pltpu.sync_copy(eidx_hbm.at[pl.ds(EPAD + ebase, NB)], ibuf0.at[1])
    fire_block(0, 0)
    idx_start(1, 1)

    LAST = BPW - 1

    def scat_wait():
        pltpu.make_async_copy(msg_v, acc_sh.at[dst_sc], ssc).wait()

    def phase(b, p):
        @pl.when(b <= LAST)
        def _run():
            @pl.when(b + 1 <= LAST)
            def _next():
                idx_wait(b + 1, 1 - p)
                fire_block(b + 1, 1 - p)

            wait_block(b, p)

            @pl.when(b >= 1)
            def _wsc():
                scat_wait()

            compute(p)

            @pl.when(b == LAST)
            def _tail():
                def trow(r, carry):
                    for cc in range(ACC_W // 16):
                        msg_v[r, pl.ds(cc * 16, 16)] = zro
                    return carry
                lax.fori_loop(16, NB, trow, 0)

            dst_sc[pl.ds(0, 16)] = ibufs[p][1, pl.ds(0, 16)]
            dst_sc[pl.ds(16, 16)] = ibufs[p][1, pl.ds(16, 16)]
            pltpu.async_copy(msg_v, acc_sh.at[dst_sc], ssc, add=True)

            @pl.when(b + 2 <= LAST)
            def _pref():
                idx_start(b + 2, p)

    def step(sb, carry):
        phase(sb * 2, 0)
        phase(sb * 2 + 1, 1)
        return carry

    lax.fori_loop(0, (BPW + 1) // 2, step, 0)
    scat_wait()
    plsc.subcore_barrier()

    def ocopy(i, carry):
        r0 = (s + i * 16) * NB
        pltpu.sync_copy(acc_sh.at[pl.ds(r0, NB)], msg_v)
        pltpu.sync_copy(msg_v, out_hbm.at[c, pl.ds(r0, NB)])
        return carry

    lax.fori_loop(0, nch, ocopy, 0)

    @pl.when(s == 15)
    def _flush_tail():
        pltpu.sync_copy(acc_sh.at[pl.ds(NCH * NB, 16)], msg_v.at[pl.ds(0, 16)])
        pltpu.sync_copy(msg_v.at[pl.ds(0, 16)], out_hbm.at[c, pl.ds(NCH * NB, 16)])



def _combine_body(p_ref, o_ref):
    p0 = p_ref[0]
    p1 = p_ref[1]
    wv = p0[:, 0:DOUT] + p1[:, 0:DOUT]
    z = p0[:, DOUT:DOUT + H] + p1[:, DOUT:DOUT + H]
    lane_head = lax.broadcasted_iota(jnp.int32, (H, DOUT), 1) // DH
    row = lax.broadcasted_iota(jnp.int32, (H, DOUT), 0)
    sel = jnp.where(lane_head == row, 1.0, 0.0).astype(jnp.float32)
    zb = jnp.dot(z, sel, precision=_HP)
    o_ref[...] = wv / (zb + 1e-6)



def kernel(x, expander_edge_attr, WQ, bQ, WK, bK, WE, bE, WV, bV,
           expander_edge_index, batch):
    f32 = jnp.float32
    x = x.astype(f32)
    eidx = jnp.pad(expander_edge_index.astype(jnp.int32),
                   ((0, 0), (0, EPAD - E))).reshape(2 * EPAD)
    b3 = jnp.stack([bQ, bK, bV]).astype(f32)

    nblk = 2000
    wspec = pl.BlockSpec((DIN, DOUT), lambda i: (0, 0))
    q_tab, k_tab, v_tab = pl.pallas_call(
        _proj_nodes_body,
        grid=(N // nblk,),
        in_specs=[pl.BlockSpec((nblk, DIN), lambda i: (i, 0)),
                  wspec, wspec, wspec,
                  pl.BlockSpec((3, DOUT), lambda i: (0, 0))],
        out_specs=[pl.BlockSpec((nblk, DOUT), lambda i: (i, 0))] * 3,
        out_shape=[jax.ShapeDtypeStruct((N, DOUT), f32)] * 3,
    )(x, WQ.astype(f32), WK.astype(f32), WV.astype(f32), b3)

    eblk = 4000
    epad_rows = ((EPAD + eblk - 1) // eblk) * eblk
    attr_pad = jnp.pad(expander_edge_attr.astype(f32),
                       ((0, epad_rows - E), (0, 0)))
    eh = pl.pallas_call(
        _proj_edges_body,
        grid=(epad_rows // eblk,),
        in_specs=[pl.BlockSpec((eblk, DEDGE), lambda i: (i, 0)),
                  pl.BlockSpec((DEDGE, DOUT), lambda i: (0, 0)),
                  pl.BlockSpec((1, DOUT), lambda i: (0, 0))],
        out_specs=pl.BlockSpec((eblk, DOUT), lambda i: (i, 0)),
        out_shape=jax.ShapeDtypeStruct((epad_rows, DOUT), f32),
    )(attr_pad, WE.astype(f32), bE.astype(f32).reshape(1, DOUT))

    mesh = plsc.VectorSubcoreMesh(core_axis_name="c", subcore_axis_name="s")
    dma = pltpu.SemaphoreType.DMA
    sc_call = pl.kernel(
        _sc_edge_body,
        out_type=jax.ShapeDtypeStruct((2, N, ACC_W), f32),
        mesh=mesh,
        scratch_types=[
            pltpu.VMEM((2, NB), jnp.int32),
            pltpu.VMEM((2, NB), jnp.int32),
            pltpu.VMEM((NB, DOUT), f32),
            pltpu.VMEM((NB, DOUT), f32),
            pltpu.VMEM((NB, DOUT), f32),
            pltpu.VMEM((NB, DOUT), f32),
            pltpu.VMEM((NB, DOUT), f32),
            pltpu.VMEM((NB, DOUT), f32),
            pltpu.VMEM((NB, DOUT), f32),
            pltpu.VMEM((NB, DOUT), f32),
            pltpu.VMEM((NB, ACC_W), f32),
            pltpu.VMEM((NB,), jnp.int32),
            pltpu.VMEM_SHARED((N, ACC_W), f32),
            dma, dma, dma, dma, dma, dma, dma, dma, dma, dma, dma,
        ],
        compiler_params=pltpu.CompilerParams(use_tc_tiling_on_sc=False,
                                             needs_layout_passes=False),
    )
    partials = sc_call(q_tab, k_tab, v_tab, eh, eidx)

    cblk = 2000
    out = pl.pallas_call(
        _combine_body,
        grid=(N // cblk,),
        in_specs=[pl.BlockSpec((2, cblk, ACC_W), lambda i: (0, i, 0))],
        out_specs=pl.BlockSpec((cblk, DOUT), lambda i: (i, 0)),
        out_shape=jax.ShapeDtypeStruct((N, DOUT), f32),
    )(partials)
    return out

# --- scband reference (transcript-rebuilt; emitter-appended) ---
"""Pipeline reference for scband-exphormer-attention-10445360464127 (READ-ONLY COPY).

The authoritative reference and input builder live on the scoring server;
editing this copy changes nothing except your own understanding.
"""

import jax, jax.numpy as jnp
import numpy as np

N = 10000
E = 320000
DIN = 128
DEDGE = 16
H = 8
DH = 16
DOUT = H * DH


def setup_inputs(seed: int = 0) -> dict:
    key = jax.random.key(seed)
    ks = jax.random.split(key, 12)
    x = jax.random.normal(ks[0], (N, DIN), dtype=jnp.float32)
    expander_edge_index = jax.random.randint(ks[1], (2, E), 0, N)
    expander_edge_attr = jax.random.normal(ks[2], (E, DEDGE), dtype=jnp.float32)
    batch = jnp.zeros((N,), dtype=jnp.int32)  # single graph
    s = 0.05
    WQ = jax.random.normal(ks[3], (DIN, DOUT), dtype=jnp.float32) * s
    bQ = jnp.zeros((DOUT,), dtype=jnp.float32)
    WK = jax.random.normal(ks[4], (DIN, DOUT), dtype=jnp.float32) * s
    bK = jnp.zeros((DOUT,), dtype=jnp.float32)
    WE = jax.random.normal(ks[5], (DEDGE, DOUT), dtype=jnp.float32) * s
    bE = jnp.zeros((DOUT,), dtype=jnp.float32)
    WV = jax.random.normal(ks[6], (DIN, DOUT), dtype=jnp.float32) * s
    bV = jnp.zeros((DOUT,), dtype=jnp.float32)
    return {
        'x': x,
        'expander_edge_attr': expander_edge_attr,
        'WQ': WQ, 'bQ': bQ,
        'WK': WK, 'bK': bK,
        'WE': WE, 'bE': bE,
        'WV': WV, 'bV': bV,
        'expander_edge_index': expander_edge_index,
        'batch': batch,
    }


def reference(x, expander_edge_attr, WQ, bQ, WK, bK, WE, bE, WV, bV, expander_edge_index, batch):
    num_node = batch.shape[0]
    # linear projections (torch nn.Linear with bias)
    Q_h = (x @ WQ + bQ).reshape(num_node, H, DH)
    K_h = (x @ WK + bK).reshape(num_node, H, DH)
    V_h = (x @ WV + bV).reshape(num_node, H, DH)
    E_h = (expander_edge_attr @ WE + bE).reshape(-1, H, DH)
    src_idx = expander_edge_index[0].astype(jnp.int32)
    dst_idx = expander_edge_index[1].astype(jnp.int32)
    # propagate_attention
    src = jnp.take(K_h, src_idx, axis=0)
    dest = jnp.take(Q_h, dst_idx, axis=0)
    score = src * dest
    score = score / np.sqrt(DH)
    score = score * E_h
    score = jnp.exp(jnp.clip(jnp.sum(score, axis=-1, keepdims=True), -5.0, 5.0))
    v_src = jnp.take(V_h, src_idx, axis=0)
    msg = v_src * score
    wV = jax.ops.segment_sum(msg, dst_idx, num_segments=num_node)
    Z = jax.ops.segment_sum(score, dst_idx, num_segments=num_node)
    h_out = wV / (Z + 1e-6)
    return h_out.reshape(num_node, DOUT)

if __name__ == "__main__":
    import jax
    _d = setup_inputs()
    print(jax.jit(kernel)(*tuple(_d.values())))

</pallas_src>

<mosaic_0001>
#map = affine_map<(d0, d1) -> (0, 0)>
#map1 = affine_map<(d0, d1) -> (0)>
#map2 = affine_map<(d0, d1) -> (0, 0, 0)>
module attributes {stable_mosaic.version = 14 : i64} {
  func.func @_sc_edge_body(%arg0: i32, %arg1: i32, %arg2: memref<10000x128xf32, #tpu.memory_space<hbm>>, %arg3: memref<10000x128xf32, #tpu.memory_space<hbm>>, %arg4: memref<10000x128xf32, #tpu.memory_space<hbm>>, %arg5: memref<324000x128xf32, #tpu.memory_space<hbm>>, %arg6: memref<640128xi32, #tpu.memory_space<hbm>>, %arg7: memref<2x10000x144xf32, #tpu.memory_space<hbm>>, %arg8: memref<2x32xi32, #tpu.memory_space<vmem>>, %arg9: memref<2x32xi32, #tpu.memory_space<vmem>>, %arg10: memref<32x128xf32, #tpu.memory_space<vmem>>, %arg11: memref<32x128xf32, #tpu.memory_space<vmem>>, %arg12: memref<32x128xf32, #tpu.memory_space<vmem>>, %arg13: memref<32x128xf32, #tpu.memory_space<vmem>>, %arg14: memref<32x128xf32, #tpu.memory_space<vmem>>, %arg15: memref<32x128xf32, #tpu.memory_space<vmem>>, %arg16: memref<32x128xf32, #tpu.memory_space<vmem>>, %arg17: memref<32x128xf32, #tpu.memory_space<vmem>>, %arg18: memref<32x144xf32, #tpu.memory_space<vmem>>, %arg19: memref<32xi32, #tpu.memory_space<vmem>>, %arg20: memref<10000x144xf32, #tpu.memory_space<vmem_shared>>, %arg21: memref<!tpu.dma_semaphore, #tpu.memory_space<semaphore_mem>>, %arg22: memref<!tpu.dma_semaphore, #tpu.memory_space<semaphore_mem>>, %arg23: memref<!tpu.dma_semaphore, #tpu.memory_space<semaphore_mem>>, %arg24: memref<!tpu.dma_semaphore, #tpu.memory_space<semaphore_mem>>, %arg25: memref<!tpu.dma_semaphore, #tpu.memory_space<semaphore_mem>>, %arg26: memref<!tpu.dma_semaphore, #tpu.memory_space<semaphore_mem>>, %arg27: memref<!tpu.dma_semaphore, #tpu.memory_space<semaphore_mem>>, %arg28: memref<!tpu.dma_semaphore, #tpu.memory_space<semaphore_mem>>, %arg29: memref<!tpu.dma_semaphore, #tpu.memory_space<semaphore_mem>>, %arg30: memref<!tpu.dma_semaphore, #tpu.memory_space<semaphore_mem>>, %arg31: memref<!tpu.dma_semaphore, #tpu.memory_space<semaphore_mem>>) attributes {dimension_semantics = [#tpu.dimension_semantics<core_parallel>, #tpu.dimension_semantics<subcore_parallel>], iteration_bounds = array<i64: 2, 16>, scalar_prefetch = 0 : i64, scratch_operands = 24 : i64, tpu.core_type = #tpu.core_type<sc_vector_subcore>, window_params = [{transform_indices = #map}, {transform_indices = #map}, {transform_indices = #map}, {transform_indices = #map}, {transform_indices = #map1}, {transform_indices = #map2}]} {
    %mul3A = arith.constant 2 : i32
    %mul3A_0 = arith.muli %arg1, %mul3A : i32
    %add3A = arith.addi %mul3A_0, %arg0 : i32
    %mul3A_1 = arith.constant 10000 : i32
    %mul3A_2 = arith.muli %add3A, %mul3A_1 : i32
    %broadcast_in_dim3A = arith.constant 0.000000e+00 : f32
    %broadcast_in_dim3A_3 = vector.broadcast %broadcast_in_dim3A : f32 to vector<16xf32>
    %scan3A = arith.constant 0 : i32
    %scan3A_4 = arith.constant 0 : i32
    %scan3A_5 = arith.constant 32 : i32
    %scan3A_6 = arith.addi %scan3A_4, %scan3A_5 : i32
    %scan3A_7 = arith.constant 1 : i32
    scf.for %scan3A_97 = %scan3A_4 to %scan3A_6 step %scan3A_7  : i32 {
      %swap3A = arith.index_cast %scan3A_97 : i32 to index
      %swap3A_98 = arith.constant 0 : index
      %swap3A_99 = tpu.vector_load %arg18[%swap3A, %swap3A_98] {strides = array<i32>} : memref<32x144xf32, #tpu.memory_space<vmem>>, vector<16xf32>,
      tpu.vector_store %arg18[%swap3A, %swap3A_98], %broadcast_in_dim3A_3 {strides = array<i32>} : memref<32x144xf32, #tpu.memory_space<vmem>>, vector<16xf32>,
      %swap3A_100 = arith.index_cast %scan3A_97 : i32 to index
      %swap3A_101 = arith.constant 16 : index
      %swap3A_102 = tpu.vector_load %arg18[%swap3A_100, %swap3A_101] {strides = array<i32>} : memref<32x144xf32, #tpu.memory_space<vmem>>, vector<16xf32>,
      tpu.vector_store %arg18[%swap3A_100, %swap3A_101], %broadcast_in_dim3A_3 {strides = array<i32>} : memref<32x144xf32, #tpu.memory_space<vmem>>, vector<16xf32>,
      %swap3A_103 = arith.index_cast %scan3A_97 : i32 to index
      %swap3A_104 = arith.constant 32 : index
      %swap3A_105 = tpu.vector_load %arg18[%swap3A_103, %swap3A_104] {strides = array<i32>} : memref<32x144xf32, #tpu.memory_space<vmem>>, vector<16xf32>,
      tpu.vector_store %arg18[%swap3A_103, %swap3A_104], %broadcast_in_dim3A_3 {strides = array<i32>} : memref<32x144xf32, #tpu.memory_space<vmem>>, vector<16xf32>,
      %swap3A_106 = arith.index_cast %scan3A_97 : i32 to index
      %swap3A_107 = arith.constant 48 : index
      %swap3A_108 = tpu.vector_load %arg18[%swap3A_106, %swap3A_107] {strides = array<i32>} : memref<32x144xf32, #tpu.memory_space<vmem>>, vector<16xf32>,
      tpu.vector_store %arg18[%swap3A_106, %swap3A_107], %broadcast_in_dim3A_3 {strides = array<i32>} : memref<32x144xf32, #tpu.memory_space<vmem>>, vector<16xf32>,
      %swap3A_109 = arith.index_cast %scan3A_97 : i32 to index
      %swap3A_110 = arith.constant 64 : index
      %swap3A_111 = tpu.vector_load %arg18[%swap3A_109, %swap3A_110] {strides = array<i32>} : memref<32x144xf32, #tpu.memory_space<vmem>>, vector<16xf32>,
      tpu.vector_store %arg18[%swap3A_109, %swap3A_110], %broadcast_in_dim3A_3 {strides = array<i32>} : memref<32x144xf32, #tpu.memory_space<vmem>>, vector<16xf32>,
      %swap3A_112 = arith.index_cast %scan3A_97 : i32 to index
      %swap3A_113 = arith.constant 80 : index
      %swap3A_114 = tpu.vector_load %arg18[%swap3A_112, %swap3A_113] {strides = array<i32>} : memref<32x144xf32, #tpu.memory_space<vmem>>, vector<16xf32>,
      tpu.vector_store %arg18[%swap3A_112, %swap3A_113], %broadcast_in_dim3A_3 {strides = array<i32>} : memref<32x144xf32, #tpu.memory_space<vmem>>, vector<16xf32>,
      %swap3A_115 = arith.index_cast %scan3A_97 : i32 to index
      %swap3A_116 = arith.constant 96 : index
      %swap3A_117 = tpu.vector_load %arg18[%swap3A_115, %swap3A_116] {strides = array<i32>} : memref<32x144xf32, #tpu.memory_space<vmem>>, vector<16xf32>,
      tpu.vector_store %arg18[%swap3A_115, %swap3A_116], %broadcast_in_dim3A_3 {strides = array<i32>} : memref<32x144xf32, #tpu.memory_space<vmem>>, vector<16xf32>,
      %swap3A_118 = arith.index_cast %scan3A_97 : i32 to index
      %swap3A_119 = arith.constant 112 : index
      %swap3A_120 = tpu.vector_load %arg18[%swap3A_118, %swap3A_119] {strides = array<i32>} : memref<32x144xf32, #tpu.memory_space<vmem>>, vector<16xf32>,
      tpu.vector_store %arg18[%swap3A_118, %swap3A_119], %broadcast_in_dim3A_3 {strides = array<i32>} : memref<32x144xf32, #tpu.memory_space<vmem>>, vector<16xf32>,
      %swap3A_121 = arith.index_cast %scan3A_97 : i32 to index
      %swap3A_122 = arith.constant 128 : index
      %swap3A_123 = tpu.vector_load %arg18[%swap3A_121, %swap3A_122] {strides = array<i32>} : memref<32x144xf32, #tpu.memory_space<vmem>>, vector<16xf32>,
      tpu.vector_store %arg18[%swap3A_121, %swap3A_122], %broadcast_in_dim3A_3 {strides = array<i32>} : memref<32x144xf32, #tpu.memory_space<vmem>>, vector<16xf32>,
    }
    %scan3A_8 = arith.constant 32 : i32
    %lt3A = arith.constant 8 : i32
    %lt3A_9 = arith.cmpi slt, %arg1, %lt3A : i32
    %jit3A = arith.constant 20 : i32
    %jit3A_10 = arith.constant 19 : i32
    %select_n3A = arith.select %lt3A_9, %jit3A, %jit3A_10 : i32
    %while3A = arith.constant 0 : i32
    %while3A_11 = arith.constant 0 : i32
    %while3A_12 = arith.subi %select_n3A, %while3A_11 : i32
    %while3A_13 = arith.addi %while3A_11, %while3A_12 : i32
    %while3A_14 = arith.constant 1 : i32
    %while3A_15 = arith.divsi %while3A_12, %while3A_14 : i32
    %while3A_16 = arith.muli %while3A_15, %while3A_14 : i32
    %while3A_17 = arith.addi %while3A_11, %while3A_16 : i32
    %while3A_18 = arith.constant 1 : i32
    scf.for %while3A_97 = %while3A_11 to %while3A_17 step %while3A_18  : i32 {
      %mul3A_98 = arith.constant 16 : i32
      %mul3A_99 = arith.muli %while3A_97, %mul3A_98 : i32
      %add3A_100 = arith.addi %arg1, %mul3A_99 : i32
      %mul3A_101 = arith.constant 32 : i32
      %mul3A_102 = arith.muli %add3A_100, %mul3A_101 : i32
      "tpu.region"() ({
        %run_scoped3A_103 = tpu.sem_alloc : memref<!tpu.dma_semaphore, #tpu.memory_space<semaphore_mem>>
        %dma_start3A_104 = arith.constant 0 : i32
        %dma_start3A_105 = tpu.memref_slice %arg20[%mul3A_102, %dma_start3A_104] : memref<10000x144xf32, #tpu.memory_space<vmem_shared>> -> memref<32x144xf32, #tpu.memory_space<vmem_shared>>
        %dma_start3A_106 = arith.constant 0 : i32
        %dma_start3A_107 = tpu.memref_slice %arg20[%mul3A_102, %dma_start3A_106] : memref<10000x144xf32, #tpu.memory_space<vmem_shared>> -> memref<32x144xf32, #tpu.memory_space<vmem_shared>>
        tpu.enqueue_dma source(%arg18 : memref<32x144xf32, #tpu.memory_space<vmem>>) target(%dma_start3A_107 : memref<32x144xf32, #tpu.memory_space<vmem_shared>>) target_semaphore(%run_scoped3A_103 : memref<!tpu.dma_semaphore, #tpu.memory_space<semaphore_mem>>)
        %dma_wait3A_108 = arith.constant 0 : i32
        %dma_wait3A_109 = tpu.memref_slice %arg20[%mul3A_102, %dma_wait3A_108] : memref<10000x144xf32, #tpu.memory_space<vmem_shared>> -> memref<32x144xf32, #tpu.memory_space<vmem_shared>>
        %dma_wait3A_110 = arith.constant 0 : i32
        %dma_wait3A_111 = tpu.memref_slice %arg20[%mul3A_102, %dma_wait3A_110] : memref<10000x144xf32, #tpu.memory_space<vmem_shared>> -> memref<32x144xf32, #tpu.memory_space<vmem_shared>>
        tpu.wait_dma2 semaphore(%run_scoped3A_103 : memref<!tpu.dma_semaphore, #tpu.memory_space<semaphore_mem>>) src(%arg18 : memref<32x144xf32, #tpu.memory_space<vmem>>) dst(%dma_wait3A_111 : memref<32x144xf32, #tpu.memory_space<vmem_shared>>)
        tpu.yield
      }) : () -> ()
    }
    %while3A_19 = arith.constant 1 : i32
    scf.for %while3A_97 = %while3A_17 to %while3A_13 step %while3A_19  : i32 {
      %mul3A_98 = arith.constant 16 : i32
      %mul3A_99 = arith.muli %while3A_97, %mul3A_98 : i32
      %add3A_100 = arith.addi %arg1, %mul3A_99 : i32
      %mul3A_101 = arith.constant 32 : i32
      %mul3A_102 = arith.muli %add3A_100, %mul3A_101 : i32
      "tpu.region"() ({
        %run_scoped3A_103 = tpu.sem_alloc : memref<!tpu.dma_semaphore, #tpu.memory_space<semaphore_mem>>
        %dma_start3A_104 = arith.constant 0 : i32
        %dma_start3A_105 = tpu.memref_slice %arg20[%mul3A_102, %dma_start3A_104] : memref<10000x144xf32, #tpu.memory_space<vmem_shared>> -> memref<32x144xf32, #tpu.memory_space<vmem_shared>>
        %dma_start3A_106 = arith.constant 0 : i32
        %dma_start3A_107 = tpu.memref_slice %arg20[%mul3A_102, %dma_start3A_106] : memref<10000x144xf32, #tpu.memory_space<vmem_shared>> -> memref<32x144xf32, #tpu.memory_space<vmem_shared>>
        tpu.enqueue_dma source(%arg18 : memref<32x144xf32, #tpu.memory_space<vmem>>) target(%dma_start3A_107 : memref<32x144xf32, #tpu.memory_space<vmem_shared>>) target_semaphore(%run_scoped3A_103 : memref<!tpu.dma_semaphore, #tpu.memory_space<semaphore_mem>>)
        %dma_wait3A_108 = arith.constant 0 : i32
        %dma_wait3A_109 = tpu.memref_slice %arg20[%mul3A_102, %dma_wait3A_108] : memref<10000x144xf32, #tpu.memory_space<vmem_shared>> -> memref<32x144xf32, #tpu.memory_space<vmem_shared>>
        %dma_wait3A_110 = arith.constant 0 : i32
        %dma_wait3A_111 = tpu.memref_slice %arg20[%mul3A_102, %dma_wait3A_110] : memref<10000x144xf32, #tpu.memory_space<vmem_shared>> -> memref<32x144xf32, #tpu.memory_space<vmem_shared>>
        tpu.wait_dma2 semaphore(%run_scoped3A_103 : memref<!tpu.dma_semaphore, #tpu.memory_space<semaphore_mem>>) src(%arg18 : memref<32x144xf32, #tpu.memory_space<vmem>>) dst(%dma_wait3A_111 : memref<32x144xf32, #tpu.memory_space<vmem_shared>>)
        tpu.yield
      }) : () -> ()
    }
    %eq3A = arith.constant 15 : i32
    %eq3A_20 = arith.cmpi eq, %arg1, %eq3A : i32
    %convert_element_type3A = arith.extui %eq3A_20 : i1 to i32
    %cond3A = arith.constant 0 : i32
    %cond3A_21 = arith.cmpi ne, %convert_element_type3A, %cond3A : i32
    scf.if %cond3A_21 {
      "tpu.region"() ({
        %run_scoped3A_97 = tpu.sem_alloc : memref<!tpu.dma_semaphore, #tpu.memory_space<semaphore_mem>>
        %dma_start3A_98 = arith.constant 0 : i32
        %dma_start3A_99 = arith.constant 0 : i32
        %dma_start3A_100 = tpu.memref_slice %arg18[%dma_start3A_98, %dma_start3A_99] : memref<32x144xf32, #tpu.memory_space<vmem>> -> memref<16x144xf32, #tpu.memory_space<vmem>>
        %dma_start3A_101 = arith.constant 9984 : i32
        %dma_start3A_102 = arith.constant 0 : i32
        %dma_start3A_103 = tpu.memref_slice %arg20[%dma_start3A_101, %dma_start3A_102] : memref<10000x144xf32, #tpu.memory_space<vmem_shared>> -> memref<16x144xf32, #tpu.memory_space<vmem_shared>>
        %dma_start3A_104 = arith.constant 9984 : i32
        %dma_start3A_105 = arith.constant 0 : i32
        %dma_start3A_106 = tpu.memref_slice %arg20[%dma_start3A_104, %dma_start3A_105] : memref<10000x144xf32, #tpu.memory_space<vmem_shared>> -> memref<16x144xf32, #tpu.memory_space<vmem_shared>>
        %dma_start3A_107 = arith.constant 0 : i32
        %dma_start3A_108 = arith.constant 0 : i32
        %dma_start3A_109 = tpu.memref_slice %arg18[%dma_start3A_107, %dma_start3A_108] : memref<32x144xf32, #tpu.memory_space<vmem>> -> memref<16x144xf32, #tpu.memory_space<vmem>>
        tpu.enqueue_dma source(%dma_start3A_109 : memref<16x144xf32, #tpu.memory_space<vmem>>) target(%dma_start3A_106 : memref<16x144xf32, #tpu.memory_space<vmem_shared>>) target_semaphore(%run_scoped3A_97 : memref<!tpu.dma_semaphore, #tpu.memory_space<semaphore_mem>>)
        %dma_wait3A_110 = arith.constant 0 : i32
        %dma_wait3A_111 = arith.constant 0 : i32
        %dma_wait3A_112 = tpu.memref_slice %arg18[%dma_wait3A_110, %dma_wait3A_111] : memref<32x144xf32, #tpu.memory_space<vmem>> -> memref<16x144xf32, #tpu.memory_space<vmem>>
        %dma_wait3A_113 = arith.constant 9984 : i32
        %dma_wait3A_114 = arith.constant 0 : i32
        %dma_wait3A_115 = tpu.memref_slice %arg20[%dma_wait3A_113, %dma_wait3A_114] : memref<10000x144xf32, #tpu.memory_space<vmem_shared>> -> memref<16x144xf32, #tpu.memory_space<vmem_shared>>
        %dma_wait3A_116 = arith.constant 9984 : i32
        %dma_wait3A_117 = arith.constant 0 : i32
        %dma_wait3A_118 = tpu.memref_slice %arg20[%dma_wait3A_116, %dma_wait3A_117] : memref<10000x144xf32, #tpu.memory_space<vmem_shared>> -> memref<16x144xf32, #tpu.memory_space<vmem_shared>>
        %dma_wait3A_119 = arith.constant 0 : i32
        %dma_wait3A_120 = arith.constant 0 : i32
        %dma_wait3A_121 = tpu.memref_slice %arg18[%dma_wait3A_119, %dma_wait3A_120] : memref<32x144xf32, #tpu.memory_space<vmem>> -> memref<16x144xf32, #tpu.memory_space<vmem>>
        tpu.wait_dma2 semaphore(%run_scoped3A_97 : memref<!tpu.dma_semaphore, #tpu.memory_space<semaphore_mem>>) src(%dma_wait3A_121 : memref<16x144xf32, #tpu.memory_space<vmem>>) dst(%dma_wait3A_118 : memref<16x144xf32, #tpu.memory_space<vmem_shared>>)
        tpu.yield
      }) : () -> ()
    } else {
    }
    %barrier3A = arith.constant 0 : index
    tpu.barrier barrier_id(%barrier3A)
    %run_scoped3A = arith.constant 0 : i32
    "tpu.region"() ({
      %run_scoped3A_97 = tpu.sem_alloc : memref<!tpu.dma_semaphore, #tpu.memory_space<semaphore_mem>>
      %dma_start3A_98 = arith.constant 0 : i32
      %dma_start3A_99 = tpu.memref_slice %arg8[%run_scoped3A, %dma_start3A_98] : memref<2x32xi32, #tpu.memory_space<vmem>> -> memref<1x32xi32, #tpu.memory_space<vmem>>
      %dma_start3A_100 = tpu.memref_squeeze %dma_start3A_99 : memref<1x32xi32, #tpu.memory_space<vmem>> -> memref<32xi32, #tpu.memory_space<vmem>>
      %dma_start3A_101 = tpu.memref_slice %arg6[%mul3A_2] : memref<640128xi32, #tpu.memory_space<hbm>> -> memref<32xi32, #tpu.memory_space<hbm>>
      %dma_start3A_102 = arith.constant 0 : i32
      %dma_start3A_103 = tpu.memref_slice %arg8[%run_scoped3A, %dma_start3A_102] : memref<2x32xi32, #tpu.memory_space<vmem>> -> memref<1x32xi32, #tpu.memory_space<vmem>>
      %dma_start3A_104 = tpu.memref_squeeze %dma_start3A_103 : memref<1x32xi32, #tpu.memory_space<vmem>> -> memref<32xi32, #tpu.memory_space<vmem>>
      %dma_start3A_105 = tpu.memref_slice %arg6[%mul3A_2] : memref<640128xi32, #tpu.memory_space<hbm>> -> memref<32xi32, #tpu.memory_space<hbm>>
      tpu.enqueue_dma source(%dma_start3A_105 : memref<32xi32, #tpu.memory_space<hbm>>) target(%dma_start3A_104 : memref<32xi32, #tpu.memory_space<vmem>>) target_semaphore(%run_scoped3A_97 : memref<!tpu.dma_semaphore, #tpu.memory_space<semaphore_mem>>)
      %dma_wait3A_106 = arith.constant 0 : i32
      %dma_wait3A_107 = tpu.memref_slice %arg8[%run_scoped3A, %dma_wait3A_106] : memref<2x32xi32, #tpu.memory_space<vmem>> -> memref<1x32xi32, #tpu.memory_space<vmem>>
      %dma_wait3A_108 = tpu.memref_squeeze %dma_wait3A_107 : memref<1x32xi32, #tpu.memory_space<vmem>> -> memref<32xi32, #tpu.memory_space<vmem>>
      %dma_wait3A_109 = tpu.memref_slice %arg6[%mul3A_2] : memref<640128xi32, #tpu.memory_space<hbm>> -> memref<32xi32, #tpu.memory_space<hbm>>
      %dma_wait3A_110 = arith.constant 0 : i32
      %dma_wait3A_111 = tpu.memref_slice %arg8[%run_scoped3A, %dma_wait3A_110] : memref<2x32xi32, #tpu.memory_space<vmem>> -> memref<1x32xi32, #tpu.memory_space<vmem>>
      %dma_wait3A_112 = tpu.memref_squeeze %dma_wait3A_111 : memref<1x32xi32, #tpu.memory_space<vmem>> -> memref<32xi32, #tpu.memory_space<vmem>>
      %dma_wait3A_113 = tpu.memref_slice %arg6[%mul3A_2] : memref<640128xi32, #tpu.memory_space<hbm>> -> memref<32xi32, #tpu.memory_space<hbm>>
      tpu.wait_dma2 semaphore(%run_scoped3A_97 : memref<!tpu.dma_semaphore, #tpu.memory_space<semaphore_mem>>) src(%dma_wait3A_113 : memref<32xi32, #tpu.memory_space<hbm>>) dst(%dma_wait3A_112 : memref<32xi32, #tpu.memory_space<vmem>>)
      tpu.yield
    }) : () -> ()
    %add3A_22 = arith.constant 320064 : i32
    %add3A_23 = arith.addi %add3A_22, %mul3A_2 : i32
    %run_scoped3A_24 = arith.constant 1 : i32
    "tpu.region"() ({
      %run_scoped3A_97 = tpu.sem_alloc : memref<!tpu.dma_semaphore, #tpu.memory_space<semaphore_mem>>
      %dma_start3A_98 = arith.constant 0 : i32
      %dma_start3A_99 = tpu.memref_slice %arg8[%run_scoped3A_24, %dma_start3A_98] : memref<2x32xi32, #tpu.memory_space<vmem>> -> memref<1x32xi32, #tpu.memory_space<vmem>>
      %dma_start3A_100 = tpu.memref_squeeze %dma_start3A_99 : memref<1x32xi32, #tpu.memory_space<vmem>> -> memref<32xi32, #tpu.memory_space<vmem>>
      %dma_start3A_101 = tpu.memref_slice %arg6[%add3A_23] : memref<640128xi32, #tpu.memory_space<hbm>> -> memref<32xi32, #tpu.memory_space<hbm>>
      %dma_start3A_102 = arith.constant 0 : i32
      %dma_start3A_103 = tpu.memref_slice %arg8[%run_scoped3A_24, %dma_start3A_102] : memref<2x32xi32, #tpu.memory_space<vmem>> -> memref<1x32xi32, #tpu.memory_space<vmem>>
      %dma_start3A_104 = tpu.memref_squeeze %dma_start3A_103 : memref<1x32xi32, #tpu.memory_space<vmem>> -> memref<32xi32, #tpu.memory_space<vmem>>
      %dma_start3A_105 = tpu.memref_slice %arg6[%add3A_23] : memref<640128xi32, #tpu.memory_space<hbm>> -> memref<32xi32, #tpu.memory_space<hbm>>
      tpu.enqueue_dma source(%dma_start3A_105 : memref<32xi32, #tpu.memory_space<hbm>>) target(%dma_start3A_104 : memref<32xi32, #tpu.memory_space<vmem>>) target_semaphore(%run_scoped3A_97 : memref<!tpu.dma_semaphore, #tpu.memory_space<semaphore_mem>>)
      %dma_wait3A_106 = arith.constant 0 : i32
      %dma_wait3A_107 = tpu.memref_slice %arg8[%run_scoped3A_24, %dma_wait3A_106] : memref<2x32xi32, #tpu.memory_space<vmem>> -> memref<1x32xi32, #tpu.memory_space<vmem>>
      %dma_wait3A_108 = tpu.memref_squeeze %dma_wait3A_107 : memref<1x32xi32, #tpu.memory_space<vmem>> -> memref<32xi32, #tpu.memory_space<vmem>>
      %dma_wait3A_109 = tpu.memref_slice %arg6[%add3A_23] : memref<640128xi32, #tpu.memory_space<hbm>> -> memref<32xi32, #tpu.memory_space<hbm>>
      %dma_wait3A_110 = arith.constant 0 : i32
      %dma_wait3A_111 = tpu.memref_slice %arg8[%run_scoped3A_24, %dma_wait3A_110] : memref<2x32xi32, #tpu.memory_space<vmem>> -> memref<1x32xi32, #tpu.memory_space<vmem>>
      %dma_wait3A_112 = tpu.memref_squeeze %dma_wait3A_111 : memref<1x32xi32, #tpu.memory_space<vmem>> -> memref<32xi32, #tpu.memory_space<vmem>>
      %dma_wait3A_113 = tpu.memref_slice %arg6[%add3A_23] : memref<640128xi32, #tpu.memory_space<hbm>> -> memref<32xi32, #tpu.memory_space<hbm>>
      tpu.wait_dma2 semaphore(%run_scoped3A_97 : memref<!tpu.dma_semaphore, #tpu.memory_space<semaphore_mem>>) src(%dma_wait3A_113 : memref<32xi32, #tpu.memory_space<hbm>>) dst(%dma_wait3A_112 : memref<32xi32, #tpu.memory_space<vmem>>)
      tpu.yield
    }) : () -> ()
    %dma_start3A = arith.constant 1 : i32
    %dma_start3A_25 = arith.constant 0 : i32
    %dma_start3A_26 = tpu.memref_slice %arg8[%dma_start3A, %dma_start3A_25] : memref<2x32xi32, #tpu.memory_space<vmem>> -> memref<1x32xi32, #tpu.memory_space<vmem>>
    %dma_start3A_27 = tpu.memref_squeeze %dma_start3A_26 : memref<1x32xi32, #tpu.memory_space<vmem>> -> memref<32xi32, #tpu.memory_space<vmem>>
    %dma_start3A_28 = arith.constant 0 : i32
    %dma_start3A_29 = arith.constant 0 : i32
    %dma_start3A_30 = tpu.memref_slice %arg2[%dma_start3A_28, %dma_start3A_29] : memref<10000x128xf32, #tpu.memory_space<hbm>> -> memref<10000x128xf32, #tpu.memory_space<hbm>>
    tpu.enqueue_indirect_dma source(%dma_start3A_30 : memref<10000x128xf32, #tpu.memory_space<hbm>>) target(%arg10 : memref<32x128xf32, #tpu.memory_space<vmem>>) offsets(%dma_start3A_27 : memref<32xi32, #tpu.memory_space<vmem>>) semaphore(%arg21 : memref<!tpu.dma_semaphore, #tpu.memory_space<semaphore_mem>>)
    %dma_start3A_31 = arith.constant 0 : i32
    %dma_start3A_32 = arith.constant 0 : i32
    %dma_start3A_33 = tpu.memref_slice %arg8[%dma_start3A_31, %dma_start3A_32] : memref<2x32xi32, #tpu.memory_space<vmem>> -> memref<1x32xi32, #tpu.memory_space<vmem>>
    %dma_start3A_34 = tpu.memref_squeeze %dma_start3A_33 : memref<1x32xi32, #tpu.memory_space<vmem>> -> memref<32xi32, #tpu.memory_space<vmem>>
    %dma_start3A_35 = arith.constant 0 : i32
    %dma_start3A_36 = arith.constant 0 : i32
    %dma_start3A_37 = tpu.memref_slice %arg3[%dma_start3A_35, %dma_start3A_36] : memref<10000x128xf32, #tpu.memory_space<hbm>> -> memref<10000x128xf32, #tpu.memory_space<hbm>>
    tpu.enqueue_indirect_dma source(%dma_start3A_37 : memref<10000x128xf32, #tpu.memory_space<hbm>>) target(%arg11 : memref<32x128xf32, #tpu.memory_space<vmem>>) offsets(%dma_start3A_34 : memref<32xi32, #tpu.memory_space<vmem>>) semaphore(%arg22 : memref<!tpu.dma_semaphore, #tpu.memory_space<semaphore_mem>>)
    %dma_start3A_38 = arith.constant 0 : i32
    %dma_start3A_39 = arith.constant 0 : i32
    %dma_start3A_40 = tpu.memref_slice %arg8[%dma_start3A_38, %dma_start3A_39] : memref<2x32xi32, #tpu.memory_space<vmem>> -> memref<1x32xi32, #tpu.memory_space<vmem>>
    %dma_start3A_41 = tpu.memref_squeeze %dma_start3A_40 : memref<1x32xi32, #tpu.memory_space<vmem>> -> memref<32xi32, #tpu.memory_space<vmem>>
    %dma_start3A_42 = arith.constant 0 : i32
    %dma_start3A_43 = arith.constant 0 : i32
    %dma_start3A_44 = tpu.memref_slice %arg4[%dma_start3A_42, %dma_start3A_43] : memref<10000x128xf32, #tpu.memory_space<hbm>> -> memref<10000x128xf32, #tpu.memory_space<hbm>>
    tpu.enqueue_indirect_dma source(%dma_start3A_44 : memref<10000x128xf32, #tpu.memory_space<hbm>>) target(%arg12 : memref<32x128xf32, #tpu.memory_space<vmem>>) offsets(%dma_start3A_41 : memref<32xi32, #tpu.memory_space<vmem>>) semaphore(%arg23 : memref<!tpu.dma_semaphore, #tpu.memory_space<semaphore_mem>>)
    %add3A_45 = arith.constant 0 : i32
    %add3A_46 = arith.addi %mul3A_2, %add3A_45 : i32
    %dma_start3A_47 = arith.constant 0 : i32
    %dma_start3A_48 = tpu.memref_slice %arg5[%add3A_46, %dma_start3A_47] : memref<324000x128xf32, #tpu.memory_space<hbm>> -> memref<32x128xf32, #tpu.memory_space<hbm>>
    %dma_start3A_49 = arith.constant 0 : i32
    %dma_start3A_50 = tpu.memref_slice %arg5[%add3A_46, %dma_start3A_49] : memref<324000x128xf32, #tpu.memory_space<hbm>> -> memref<32x128xf32, #tpu.memory_space<hbm>>
    tpu.enqueue_dma source(%dma_start3A_50 : memref<32x128xf32, #tpu.memory_space<hbm>>) target(%arg13 : memref<32x128xf32, #tpu.memory_space<vmem>>) target_semaphore(%arg24 : memref<!tpu.dma_semaphore, #tpu.memory_space<semaphore_mem>>)
    %add3A_51 = arith.constant 32 : i32
    %add3A_52 = arith.addi %mul3A_2, %add3A_51 : i32
    %add3A_53 = arith.constant 320064 : i32
    %add3A_54 = arith.addi %add3A_53, %add3A_52 : i32
    %dma_start3A_55 = arith.constant 0 : i32
    %dma_start3A_56 = arith.constant 0 : i32
    %dma_start3A_57 = tpu.memref_slice %arg9[%dma_start3A_55, %dma_start3A_56] : memref<2x32xi32, #tpu.memory_space<vmem>> -> memref<1x32xi32, #tpu.memory_space<vmem>>
    %dma_start3A_58 = tpu.memref_squeeze %dma_start3A_57 : memref<1x32xi32, #tpu.memory_space<vmem>> -> memref<32xi32, #tpu.memory_space<vmem>>
    %dma_start3A_59 = tpu.memref_slice %arg6[%add3A_52] : memref<640128xi32, #tpu.memory_space<hbm>> -> memref<32xi32, #tpu.memory_space<hbm>>
    %dma_start3A_60 = arith.constant 0 : i32
    %dma_start3A_61 = tpu.memref_slice %arg9[%dma_start3A_55, %dma_start3A_60] : memref<2x32xi32, #tpu.memory_space<vmem>> -> memref<1x32xi32, #tpu.memory_space<vmem>>
    %dma_start3A_62 = tpu.memref_squeeze %dma_start3A_61 : memref<1x32xi32, #tpu.memory_space<vmem>> -> memref<32xi32, #tpu.memory_space<vmem>>
    %dma_start3A_63 = tpu.memref_slice %arg6[%add3A_52] : memref<640128xi32, #tpu.memory_space<hbm>> -> memref<32xi32, #tpu.memory_space<hbm>>
    tpu.enqueue_dma source(%dma_start3A_63 : memref<32xi32, #tpu.memory_space<hbm>>) target(%dma_start3A_62 : memref<32xi32, #tpu.memory_space<vmem>>) target_semaphore(%arg30 : memref<!tpu.dma_semaphore, #tpu.memory_space<semaphore_mem>>)
    %dma_start3A_64 = arith.constant 1 : i32
    %dma_start3A_65 = arith.constant 0 : i32
    %dma_start3A_66 = tpu.memref_slice %arg9[%dma_start3A_64, %dma_start3A_65] : memref<2x32xi32, #tpu.memory_space<vmem>> -> memref<1x32xi32, #tpu.memory_space<vmem>>
    %dma_start3A_67 = tpu.memref_squeeze %dma_start3A_66 : memref<1x32xi32, #tpu.memory_space<vmem>> -> memref<32xi32, #tpu.memory_space<vmem>>
    %dma_start3A_68 = tpu.memref_slice %arg6[%add3A_54] : memref<640128xi32, #tpu.memory_space<hbm>> -> memref<32xi32, #tpu.memory_space<hbm>>
    %dma_start3A_69 = arith.constant 0 : i32
    %dma_start3A_70 = tpu.memref_slice %arg9[%dma_start3A_64, %dma_start3A_69] : memref<2x32xi32, #tpu.memory_space<vmem>> -> memref<1x32xi32, #tpu.memory_space<vmem>>
    %dma_start3A_71 = tpu.memref_squeeze %dma_start3A_70 : memref<1x32xi32, #tpu.memory_space<vmem>> -> memref<32xi32, #tpu.memory_space<vmem>>
    %dma_start3A_72 = tpu.memref_slice %arg6[%add3A_54] : memref<640128xi32, #tpu.memory_space<hbm>> -> memref<32xi32, #tpu.memory_space<hbm>>
    tpu.enqueue_dma source(%dma_start3A_72 : memref<32xi32, #tpu.memory_space<hbm>>) target(%dma_start3A_71 : memref<32xi32, #tpu.memory_space<vmem>>) target_semaphore(%arg30 : memref<!tpu.dma_semaphore, #tpu.memory_space<semaphore_mem>>)
    %scan3A_73 = arith.constant 0 : i32
    %scan3A_74 = arith.constant 0 : i32
    %scan3A_75 = arith.constant 157 : i32
    %scan3A_76 = arith.addi %scan3A_74, %scan3A_75 : i32
    %scan3A_77 = arith.constant 1 : i32
    scf.for %scan3A_97 = %scan3A_74 to %scan3A_76 step %scan3A_77  : i32 {
      %mul3A_98 = arith.constant 2 : i32
      %mul3A_99 = arith.muli %scan3A_97, %mul3A_98 : i32
      %le3A = arith.constant 312 : i32
      %le3A_100 = arith.cmpi sle, %mul3A_99, %le3A : i32
      %convert_element_type3A_101 = arith.extui %le3A_100 : i1 to i32
      %cond3A_102 = arith.constant 0 : i32
      %cond3A_103 = arith.cmpi ne, %convert_element_type3A_101, %cond3A_102 : i32
      scf.if %cond3A_103 {
        %add3A_113 = arith.constant 1 : i32
        %add3A_114 = arith.addi %mul3A_99, %add3A_113 : i32
        %le3A_115 = arith.constant 312 : i32
        %le3A_116 = arith.cmpi sle, %add3A_114, %le3A_115 : i32
        %convert_element_type3A_117 = arith.extui %le3A_116 : i1 to i32
        %cond3A_118 = arith.constant 0 : i32
        %cond3A_119 = arith.cmpi ne, %convert_element_type3A_117, %cond3A_118 : i32
        scf.if %cond3A_119 {
          %add3A_183 = arith.constant 1 : i32
          %add3A_184 = arith.addi %mul3A_99, %add3A_183 : i32
          %mul3A_185 = arith.constant 32 : i32
          %mul3A_186 = arith.muli %add3A_184, %mul3A_185 : i32
          %add3A_187 = arith.addi %mul3A_2, %mul3A_186 : i32
          %add3A_188 = arith.constant 320064 : i32
          %add3A_189 = arith.addi %add3A_188, %add3A_187 : i32
          %dma_wait3A_190 = arith.constant 0 : i32
          %dma_wait3A_191 = arith.constant 0 : i32
          %dma_wait3A_192 = tpu.memref_slice %arg9[%dma_wait3A_190, %dma_wait3A_191] : memref<2x32xi32, #tpu.memory_space<vmem>> -> memref<1x32xi32, #tpu.memory_space<vmem>>
          %dma_wait3A_193 = tpu.memref_squeeze %dma_wait3A_192 : memref<1x32xi32, #tpu.memory_space<vmem>> -> memref<32xi32, #tpu.memory_space<vmem>>
          %dma_wait3A_194 = tpu.memref_slice %arg6[%add3A_187] : memref<640128xi32, #tpu.memory_space<hbm>> -> memref<32xi32, #tpu.memory_space<hbm>>
          %dma_wait3A_195 = arith.constant 0 : i32
          %dma_wait3A_196 = tpu.memref_slice %arg9[%dma_wait3A_190, %dma_wait3A_195] : memref<2x32xi32, #tpu.memory_space<vmem>> -> memref<1x32xi32, #tpu.memory_space<vmem>>
          %dma_wait3A_197 = tpu.memref_squeeze %dma_wait3A_196 : memref<1x32xi32, #tpu.memory_space<vmem>> -> memref<32xi32, #tpu.memory_space<vmem>>
          %dma_wait3A_198 = tpu.memref_slice %arg6[%add3A_187] : memref<640128xi32, #tpu.memory_space<hbm>> -> memref<32xi32, #tpu.memory_space<hbm>>
          tpu.wait_dma2 semaphore(%arg30 : memref<!tpu.dma_semaphore, #tpu.memory_space<semaphore_mem>>) src(%dma_wait3A_198 : memref<32xi32, #tpu.memory_space<hbm>>) dst(%dma_wait3A_197 : memref<32xi32, #tpu.memory_space<vmem>>)
          %dma_wait3A_199 = arith.constant 1 : i32
          %dma_wait3A_200 = arith.constant 0 : i32
          %dma_wait3A_201 = tpu.memref_slice %arg9[%dma_wait3A_199, %dma_wait3A_200] : memref<2x32xi32, #tpu.memory_space<vmem>> -> memref<1x32xi32, #tpu.memory_space<vmem>>
          %dma_wait3A_202 = tpu.memref_squeeze %dma_wait3A_201 : memref<1x32xi32, #tpu.memory_space<vmem>> -> memref<32xi32, #tpu.memory_space<vmem>>
          %dma_wait3A_203 = tpu.memref_slice %arg6[%add3A_189] : memref<640128xi32, #tpu.memory_space<hbm>> -> memref<32xi32, #tpu.memory_space<hbm>>
          %dma_wait3A_204 = arith.constant 0 : i32
          %dma_wait3A_205 = tpu.memref_slice %arg9[%dma_wait3A_199, %dma_wait3A_204] : memref<2x32xi32, #tpu.memory_space<vmem>> -> memref<1x32xi32, #tpu.memory_space<vmem>>
          %dma_wait3A_206 = tpu.memref_squeeze %dma_wait3A_205 : memref<1x32xi32, #tpu.memory_space<vmem>> -> memref<32xi32, #tpu.memory_space<vmem>>
          %dma_wait3A_207 = tpu.memref_slice %arg6[%add3A_189] : memref<640128xi32, #tpu.memory_space<hbm>> -> memref<32xi32, #tpu.memory_space<hbm>>
          tpu.wait_dma2 semaphore(%arg30 : memref<!tpu.dma_semaphore, #tpu.memory_space<semaphore_mem>>) src(%dma_wait3A_207 : memref<32xi32, #tpu.memory_space<hbm>>) dst(%dma_wait3A_206 : memref<32xi32, #tpu.memory_space<vmem>>)
          %add3A_208 = arith.constant 1 : i32
          %add3A_209 = arith.addi %mul3A_99, %add3A_208 : i32
          %dma_start3A_210 = arith.constant 1 : i32
          %dma_start3A_211 = arith.constant 0 : i32
          %dma_start3A_212 = tpu.memref_slice %arg9[%dma_start3A_210, %dma_start3A_211] : memref<2x32xi32, #tpu.memory_space<vmem>> -> memref<1x32xi32, #tpu.memory_space<vmem>>
          %dma_start3A_213 = tpu.memref_squeeze %dma_start3A_212 : memref<1x32xi32, #tpu.memory_space<vmem>> -> memref<32xi32, #tpu.memory_space<vmem>>
          %dma_start3A_214 = arith.constant 0 : i32
          %dma_start3A_215 = arith.constant 0 : i32
          %dma_start3A_216 = tpu.memref_slice %arg2[%dma_start3A_214, %dma_start3A_215] : memref<10000x128xf32, #tpu.memory_space<hbm>> -> memref<10000x128xf32, #tpu.memory_space<hbm>>
          tpu.enqueue_indirect_dma source(%dma_start3A_216 : memref<10000x128xf32, #tpu.memory_space<hbm>>) target(%arg14 : memref<32x128xf32, #tpu.memory_space<vmem>>) offsets(%dma_start3A_213 : memref<32xi32, #tpu.memory_space<vmem>>) semaphore(%arg25 : memref<!tpu.dma_semaphore, #tpu.memory_space<semaphore_mem>>)
          %dma_start3A_217 = arith.constant 0 : i32
          %dma_start3A_218 = arith.constant 0 : i32
          %dma_start3A_219 = tpu.memref_slice %arg9[%dma_start3A_217, %dma_start3A_218] : memref<2x32xi32, #tpu.memory_space<vmem>> -> memref<1x32xi32, #tpu.memory_space<vmem>>
          %dma_start3A_220 = tpu.memref_squeeze %dma_start3A_219 : memref<1x32xi32, #tpu.memory_space<vmem>> -> memref<32xi32, #tpu.memory_space<vmem>>
          %dma_start3A_221 = arith.constant 0 : i32
          %dma_start3A_222 = arith.constant 0 : i32
          %dma_start3A_223 = tpu.memref_slice %arg3[%dma_start3A_221, %dma_start3A_222] : memref<10000x128xf32, #tpu.memory_space<hbm>> -> memref<10000x128xf32, #tpu.memory_space<hbm>>
          tpu.enqueue_indirect_dma source(%dma_start3A_223 : memref<10000x128xf32, #tpu.memory_space<hbm>>) target(%arg15 : memref<32x128xf32, #tpu.memory_space<vmem>>) offsets(%dma_start3A_220 : memref<32xi32, #tpu.memory_space<vmem>>) semaphore(%arg26 : memref<!tpu.dma_semaphore, #tpu.memory_space<semaphore_mem>>)
          %dma_start3A_224 = arith.constant 0 : i32
          %dma_start3A_225 = arith.constant 0 : i32
          %dma_start3A_226 = tpu.memref_slice %arg9[%dma_start3A_224, %dma_start3A_225] : memref<2x32xi32, #tpu.memory_space<vmem>> -> memref<1x32xi32, #tpu.memory_space<vmem>>
          %dma_start3A_227 = tpu.memref_squeeze %dma_start3A_226 : memref<1x32xi32, #tpu.memory_space<vmem>> -> memref<32xi32, #tpu.memory_space<vmem>>
          %dma_start3A_228 = arith.constant 0 : i32
          %dma_start3A_229 = arith.constant 0 : i32
          %dma_start3A_230 = tpu.memref_slice %arg4[%dma_start3A_228, %dma_start3A_229] : memref<10000x128xf32, #tpu.memory_space<hbm>> -> memref<10000x128xf32, #tpu.memory_space<hbm>>
          tpu.enqueue_indirect_dma source(%dma_start3A_230 : memref<10000x128xf32, #tpu.memory_space<hbm>>) target(%arg16 : memref<32x128xf32, #tpu.memory_space<vmem>>) offsets(%dma_start3A_227 : memref<32xi32, #tpu.memory_space<vmem>>) semaphore(%arg27 : memref<!tpu.dma_semaphore, #tpu.memory_space<semaphore_mem>>)
          %mul3A_231 = arith.constant 32 : i32
          %mul3A_232 = arith.muli %add3A_209, %mul3A_231 : i32
          %add3A_233 = arith.addi %mul3A_2, %mul3A_232 : i32
          %dma_start3A_234 = arith.constant 0 : i32
          %dma_start3A_235 = tpu.memref_slice %arg5[%add3A_233, %dma_start3A_234] : memref<324000x128xf32, #tpu.memory_space<hbm>> -> memref<32x128xf32, #tpu.memory_space<hbm>>
          %dma_start3A_236 = arith.constant 0 : i32
          %dma_start3A_237 = tpu.memref_slice %arg5[%add3A_233, %dma_start3A_236] : memref<324000x128xf32, #tpu.memory_space<hbm>> -> memref<32x128xf32, #tpu.memory_space<hbm>>
          tpu.enqueue_dma source(%dma_start3A_237 : memref<32x128xf32, #tpu.memory_space<hbm>>) target(%arg17 : memref<32x128xf32, #tpu.memory_space<vmem>>) target_semaphore(%arg28 : memref<!tpu.dma_semaphore, #tpu.memory_space<semaphore_mem>>)
        } else {
        }
        %dma_wait3A_120 = arith.constant 1 : i32
        %dma_wait3A_121 = arith.constant 0 : i32
        %dma_wait3A_122 = tpu.memref_slice %arg8[%dma_wait3A_120, %dma_wait3A_121] : memref<2x32xi32, #tpu.memory_space<vmem>> -> memref<1x32xi32, #tpu.memory_space<vmem>>
        %dma_wait3A_123 = tpu.memref_squeeze %dma_wait3A_122 : memref<1x32xi32, #tpu.memory_space<vmem>> -> memref<32xi32, #tpu.memory_space<vmem>>
        %dma_wait3A_124 = arith.constant 0 : i32
        %dma_wait3A_125 = arith.constant 0 : i32
        %dma_wait3A_126 = tpu.memref_slice %arg2[%dma_wait3A_124, %dma_wait3A_125] : memref<10000x128xf32, #tpu.memory_space<hbm>> -> memref<10000x128xf32, #tpu.memory_space<hbm>>
        tpu.wait_indirect_dma semaphore(%arg21 : memref<!tpu.dma_semaphore, #tpu.memory_space<semaphore_mem>>) src(%dma_wait3A_126 : memref<10000x128xf32, #tpu.memory_space<hbm>>) dst(%arg10 : memref<32x128xf32, #tpu.memory_space<vmem>>)
        %dma_wait3A_127 = arith.constant 0 : i32
        %dma_wait3A_128 = arith.constant 0 : i32
        %dma_wait3A_129 = tpu.memref_slice %arg8[%dma_wait3A_127, %dma_wait3A_128] : memref<2x32xi32, #tpu.memory_space<vmem>> -> memref<1x32xi32, #tpu.memory_space<vmem>>
        %dma_wait3A_130 = tpu.memref_squeeze %dma_wait3A_129 : memref<1x32xi32, #tpu.memory_space<vmem>> -> memref<32xi32, #tpu.memory_space<vmem>>
        %dma_wait3A_131 = arith.constant 0 : i32
        %dma_wait3A_132 = arith.constant 0 : i32
        %dma_wait3A_133 = tpu.memref_slice %arg3[%dma_wait3A_131, %dma_wait3A_132] : memref<10000x128xf32, #tpu.memory_space<hbm>> -> memref<10000x128xf32, #tpu.memory_space<hbm>>
        tpu.wait_indirect_dma semaphore(%arg22 : memref<!tpu.dma_semaphore, #tpu.memory_space<semaphore_mem>>) src(%dma_wait3A_133 : memref<10000x128xf32, #tpu.memory_space<hbm>>) dst(%arg11 : memref<32x128xf32, #tpu.memory_space<vmem>>)
        %dma_wait3A_134 = arith.constant 0 : i32
        %dma_wait3A_135 = arith.constant 0 : i32
        %dma_wait3A_136 = tpu.memref_slice %arg8[%dma_wait3A_134, %dma_wait3A_135] : memref<2x32xi32, #tpu.memory_space<vmem>> -> memref<1x32xi32, #tpu.memory_space<vmem>>
        %dma_wait3A_137 = tpu.memref_squeeze %dma_wait3A_136 : memref<1x32xi32, #tpu.memory_space<vmem>> -> memref<32xi32, #tpu.memory_space<vmem>>
        %dma_wait3A_138 = arith.constant 0 : i32
        %dma_wait3A_139 = arith.constant 0 : i32
        %dma_wait3A_140 = tpu.memref_slice %arg4[%dma_wait3A_138, %dma_wait3A_139] : memref<10000x128xf32, #tpu.memory_space<hbm>> -> memref<10000x128xf32, #tpu.memory_space<hbm>>
        tpu.wait_indirect_dma semaphore(%arg23 : memref<!tpu.dma_semaphore, #tpu.memory_space<semaphore_mem>>) src(%dma_wait3A_140 : memref<10000x128xf32, #tpu.memory_space<hbm>>) dst(%arg12 : memref<32x128xf32, #tpu.memory_space<vmem>>)
        %mul3A_141 = arith.constant 32 : i32
        %mul3A_142 = arith.muli %mul3A_99, %mul3A_141 : i32
        %add3A_143 = arith.addi %mul3A_2, %mul3A_142 : i32
        %dma_wait3A_144 = arith.constant 0 : i32
        %dma_wait3A_145 = tpu.memref_slice %arg5[%add3A_143, %dma_wait3A_144] : memref<324000x128xf32, #tpu.memory_space<hbm>> -> memref<32x128xf32, #tpu.memory_space<hbm>>
        %dma_wait3A_146 = arith.constant 0 : i32
        %dma_wait3A_147 = tpu.memref_slice %arg5[%add3A_143, %dma_wait3A_146] : memref<324000x128xf32, #tpu.memory_space<hbm>> -> memref<32x128xf32, #tpu.memory_space<hbm>>
        tpu.wait_dma2 semaphore(%arg24 : memref<!tpu.dma_semaphore, #tpu.memory_space<semaphore_mem>>) src(%dma_wait3A_147 : memref<32x128xf32, #tpu.memory_space<hbm>>) dst(%arg13 : memref<32x128xf32, #tpu.memory_space<vmem>>)
        %ge3A = arith.constant 1 : i32
        %ge3A_148 = arith.cmpi sge, %mul3A_99, %ge3A : i32
        %convert_element_type3A_149 = arith.extui %ge3A_148 : i1 to i32
        %cond3A_150 = arith.constant 0 : i32
        %cond3A_151 = arith.cmpi ne, %convert_element_type3A_149, %cond3A_150 : i32
        scf.if %cond3A_151 {
          %dma_wait3A_183 = arith.constant 0 : i32
          %dma_wait3A_184 = arith.constant 0 : i32
          %dma_wait3A_185 = tpu.memref_slice %arg20[%dma_wait3A_183, %dma_wait3A_184] : memref<10000x144xf32, #tpu.memory_space<vmem_shared>> -> memref<10000x144xf32, #tpu.memory_space<vmem_shared>>
          tpu.wait_indirect_dma semaphore(%arg31 : memref<!tpu.dma_semaphore, #tpu.memory_space<semaphore_mem>>) src(%arg18 : memref<32x144xf32, #tpu.memory_space<vmem>>) dst(%dma_wait3A_185 : memref<10000x144xf32, #tpu.memory_space<vmem_shared>>)
        } else {
        }
        %iota3A = tpu.iota {dimensions = array<i32: 0>} : vector<16xi32>
        %scan3A_152 = arith.constant 0 : i32
        %scan3A_153 = arith.constant 0 : i32
        %scan3A_154 = arith.constant 16 : i32
        %scan3A_155 = arith.addi %scan3A_153, %scan3A_154 : i32
        %scan3A_156 = arith.constant 1 : i32
        scf.for %scan3A_183 = %scan3A_153 to %scan3A_155 step %scan3A_156  : i32 {
          %jit3A_184 = arith.constant 8 : i32
          %div3A = arith.divsi %scan3A_183, %jit3A_184 : i32
          %sign3A = arith.constant 0 : i32
          %sign3A_185 = arith.cmpi sgt, %scan3A_183, %sign3A : i32
          %sign3A_186 = arith.extui %sign3A_185 : i1 to i32
          %sign3A_187 = arith.constant 0 : i32
          %sign3A_188 = arith.cmpi slt, %scan3A_183, %sign3A_187 : i32
          %sign3A_189 = arith.extui %sign3A_188 : i1 to i32
          %sign3A_190 = arith.subi %sign3A_186, %sign3A_189 : i32
          %sign3A_191 = arith.constant 0 : i32
          %sign3A_192 = arith.cmpi sgt, %jit3A_184, %sign3A_191 : i32
          %sign3A_193 = arith.extui %sign3A_192 : i1 to i32
          %sign3A_194 = arith.constant 0 : i32
          %sign3A_195 = arith.cmpi slt, %jit3A_184, %sign3A_194 : i32
          %sign3A_196 = arith.extui %sign3A_195 : i1 to i32
          %sign3A_197 = arith.subi %sign3A_193, %sign3A_196 : i32
          %ne3A = arith.cmpi ne, %sign3A_190, %sign3A_197 : i32
          %rem3A = arith.remsi %scan3A_183, %jit3A_184 : i32
          %ne3A_198 = arith.constant 0 : i32
          %ne3A_199 = arith.cmpi ne, %rem3A, %ne3A_198 : i32
          %and3A = arith.andi %ne3A, %ne3A_199 : i1
          %sub3A = arith.constant 1 : i32
          %sub3A_200 = arith.subi %div3A, %sub3A : i32
          %select_n3A_201 = arith.select %and3A, %sub3A_200, %div3A : i32
          %jit3A_202 = arith.constant 8 : i32
          %eq3A_203 = arith.constant 0 : i32
          %eq3A_204 = arith.cmpi eq, %jit3A_202, %eq3A_203 : i32
          %jit3A_205 = arith.constant 1 : i32
          %select_n3A_206 = arith.select %eq3A_204, %jit3A_205, %jit3A_202 : i32
          %rem3A_207 = arith.remsi %scan3A_183, %select_n3A_206 : i32
          %ne3A_208 = arith.constant 0 : i32
          %ne3A_209 = arith.cmpi ne, %rem3A_207, %ne3A_208 : i32
          %lt3A_210 = arith.constant 0 : i32
          %lt3A_211 = arith.cmpi slt, %rem3A_207, %lt3A_210 : i32
          %lt3A_212 = arith.constant 0 : i32
          %lt3A_213 = arith.cmpi slt, %select_n3A_206, %lt3A_212 : i32
          %ne3A_214 = arith.xori %lt3A_211, %lt3A_213 : i1
          %and3A_215 = arith.andi %ne3A_214, %ne3A_209 : i1
          %add3A_216 = arith.addi %rem3A_207, %select_n3A_206 : i32
          %select_n3A_217 = arith.select %and3A_215, %add3A_216, %rem3A_207 : i32
          %mul3A_218 = arith.constant 16 : i32
          %mul3A_219 = arith.muli %select_n3A_201, %mul3A_218 : i32
          %add3A_220 = vector.broadcast %mul3A_219 : i32 to vector<16xi32>
          %add3A_221 = arith.addi %add3A_220, %iota3A : vector<16xi32>
          %broadcast_in_dim3A_222 = arith.constant 0.000000e+00 : f32
          %broadcast_in_dim3A_223 = vector.broadcast %broadcast_in_dim3A_222 : f32 to vector<16xf32>
          %add3A_224 = arith.constant 0 : i32
          %add3A_225 = vector.broadcast %add3A_224 : i32 to vector<16xi32>
          %add3A_226 = arith.addi %iota3A, %add3A_225 : vector<16xi32>
          %and3A_227 = arith.constant 15 : i32
          %and3A_228 = vector.broadcast %and3A_227 : i32 to vector<16xi32>
          %and3A_229 = arith.andi %add3A_226, %and3A_228 : vector<16xi32>
          %mul3A_230 = arith.constant 16 : i32
          %mul3A_231 = arith.muli %select_n3A_217, %mul3A_230 : i32
          %add3A_232 = vector.broadcast %mul3A_231 : i32 to vector<16xi32>
          %add3A_233 = arith.addi %and3A_229, %add3A_232 : vector<16xi32>
          %gather3A = tpu.vector_load_idx %arg11[%add3A_221, %add3A_233] : memref<32x128xf32, #tpu.memory_space<vmem>>[vector<16xi32>, vector<16xi32>], vector<16xf32>,
          %gather3A_234 = tpu.vector_load_idx %arg10[%add3A_221, %add3A_233] : memref<32x128xf32, #tpu.memory_space<vmem>>[vector<16xi32>, vector<16xi32>], vector<16xf32>,
          %gather3A_235 = tpu.vector_load_idx %arg13[%add3A_221, %add3A_233] : memref<32x128xf32, #tpu.memory_space<vmem>>[vector<16xi32>, vector<16xi32>], vector<16xf32>,
          %mul3A_236 = arith.mulf %gather3A, %gather3A_234 : vector<16xf32>
          %mul3A_237 = arith.mulf %mul3A_236, %gather3A_235 : vector<16xf32>
          %add3A_238 = arith.addf %broadcast_in_dim3A_223, %mul3A_237 : vector<16xf32>
          %add3A_239 = arith.constant 1 : i32
          %add3A_240 = vector.broadcast %add3A_239 : i32 to vector<16xi32>
          %add3A_241 = arith.addi %iota3A, %add3A_240 : vector<16xi32>
          %and3A_242 = arith.constant 15 : i32
          %and3A_243 = vector.broadcast %and3A_242 : i32 to vector<16xi32>
          %and3A_244 = arith.andi %add3A_241, %and3A_243 : vector<16xi32>
          %mul3A_245 = arith.constant 16 : i32
          %mul3A_246 = arith.muli %select_n3A_217, %mul3A_245 : i32
          %add3A_247 = vector.broadcast %mul3A_246 : i32 to vector<16xi32>
          %add3A_248 = arith.addi %and3A_244, %add3A_247 : vector<16xi32>
          %gather3A_249 = tpu.vector_load_idx %arg11[%add3A_221, %add3A_248] : memref<32x128xf32, #tpu.memory_space<vmem>>[vector<16xi32>, vector<16xi32>], vector<16xf32>,
          %gather3A_250 = tpu.vector_load_idx %arg10[%add3A_221, %add3A_248] : memref<32x128xf32, #tpu.memory_space<vmem>>[vector<16xi32>, vector<16xi32>], vector<16xf32>,
          %gather3A_251 = tpu.vector_load_idx %arg13[%add3A_221, %add3A_248] : memref<32x128xf32, #tpu.memory_space<vmem>>[vector<16xi32>, vector<16xi32>], vector<16xf32>,
          %mul3A_252 = arith.mulf %gather3A_249, %gather3A_250 : vector<16xf32>
          %mul3A_253 = arith.mulf %mul3A_252, %gather3A_251 : vector<16xf32>
          %add3A_254 = arith.addf %add3A_238, %mul3A_253 : vector<16xf32>
          %add3A_255 = arith.constant 2 : i32
          %add3A_256 = vector.broadcast %add3A_255 : i32 to vector<16xi32>
          %add3A_257 = arith.addi %iota3A, %add3A_256 : vector<16xi32>
          %and3A_258 = arith.constant 15 : i32
          %and3A_259 = vector.broadcast %and3A_258 : i32 to vector<16xi32>
          %and3A_260 = arith.andi %add3A_257, %and3A_259 : vector<16xi32>
          %mul3A_261 = arith.constant 16 : i32
          %mul3A_262 = arith.muli %select_n3A_217, %mul3A_261 : i32
          %add3A_263 = vector.broadcast %mul3A_262 : i32 to vector<16xi32>
          %add3A_264 = arith.addi %and3A_260, %add3A_263 : vector<16xi32>
          %gather3A_265 = tpu.vector_load_idx %arg11[%add3A_221, %add3A_264] : memref<32x128xf32, #tpu.memory_space<vmem>>[vector<16xi32>, vector<16xi32>], vector<16xf32>,
          %gather3A_266 = tpu.vector_load_idx %arg10[%add3A_221, %add3A_264] : memref<32x128xf32, #tpu.memory_space<vmem>>[vector<16xi32>, vector<16xi32>], vector<16xf32>,
          %gather3A_267 = tpu.vector_load_idx %arg13[%add3A_221, %add3A_264] : memref<32x128xf32, #tpu.memory_space<vmem>>[vector<16xi32>, vector<16xi32>], vector<16xf32>,
          %mul3A_268 = arith.mulf %gather3A_265, %gather3A_266 : vector<16xf32>
          %mul3A_269 = arith.mulf %mul3A_268, %gather3A_267 : vector<16xf32>
          %add3A_270 = arith.addf %add3A_254, %mul3A_269 : vector<16xf32>
          %add3A_271 = arith.constant 3 : i32
          %add3A_272 = vector.broadcast %add3A_271 : i32 to vector<16xi32>
          %add3A_273 = arith.addi %iota3A, %add3A_272 : vector<16xi32>
          %and3A_274 = arith.constant 15 : i32
          %and3A_275 = vector.broadcast %and3A_274 : i32 to vector<16xi32>
          %and3A_276 = arith.andi %add3A_273, %and3A_275 : vector<16xi32>
          %mul3A_277 = arith.constant 16 : i32
          %mul3A_278 = arith.muli %select_n3A_217, %mul3A_277 : i32
          %add3A_279 = vector.broadcast %mul3A_278 : i32 to vector<16xi32>
          %add3A_280 = arith.addi %and3A_276, %add3A_279 : vector<16xi32>
          %gather3A_281 = tpu.vector_load_idx %arg11[%add3A_221, %add3A_280] : memref<32x128xf32, #tpu.memory_space<vmem>>[vector<16xi32>, vector<16xi32>], vector<16xf32>,
          %gather3A_282 = tpu.vector_load_idx %arg10[%add3A_221, %add3A_280] : memref<32x128xf32, #tpu.memory_space<vmem>>[vector<16xi32>, vector<16xi32>], vector<16xf32>,
          %gather3A_283 = tpu.vector_load_idx %arg13[%add3A_221, %add3A_280] : memref<32x128xf32, #tpu.memory_space<vmem>>[vector<16xi32>, vector<16xi32>], vector<16xf32>,
          %mul3A_284 = arith.mulf %gather3A_281, %gather3A_282 : vector<16xf32>
          %mul3A_285 = arith.mulf %mul3A_284, %gather3A_283 : vector<16xf32>
          %add3A_286 = arith.addf %add3A_270, %mul3A_285 : vector<16xf32>
          %add3A_287 = arith.constant 4 : i32
          %add3A_288 = vector.broadcast %add3A_287 : i32 to vector<16xi32>
          %add3A_289 = arith.addi %iota3A, %add3A_288 : vector<16xi32>
          %and3A_290 = arith.constant 15 : i32
          %and3A_291 = vector.broadcast %and3A_290 : i32 to vector<16xi32>
          %and3A_292 = arith.andi %add3A_289, %and3A_291 : vector<16xi32>
          %mul3A_293 = arith.constant 16 : i32
          %mul3A_294 = arith.muli %select_n3A_217, %mul3A_293 : i32
          %add3A_295 = vector.broadcast %mul3A_294 : i32 to vector<16xi32>
          %add3A_296 = arith.addi %and3A_292, %add3A_295 : vector<16xi32>
          %gather3A_297 = tpu.vector_load_idx %arg11[%add3A_221, %add3A_296] : memref<32x128xf32, #tpu.memory_space<vmem>>[vector<16xi32>, vector<16xi32>], vector<16xf32>,
          %gather3A_298 = tpu.vector_load_idx %arg10[%add3A_221, %add3A_296] : memref<32x128xf32, #tpu.memory_space<vmem>>[vector<16xi32>, vector<16xi32>], vector<16xf32>,
          %gather3A_299 = tpu.vector_load_idx %arg13[%add3A_221, %add3A_296] : memref<32x128xf32, #tpu.memory_space<vmem>>[vector<16xi32>, vector<16xi32>], vector<16xf32>,
          %mul3A_300 = arith.mulf %gather3A_297, %gather3A_298 : vector<16xf32>
          %mul3A_301 = arith.mulf %mul3A_300, %gather3A_299 : vector<16xf32>
          %add3A_302 = arith.addf %add3A_286, %mul3A_301 : vector<16xf32>
          %add3A_303 = arith.constant 5 : i32
          %add3A_304 = vector.broadcast %add3A_303 : i32 to vector<16xi32>
          %add3A_305 = arith.addi %iota3A, %add3A_304 : vector<16xi32>
          %and3A_306 = arith.constant 15 : i32
          %and3A_307 = vector.broadcast %and3A_306 : i32 to vector<16xi32>
          %and3A_308 = arith.andi %add3A_305, %and3A_307 : vector<16xi32>
          %mul3A_309 = arith.constant 16 : i32
          %mul3A_310 = arith.muli %select_n3A_217, %mul3A_309 : i32
          %add3A_311 = vector.broadcast %mul3A_310 : i32 to vector<16xi32>
          %add3A_312 = arith.addi %and3A_308, %add3A_311 : vector<16xi32>
          %gather3A_313 = tpu.vector_load_idx %arg11[%add3A_221, %add3A_312] : memref<32x128xf32, #tpu.memory_space<vmem>>[vector<16xi32>, vector<16xi32>], vector<16xf32>,
          %gather3A_314 = tpu.vector_load_idx %arg10[%add3A_221, %add3A_312] : memref<32x128xf32, #tpu.memory_space<vmem>>[vector<16xi32>, vector<16xi32>], vector<16xf32>,
          %gather3A_315 = tpu.vector_load_idx %arg13[%add3A_221, %add3A_312] : memref<32x128xf32, #tpu.memory_space<vmem>>[vector<16xi32>, vector<16xi32>], vector<16xf32>,
          %mul3A_316 = arith.mulf %gather3A_313, %gather3A_314 : vector<16xf32>
          %mul3A_317 = arith.mulf %mul3A_316, %gather3A_315 : vector<16xf32>
          %add3A_318 = arith.addf %add3A_302, %mul3A_317 : vector<16xf32>
          %add3A_319 = arith.constant 6 : i32
          %add3A_320 = vector.broadcast %add3A_319 : i32 to vector<16xi32>
          %add3A_321 = arith.addi %iota3A, %add3A_320 : vector<16xi32>
          %and3A_322 = arith.constant 15 : i32
          %and3A_323 = vector.broadcast %and3A_322 : i32 to vector<16xi32>
          %and3A_324 = arith.andi %add3A_321, %and3A_323 : vector<16xi32>
          %mul3A_325 = arith.constant 16 : i32
          %mul3A_326 = arith.muli %select_n3A_217, %mul3A_325 : i32
          %add3A_327 = vector.broadcast %mul3A_326 : i32 to vector<16xi32>
          %add3A_328 = arith.addi %and3A_324, %add3A_327 : vector<16xi32>
          %gather3A_329 = tpu.vector_load_idx %arg11[%add3A_221, %add3A_328] : memref<32x128xf32, #tpu.memory_space<vmem>>[vector<16xi32>, vector<16xi32>], vector<16xf32>,
          %gather3A_330 = tpu.vector_load_idx %arg10[%add3A_221, %add3A_328] : memref<32x128xf32, #tpu.memory_space<vmem>>[vector<16xi32>, vector<16xi32>], vector<16xf32>,
          %gather3A_331 = tpu.vector_load_idx %arg13[%add3A_221, %add3A_328] : memref<32x128xf32, #tpu.memory_space<vmem>>[vector<16xi32>, vector<16xi32>], vector<16xf32>,
          %mul3A_332 = arith.mulf %gather3A_329, %gather3A_330 : vector<16xf32>
          %mul3A_333 = arith.mulf %mul3A_332, %gather3A_331 : vector<16xf32>
          %add3A_334 = arith.addf %add3A_318, %mul3A_333 : vector<16xf32>
          %add3A_335 = arith.constant 7 : i32
          %add3A_336 = vector.broadcast %add3A_335 : i32 to vector<16xi32>
          %add3A_337 = arith.addi %iota3A, %add3A_336 : vector<16xi32>
          %and3A_338 = arith.constant 15 : i32
          %and3A_339 = vector.broadcast %and3A_338 : i32 to vector<16xi32>
          %and3A_340 = arith.andi %add3A_337, %and3A_339 : vector<16xi32>
          %mul3A_341 = arith.constant 16 : i32
          %mul3A_342 = arith.muli %select_n3A_217, %mul3A_341 : i32
          %add3A_343 = vector.broadcast %mul3A_342 : i32 to vector<16xi32>
          %add3A_344 = arith.addi %and3A_340, %add3A_343 : vector<16xi32>
          %gather3A_345 = tpu.vector_load_idx %arg11[%add3A_221, %add3A_344] : memref<32x128xf32, #tpu.memory_space<vmem>>[vector<16xi32>, vector<16xi32>], vector<16xf32>,
          %gather3A_346 = tpu.vector_load_idx %arg10[%add3A_221, %add3A_344] : memref<32x128xf32, #tpu.memory_space<vmem>>[vector<16xi32>, vector<16xi32>], vector<16xf32>,
          %gather3A_347 = tpu.vector_load_idx %arg13[%add3A_221, %add3A_344] : memref<32x128xf32, #tpu.memory_space<vmem>>[vector<16xi32>, vector<16xi32>], vector<16xf32>,
          %mul3A_348 = arith.mulf %gather3A_345, %gather3A_346 : vector<16xf32>
          %mul3A_349 = arith.mulf %mul3A_348, %gather3A_347 : vector<16xf32>
          %add3A_350 = arith.addf %add3A_334, %mul3A_349 : vector<16xf32>
          %add3A_351 = arith.constant 8 : i32
          %add3A_352 = vector.broadcast %add3A_351 : i32 to vector<16xi32>
          %add3A_353 = arith.addi %iota3A, %add3A_352 : vector<16xi32>
          %and3A_354 = arith.constant 15 : i32
          %and3A_355 = vector.broadcast %and3A_354 : i32 to vector<16xi32>
          %and3A_356 = arith.andi %add3A_353, %and3A_355 : vector<16xi32>
          %mul3A_357 = arith.constant 16 : i32
          %mul3A_358 = arith.muli %select_n3A_217, %mul3A_357 : i32
          %add3A_359 = vector.broadcast %mul3A_358 : i32 to vector<16xi32>
          %add3A_360 = arith.addi %and3A_356, %add3A_359 : vector<16xi32>
          %gather3A_361 = tpu.vector_load_idx %arg11[%add3A_221, %add3A_360] : memref<32x128xf32, #tpu.memory_space<vmem>>[vector<16xi32>, vector<16xi32>], vector<16xf32>,
          %gather3A_362 = tpu.vector_load_idx %arg10[%add3A_221, %add3A_360] : memref<32x128xf32, #tpu.memory_space<vmem>>[vector<16xi32>, vector<16xi32>], vector<16xf32>,
          %gather3A_363 = tpu.vector_load_idx %arg13[%add3A_221, %add3A_360] : memref<32x128xf32, #tpu.memory_space<vmem>>[vector<16xi32>, vector<16xi32>], vector<16xf32>,
          %mul3A_364 = arith.mulf %gather3A_361, %gather3A_362 : vector<16xf32>
          %mul3A_365 = arith.mulf %mul3A_364, %gather3A_363 : vector<16xf32>
          %add3A_366 = arith.addf %add3A_350, %mul3A_365 : vector<16xf32>
          %add3A_367 = arith.constant 9 : i32
          %add3A_368 = vector.broadcast %add3A_367 : i32 to vector<16xi32>
          %add3A_369 = arith.addi %iota3A, %add3A_368 : vector<16xi32>
          %and3A_370 = arith.constant 15 : i32
          %and3A_371 = vector.broadcast %and3A_370 : i32 to vector<16xi32>
          %and3A_372 = arith.andi %add3A_369, %and3A_371 : vector<16xi32>
          %mul3A_373 = arith.constant 16 : i32
          %mul3A_374 = arith.muli %select_n3A_217, %mul3A_373 : i32
          %add3A_375 = vector.broadcast %mul3A_374 : i32 to vector<16xi32>
          %add3A_376 = arith.addi %and3A_372, %add3A_375 : vector<16xi32>
          %gather3A_377 = tpu.vector_load_idx %arg11[%add3A_221, %add3A_376] : memref<32x128xf32, #tpu.memory_space<vmem>>[vector<16xi32>, vector<16xi32>], vector<16xf32>,
          %gather3A_378 = tpu.vector_load_idx %arg10[%add3A_221, %add3A_376] : memref<32x128xf32, #tpu.memory_space<vmem>>[vector<16xi32>, vector<16xi32>], vector<16xf32>,
          %gather3A_379 = tpu.vector_load_idx %arg13[%add3A_221, %add3A_376] : memref<32x128xf32, #tpu.memory_space<vmem>>[vector<16xi32>, vector<16xi32>], vector<16xf32>,
          %mul3A_380 = arith.mulf %gather3A_377, %gather3A_378 : vector<16xf32>
          %mul3A_381 = arith.mulf %mul3A_380, %gather3A_379 : vector<16xf32>
          %add3A_382 = arith.addf %add3A_366, %mul3A_381 : vector<16xf32>
          %add3A_383 = arith.constant 10 : i32
          %add3A_384 = vector.broadcast %add3A_383 : i32 to vector<16xi32>
          %add3A_385 = arith.addi %iota3A, %add3A_384 : vector<16xi32>
          %and3A_386 = arith.constant 15 : i32
          %and3A_387 = vector.broadcast %and3A_386 : i32 to vector<16xi32>
          %and3A_388 = arith.andi %add3A_385, %and3A_387 : vector<16xi32>
          %mul3A_389 = arith.constant 16 : i32
          %mul3A_390 = arith.muli %select_n3A_217, %mul3A_389 : i32
          %add3A_391 = vector.broadcast %mul3A_390 : i32 to vector<16xi32>
          %add3A_392 = arith.addi %and3A_388, %add3A_391 : vector<16xi32>
          %gather3A_393 = tpu.vector_load_idx %arg11[%add3A_221, %add3A_392] : memref<32x128xf32, #tpu.memory_space<vmem>>[vector<16xi32>, vector<16xi32>], vector<16xf32>,
          %gather3A_394 = tpu.vector_load_idx %arg10[%add3A_221, %add3A_392] : memref<32x128xf32, #tpu.memory_space<vmem>>[vector<16xi32>, vector<16xi32>], vector<16xf32>,
          %gather3A_395 = tpu.vector_load_idx %arg13[%add3A_221, %add3A_392] : memref<32x128xf32, #tpu.memory_space<vmem>>[vector<16xi32>, vector<16xi32>], vector<16xf32>,
          %mul3A_396 = arith.mulf %gather3A_393, %gather3A_394 : vector<16xf32>
          %mul3A_397 = arith.mulf %mul3A_396, %gather3A_395 : vector<16xf32>
          %add3A_398 = arith.addf %add3A_382, %mul3A_397 : vector<16xf32>
          %add3A_399 = arith.constant 11 : i32
          %add3A_400 = vector.broadcast %add3A_399 : i32 to vector<16xi32>
          %add3A_401 = arith.addi %iota3A, %add3A_400 : vector<16xi32>
          %and3A_402 = arith.constant 15 : i32
          %and3A_403 = vector.broadcast %and3A_402 : i32 to vector<16xi32>
          %and3A_404 = arith.andi %add3A_401, %and3A_403 : vector<16xi32>
          %mul3A_405 = arith.constant 16 : i32
          %mul3A_406 = arith.muli %select_n3A_217, %mul3A_405 : i32
          %add3A_407 = vector.broadcast %mul3A_406 : i32 to vector<16xi32>
          %add3A_408 = arith.addi %and3A_404, %add3A_407 : vector<16xi32>
          %gather3A_409 = tpu.vector_load_idx %arg11[%add3A_221, %add3A_408] : memref<32x128xf32, #tpu.memory_space<vmem>>[vector<16xi32>, vector<16xi32>], vector<16xf32>,
          %gather3A_410 = tpu.vector_load_idx %arg10[%add3A_221, %add3A_408] : memref<32x128xf32, #tpu.memory_space<vmem>>[vector<16xi32>, vector<16xi32>], vector<16xf32>,
          %gather3A_411 = tpu.vector_load_idx %arg13[%add3A_221, %add3A_408] : memref<32x128xf32, #tpu.memory_space<vmem>>[vector<16xi32>, vector<16xi32>], vector<16xf32>,
          %mul3A_412 = arith.mulf %gather3A_409, %gather3A_410 : vector<16xf32>
          %mul3A_413 = arith.mulf %mul3A_412, %gather3A_411 : vector<16xf32>
          %add3A_414 = arith.addf %add3A_398, %mul3A_413 : vector<16xf32>
          %add3A_415 = arith.constant 12 : i32
          %add3A_416 = vector.broadcast %add3A_415 : i32 to vector<16xi32>
          %add3A_417 = arith.addi %iota3A, %add3A_416 : vector<16xi32>
          %and3A_418 = arith.constant 15 : i32
          %and3A_419 = vector.broadcast %and3A_418 : i32 to vector<16xi32>
          %and3A_420 = arith.andi %add3A_417, %and3A_419 : vector<16xi32>
          %mul3A_421 = arith.constant 16 : i32
          %mul3A_422 = arith.muli %select_n3A_217, %mul3A_421 : i32
          %add3A_423 = vector.broadcast %mul3A_422 : i32 to vector<16xi32>
          %add3A_424 = arith.addi %and3A_420, %add3A_423 : vector<16xi32>
          %gather3A_425 = tpu.vector_load_idx %arg11[%add3A_221, %add3A_424] : memref<32x128xf32, #tpu.memory_space<vmem>>[vector<16xi32>, vector<16xi32>], vector<16xf32>,
          %gather3A_426 = tpu.vector_load_idx %arg10[%add3A_221, %add3A_424] : memref<32x128xf32, #tpu.memory_space<vmem>>[vector<16xi32>, vector<16xi32>], vector<16xf32>,
          %gather3A_427 = tpu.vector_load_idx %arg13[%add3A_221, %add3A_424] : memref<32x128xf32, #tpu.memory_space<vmem>>[vector<16xi32>, vector<16xi32>], vector<16xf32>,
          %mul3A_428 = arith.mulf %gather3A_425, %gather3A_426 : vector<16xf32>
          %mul3A_429 = arith.mulf %mul3A_428, %gather3A_427 : vector<16xf32>
          %add3A_430 = arith.addf %add3A_414, %mul3A_429 : vector<16xf32>
          %add3A_431 = arith.constant 13 : i32
          %add3A_432 = vector.broadcast %add3A_431 : i32 to vector<16xi32>
          %add3A_433 = arith.addi %iota3A, %add3A_432 : vector<16xi32>
          %and3A_434 = arith.constant 15 : i32
          %and3A_435 = vector.broadcast %and3A_434 : i32 to vector<16xi32>
          %and3A_436 = arith.andi %add3A_433, %and3A_435 : vector<16xi32>
          %mul3A_437 = arith.constant 16 : i32
          %mul3A_438 = arith.muli %select_n3A_217, %mul3A_437 : i32
          %add3A_439 = vector.broadcast %mul3A_438 : i32 to vector<16xi32>
          %add3A_440 = arith.addi %and3A_436, %add3A_439 : vector<16xi32>
          %gather3A_441 = tpu.vector_load_idx %arg11[%add3A_221, %add3A_440] : memref<32x128xf32, #tpu.memory_space<vmem>>[vector<16xi32>, vector<16xi32>], vector<16xf32>,
          %gather3A_442 = tpu.vector_load_idx %arg10[%add3A_221, %add3A_440] : memref<32x128xf32, #tpu.memory_space<vmem>>[vector<16xi32>, vector<16xi32>], vector<16xf32>,
          %gather3A_443 = tpu.vector_load_idx %arg13[%add3A_221, %add3A_440] : memref<32x128xf32, #tpu.memory_space<vmem>>[vector<16xi32>, vector<16xi32>], vector<16xf32>,
          %mul3A_444 = arith.mulf %gather3A_441, %gather3A_442 : vector<16xf32>
          %mul3A_445 = arith.mulf %mul3A_444, %gather3A_443 : vector<16xf32>
          %add3A_446 = arith.addf %add3A_430, %mul3A_445 : vector<16xf32>
          %add3A_447 = arith.constant 14 : i32
          %add3A_448 = vector.broadcast %add3A_447 : i32 to vector<16xi32>
          %add3A_449 = arith.addi %iota3A, %add3A_448 : vector<16xi32>
          %and3A_450 = arith.constant 15 : i32
          %and3A_451 = vector.broadcast %and3A_450 : i32 to vector<16xi32>
          %and3A_452 = arith.andi %add3A_449, %and3A_451 : vector<16xi32>
          %mul3A_453 = arith.constant 16 : i32
          %mul3A_454 = arith.muli %select_n3A_217, %mul3A_453 : i32
          %add3A_455 = vector.broadcast %mul3A_454 : i32 to vector<16xi32>
          %add3A_456 = arith.addi %and3A_452, %add3A_455 : vector<16xi32>
          %gather3A_457 = tpu.vector_load_idx %arg11[%add3A_221, %add3A_456] : memref<32x128xf32, #tpu.memory_space<vmem>>[vector<16xi32>, vector<16xi32>], vector<16xf32>,
          %gather3A_458 = tpu.vector_load_idx %arg10[%add3A_221, %add3A_456] : memref<32x128xf32, #tpu.memory_space<vmem>>[vector<16xi32>, vector<16xi32>], vector<16xf32>,
          %gather3A_459 = tpu.vector_load_idx %arg13[%add3A_221, %add3A_456] : memref<32x128xf32, #tpu.memory_space<vmem>>[vector<16xi32>, vector<16xi32>], vector<16xf32>,
          %mul3A_460 = arith.mulf %gather3A_457, %gather3A_458 : vector<16xf32>
          %mul3A_461 = arith.mulf %mul3A_460, %gather3A_459 : vector<16xf32>
          %add3A_462 = arith.addf %add3A_446, %mul3A_461 : vector<16xf32>
          %add3A_463 = arith.constant 15 : i32
          %add3A_464 = vector.broadcast %add3A_463 : i32 to vector<16xi32>
          %add3A_465 = arith.addi %iota3A, %add3A_464 : vector<16xi32>
          %and3A_466 = arith.constant 15 : i32
          %and3A_467 = vector.broadcast %and3A_466 : i32 to vector<16xi32>
          %and3A_468 = arith.andi %add3A_465, %and3A_467 : vector<16xi32>
          %mul3A_469 = arith.constant 16 : i32
          %mul3A_470 = arith.muli %select_n3A_217, %mul3A_469 : i32
          %add3A_471 = vector.broadcast %mul3A_470 : i32 to vector<16xi32>
          %add3A_472 = arith.addi %and3A_468, %add3A_471 : vector<16xi32>
          %gather3A_473 = tpu.vector_load_idx %arg11[%add3A_221, %add3A_472] : memref<32x128xf32, #tpu.memory_space<vmem>>[vector<16xi32>, vector<16xi32>], vector<16xf32>,
          %gather3A_474 = tpu.vector_load_idx %arg10[%add3A_221, %add3A_472] : memref<32x128xf32, #tpu.memory_space<vmem>>[vector<16xi32>, vector<16xi32>], vector<16xf32>,
          %gather3A_475 = tpu.vector_load_idx %arg13[%add3A_221, %add3A_472] : memref<32x128xf32, #tpu.memory_space<vmem>>[vector<16xi32>, vector<16xi32>], vector<16xf32>,
          %mul3A_476 = arith.mulf %gather3A_473, %gather3A_474 : vector<16xf32>
          %mul3A_477 = arith.mulf %mul3A_476, %gather3A_475 : vector<16xf32>
          %add3A_478 = arith.addf %add3A_462, %mul3A_477 : vector<16xf32>
          %mul3A_479 = arith.constant 2.500000e-01 : f32
          %mul3A_480 = vector.broadcast %mul3A_479 : f32 to vector<16xf32>
          %mul3A_481 = arith.mulf %add3A_478, %mul3A_480 : vector<16xf32>
          %jit3A_482 = arith.constant -5.000000e+00 : f32
          %jit3A_483 = arith.constant 5.000000e+00 : f32
          %max3A = vector.broadcast %jit3A_482 : f32 to vector<16xf32>
          %max3A_484 = arith.maximumf %max3A, %mul3A_481 : vector<16xf32>
          %min3A = vector.broadcast %jit3A_483 : f32 to vector<16xf32>
          %min3A_485 = arith.minimumf %min3A, %max3A_484 : vector<16xf32>
          %exp3A = math.exp %min3A_485 : vector<16xf32>
          %add3A_486 = arith.constant 128 : i32
          %add3A_487 = arith.addi %add3A_486, %select_n3A_217 : i32
          %broadcast_in_dim3A_488 = vector.broadcast %add3A_487 : i32 to vector<16xi32>
          tpu.vector_store_idx %arg18[%add3A_221, %broadcast_in_dim3A_488], %exp3A : memref<32x144xf32, #tpu.memory_space<vmem>>[vector<16xi32>, vector<16xi32>], vector<16xf32>,
          %add3A_489 = arith.constant 0 : i32
          %add3A_490 = vector.broadcast %add3A_489 : i32 to vector<16xi32>
          %add3A_491 = arith.addi %iota3A, %add3A_490 : vector<16xi32>
          %and3A_492 = arith.constant 15 : i32
          %and3A_493 = vector.broadcast %and3A_492 : i32 to vector<16xi32>
          %and3A_494 = arith.andi %add3A_491, %and3A_493 : vector<16xi32>
          %mul3A_495 = arith.constant 16 : i32
          %mul3A_496 = arith.muli %select_n3A_217, %mul3A_495 : i32
          %add3A_497 = vector.broadcast %mul3A_496 : i32 to vector<16xi32>
          %add3A_498 = arith.addi %and3A_494, %add3A_497 : vector<16xi32>
          %gather3A_499 = tpu.vector_load_idx %arg12[%add3A_221, %add3A_498] : memref<32x128xf32, #tpu.memory_space<vmem>>[vector<16xi32>, vector<16xi32>], vector<16xf32>,
          %mul3A_500 = arith.mulf %gather3A_499, %exp3A : vector<16xf32>
          tpu.vector_store_idx %arg18[%add3A_221, %add3A_498], %mul3A_500 : memref<32x144xf32, #tpu.memory_space<vmem>>[vector<16xi32>, vector<16xi32>], vector<16xf32>,
          %add3A_501 = arith.constant 1 : i32
          %add3A_502 = vector.broadcast %add3A_501 : i32 to vector<16xi32>
          %add3A_503 = arith.addi %iota3A, %add3A_502 : vector<16xi32>
          %and3A_504 = arith.constant 15 : i32
          %and3A_505 = vector.broadcast %and3A_504 : i32 to vector<16xi32>
          %and3A_506 = arith.andi %add3A_503, %and3A_505 : vector<16xi32>
          %mul3A_507 = arith.constant 16 : i32
          %mul3A_508 = arith.muli %select_n3A_217, %mul3A_507 : i32
          %add3A_509 = vector.broadcast %mul3A_508 : i32 to vector<16xi32>
          %add3A_510 = arith.addi %and3A_506, %add3A_509 : vector<16xi32>
          %gather3A_511 = tpu.vector_load_idx %arg12[%add3A_221, %add3A_510] : memref<32x128xf32, #tpu.memory_space<vmem>>[vector<16xi32>, vector<16xi32>], vector<16xf32>,
          %mul3A_512 = arith.mulf %gather3A_511, %exp3A : vector<16xf32>
          tpu.vector_store_idx %arg18[%add3A_221, %add3A_510], %mul3A_512 : memref<32x144xf32, #tpu.memory_space<vmem>>[vector<16xi32>, vector<16xi32>], vector<16xf32>,
          %add3A_513 = arith.constant 2 : i32
          %add3A_514 = vector.broadcast %add3A_513 : i32 to vector<16xi32>
          %add3A_515 = arith.addi %iota3A, %add3A_514 : vector<16xi32>
          %and3A_516 = arith.constant 15 : i32
          %and3A_517 = vector.broadcast %and3A_516 : i32 to vector<16xi32>
          %and3A_518 = arith.andi %add3A_515, %and3A_517 : vector<16xi32>
          %mul3A_519 = arith.constant 16 : i32
          %mul3A_520 = arith.muli %select_n3A_217, %mul3A_519 : i32
          %add3A_521 = vector.broadcast %mul3A_520 : i32 to vector<16xi32>
          %add3A_522 = arith.addi %and3A_518, %add3A_521 : vector<16xi32>
          %gather3A_523 = tpu.vector_load_idx %arg12[%add3A_221, %add3A_522] : memref<32x128xf32, #tpu.memory_space<vmem>>[vector<16xi32>, vector<16xi32>], vector<16xf32>,
          %mul3A_524 = arith.mulf %gather3A_523, %exp3A : vector<16xf32>
          tpu.vector_store_idx %arg18[%add3A_221, %add3A_522], %mul3A_524 : memref<32x144xf32, #tpu.memory_space<vmem>>[vector<16xi32>, vector<16xi32>], vector<16xf32>,
          %add3A_525 = arith.constant 3 : i32
          %add3A_526 = vector.broadcast %add3A_525 : i32 to vector<16xi32>
          %add3A_527 = arith.addi %iota3A, %add3A_526 : vector<16xi32>
          %and3A_528 = arith.constant 15 : i32
          %and3A_529 = vector.broadcast %and3A_528 : i32 to vector<16xi32>
          %and3A_530 = arith.andi %add3A_527, %and3A_529 : vector<16xi32>
          %mul3A_531 = arith.constant 16 : i32
          %mul3A_532 = arith.muli %select_n3A_217, %mul3A_531 : i32
          %add3A_533 = vector.broadcast %mul3A_532 : i32 to vector<16xi32>
          %add3A_534 = arith.addi %and3A_530, %add3A_533 : vector<16xi32>
          %gather3A_535 = tpu.vector_load_idx %arg12[%add3A_221, %add3A_534] : memref<32x128xf32, #tpu.memory_space<vmem>>[vector<16xi32>, vector<16xi32>], vector<16xf32>,
          %mul3A_536 = arith.mulf %gather3A_535, %exp3A : vector<16xf32>
          tpu.vector_store_idx %arg18[%add3A_221, %add3A_534], %mul3A_536 : memref<32x144xf32, #tpu.memory_space<vmem>>[vector<16xi32>, vector<16xi32>], vector<16xf32>,
          %add3A_537 = arith.constant 4 : i32
          %add3A_538 = vector.broadcast %add3A_537 : i32 to vector<16xi32>
          %add3A_539 = arith.addi %iota3A, %add3A_538 : vector<16xi32>
          %and3A_540 = arith.constant 15 : i32
          %and3A_541 = vector.broadcast %and3A_540 : i32 to vector<16xi32>
          %and3A_542 = arith.andi %add3A_539, %and3A_541 : vector<16xi32>
          %mul3A_543 = arith.constant 16 : i32
          %mul3A_544 = arith.muli %select_n3A_217, %mul3A_543 : i32
          %add3A_545 = vector.broadcast %mul3A_544 : i32 to vector<16xi32>
          %add3A_546 = arith.addi %and3A_542, %add3A_545 : vector<16xi32>
          %gather3A_547 = tpu.vector_load_idx %arg12[%add3A_221, %add3A_546] : memref<32x128xf32, #tpu.memory_space<vmem>>[vector<16xi32>, vector<16xi32>], vector<16xf32>,
          %mul3A_548 = arith.mulf %gather3A_547, %exp3A : vector<16xf32>
          tpu.vector_store_idx %arg18[%add3A_221, %add3A_546], %mul3A_548 : memref<32x144xf32, #tpu.memory_space<vmem>>[vector<16xi32>, vector<16xi32>], vector<16xf32>,
          %add3A_549 = arith.constant 5 : i32
          %add3A_550 = vector.broadcast %add3A_549 : i32 to vector<16xi32>
          %add3A_551 = arith.addi %iota3A, %add3A_550 : vector<16xi32>
          %and3A_552 = arith.constant 15 : i32
          %and3A_553 = vector.broadcast %and3A_552 : i32 to vector<16xi32>
          %and3A_554 = arith.andi %add3A_551, %and3A_553 : vector<16xi32>
          %mul3A_555 = arith.constant 16 : i32
          %mul3A_556 = arith.muli %select_n3A_217, %mul3A_555 : i32
          %add3A_557 = vector.broadcast %mul3A_556 : i32 to vector<16xi32>
          %add3A_558 = arith.addi %and3A_554, %add3A_557 : vector<16xi32>
          %gather3A_559 = tpu.vector_load_idx %arg12[%add3A_221, %add3A_558] : memref<32x128xf32, #tpu.memory_space<vmem>>[vector<16xi32>, vector<16xi32>], vector<16xf32>,
          %mul3A_560 = arith.mulf %gather3A_559, %exp3A : vector<16xf32>
          tpu.vector_store_idx %arg18[%add3A_221, %add3A_558], %mul3A_560 : memref<32x144xf32, #tpu.memory_space<vmem>>[vector<16xi32>, vector<16xi32>], vector<16xf32>,
          %add3A_561 = arith.constant 6 : i32
          %add3A_562 = vector.broadcast %add3A_561 : i32 to vector<16xi32>
          %add3A_563 = arith.addi %iota3A, %add3A_562 : vector<16xi32>
          %and3A_564 = arith.constant 15 : i32
          %and3A_565 = vector.broadcast %and3A_564 : i32 to vector<16xi32>
          %and3A_566 = arith.andi %add3A_563, %and3A_565 : vector<16xi32>
          %mul3A_567 = arith.constant 16 : i32
          %mul3A_568 = arith.muli %select_n3A_217, %mul3A_567 : i32
          %add3A_569 = vector.broadcast %mul3A_568 : i32 to vector<16xi32>
          %add3A_570 = arith.addi %and3A_566, %add3A_569 : vector<16xi32>
          %gather3A_571 = tpu.vector_load_idx %arg12[%add3A_221, %add3A_570] : memref<32x128xf32, #tpu.memory_space<vmem>>[vector<16xi32>, vector<16xi32>], vector<16xf32>,
          %mul3A_572 = arith.mulf %gather3A_571, %exp3A : vector<16xf32>
          tpu.vector_store_idx %arg18[%add3A_221, %add3A_570], %mul3A_572 : memref<32x144xf32, #tpu.memory_space<vmem>>[vector<16xi32>, vector<16xi32>], vector<16xf32>,
          %add3A_573 = arith.constant 7 : i32
          %add3A_574 = vector.broadcast %add3A_573 : i32 to vector<16xi32>
          %add3A_575 = arith.addi %iota3A, %add3A_574 : vector<16xi32>
          %and3A_576 = arith.constant 15 : i32
          %and3A_577 = vector.broadcast %and3A_576 : i32 to vector<16xi32>
          %and3A_578 = arith.andi %add3A_575, %and3A_577 : vector<16xi32>
          %mul3A_579 = arith.constant 16 : i32
          %mul3A_580 = arith.muli %select_n3A_217, %mul3A_579 : i32
          %add3A_581 = vector.broadcast %mul3A_580 : i32 to vector<16xi32>
          %add3A_582 = arith.addi %and3A_578, %add3A_581 : vector<16xi32>
          %gather3A_583 = tpu.vector_load_idx %arg12[%add3A_221, %add3A_582] : memref<32x128xf32, #tpu.memory_space<vmem>>[vector<16xi32>, vector<16xi32>], vector<16xf32>,
          %mul3A_584 = arith.mulf %gather3A_583, %exp3A : vector<16xf32>
          tpu.vector_store_idx %arg18[%add3A_221, %add3A_582], %mul3A_584 : memref<32x144xf32, #tpu.memory_space<vmem>>[vector<16xi32>, vector<16xi32>], vector<16xf32>,
          %add3A_585 = arith.constant 8 : i32
          %add3A_586 = vector.broadcast %add3A_585 : i32 to vector<16xi32>
          %add3A_587 = arith.addi %iota3A, %add3A_586 : vector<16xi32>
          %and3A_588 = arith.constant 15 : i32
          %and3A_589 = vector.broadcast %and3A_588 : i32 to vector<16xi32>
          %and3A_590 = arith.andi %add3A_587, %and3A_589 : vector<16xi32>
          %mul3A_591 = arith.constant 16 : i32
          %mul3A_592 = arith.muli %select_n3A_217, %mul3A_591 : i32
          %add3A_593 = vector.broadcast %mul3A_592 : i32 to vector<16xi32>
          %add3A_594 = arith.addi %and3A_590, %add3A_593 : vector<16xi32>
          %gather3A_595 = tpu.vector_load_idx %arg12[%add3A_221, %add3A_594] : memref<32x128xf32, #tpu.memory_space<vmem>>[vector<16xi32>, vector<16xi32>], vector<16xf32>,
          %mul3A_596 = arith.mulf %gather3A_595, %exp3A : vector<16xf32>
          tpu.vector_store_idx %arg18[%add3A_221, %add3A_594], %mul3A_596 : memref<32x144xf32, #tpu.memory_space<vmem>>[vector<16xi32>, vector<16xi32>], vector<16xf32>,
          %add3A_597 = arith.constant 9 : i32
          %add3A_598 = vector.broadcast %add3A_597 : i32 to vector<16xi32>
          %add3A_599 = arith.addi %iota3A, %add3A_598 : vector<16xi32>
          %and3A_600 = arith.constant 15 : i32
          %and3A_601 = vector.broadcast %and3A_600 : i32 to vector<16xi32>
          %and3A_602 = arith.andi %add3A_599, %and3A_601 : vector<16xi32>
          %mul3A_603 = arith.constant 16 : i32
          %mul3A_604 = arith.muli %select_n3A_217, %mul3A_603 : i32
          %add3A_605 = vector.broadcast %mul3A_604 : i32 to vector<16xi32>
          %add3A_606 = arith.addi %and3A_602, %add3A_605 : vector<16xi32>
          %gather3A_607 = tpu.vector_load_idx %arg12[%add3A_221, %add3A_606] : memref<32x128xf32, #tpu.memory_space<vmem>>[vector<16xi32>, vector<16xi32>], vector<16xf32>,
          %mul3A_608 = arith.mulf %gather3A_607, %exp3A : vector<16xf32>
          tpu.vector_store_idx %arg18[%add3A_221, %add3A_606], %mul3A_608 : memref<32x144xf32, #tpu.memory_space<vmem>>[vector<16xi32>, vector<16xi32>], vector<16xf32>,
          %add3A_609 = arith.constant 10 : i32
          %add3A_610 = vector.broadcast %add3A_609 : i32 to vector<16xi32>
          %add3A_611 = arith.addi %iota3A, %add3A_610 : vector<16xi32>
          %and3A_612 = arith.constant 15 : i32
          %and3A_613 = vector.broadcast %and3A_612 : i32 to vector<16xi32>
          %and3A_614 = arith.andi %add3A_611, %and3A_613 : vector<16xi32>
          %mul3A_615 = arith.constant 16 : i32
          %mul3A_616 = arith.muli %select_n3A_217, %mul3A_615 : i32
          %add3A_617 = vector.broadcast %mul3A_616 : i32 to vector<16xi32>
          %add3A_618 = arith.addi %and3A_614, %add3A_617 : vector<16xi32>
          %gather3A_619 = tpu.vector_load_idx %arg12[%add3A_221, %add3A_618] : memref<32x128xf32, #tpu.memory_space<vmem>>[vector<16xi32>, vector<16xi32>], vector<16xf32>,
          %mul3A_620 = arith.mulf %gather3A_619, %exp3A : vector<16xf32>
          tpu.vector_store_idx %arg18[%add3A_221, %add3A_618], %mul3A_620 : memref<32x144xf32, #tpu.memory_space<vmem>>[vector<16xi32>, vector<16xi32>], vector<16xf32>,
          %add3A_621 = arith.constant 11 : i32
          %add3A_622 = vector.broadcast %add3A_621 : i32 to vector<16xi32>
          %add3A_623 = arith.addi %iota3A, %add3A_622 : vector<16xi32>
          %and3A_624 = arith.constant 15 : i32
          %and3A_625 = vector.broadcast %and3A_624 : i32 to vector<16xi32>
          %and3A_626 = arith.andi %add3A_623, %and3A_625 : vector<16xi32>
          %mul3A_627 = arith.constant 16 : i32
          %mul3A_628 = arith.muli %select_n3A_217, %mul3A_627 : i32
          %add3A_629 = vector.broadcast %mul3A_628 : i32 to vector<16xi32>
          %add3A_630 = arith.addi %and3A_626, %add3A_629 : vector<16xi32>
          %gather3A_631 = tpu.vector_load_idx %arg12[%add3A_221, %add3A_630] : memref<32x128xf32, #tpu.memory_space<vmem>>[vector<16xi32>, vector<16xi32>], vector<16xf32>,
          %mul3A_632 = arith.mulf %gather3A_631, %exp3A : vector<16xf32>
          tpu.vector_store_idx %arg18[%add3A_221, %add3A_630], %mul3A_632 : memref<32x144xf32, #tpu.memory_space<vmem>>[vector<16xi32>, vector<16xi32>], vector<16xf32>,
          %add3A_633 = arith.constant 12 : i32
          %add3A_634 = vector.broadcast %add3A_633 : i32 to vector<16xi32>
          %add3A_635 = arith.addi %iota3A, %add3A_634 : vector<16xi32>
          %and3A_636 = arith.constant 15 : i32
          %and3A_637 = vector.broadcast %and3A_636 : i32 to vector<16xi32>
          %and3A_638 = arith.andi %add3A_635, %and3A_637 : vector<16xi32>
          %mul3A_639 = arith.constant 16 : i32
          %mul3A_640 = arith.muli %select_n3A_217, %mul3A_639 : i32
          %add3A_641 = vector.broadcast %mul3A_640 : i32 to vector<16xi32>
          %add3A_642 = arith.addi %and3A_638, %add3A_641 : vector<16xi32>
          %gather3A_643 = tpu.vector_load_idx %arg12[%add3A_221, %add3A_642] : memref<32x128xf32, #tpu.memory_space<vmem>>[vector<16xi32>, vector<16xi32>], vector<16xf32>,
          %mul3A_644 = arith.mulf %gather3A_643, %exp3A : vector<16xf32>
          tpu.vector_store_idx %arg18[%add3A_221, %add3A_642], %mul3A_644 : memref<32x144xf32, #tpu.memory_space<vmem>>[vector<16xi32>, vector<16xi32>], vector<16xf32>,
          %add3A_645 = arith.constant 13 : i32
          %add3A_646 = vector.broadcast %add3A_645 : i32 to vector<16xi32>
          %add3A_647 = arith.addi %iota3A, %add3A_646 : vector<16xi32>
          %and3A_648 = arith.constant 15 : i32
          %and3A_649 = vector.broadcast %and3A_648 : i32 to vector<16xi32>
          %and3A_650 = arith.andi %add3A_647, %and3A_649 : vector<16xi32>
          %mul3A_651 = arith.constant 16 : i32
          %mul3A_652 = arith.muli %select_n3A_217, %mul3A_651 : i32
          %add3A_653 = vector.broadcast %mul3A_652 : i32 to vector<16xi32>
          %add3A_654 = arith.addi %and3A_650, %add3A_653 : vector<16xi32>
          %gather3A_655 = tpu.vector_load_idx %arg12[%add3A_221, %add3A_654] : memref<32x128xf32, #tpu.memory_space<vmem>>[vector<16xi32>, vector<16xi32>], vector<16xf32>,
          %mul3A_656 = arith.mulf %gather3A_655, %exp3A : vector<16xf32>
          tpu.vector_store_idx %arg18[%add3A_221, %add3A_654], %mul3A_656 : memref<32x144xf32, #tpu.memory_space<vmem>>[vector<16xi32>, vector<16xi32>], vector<16xf32>,
          %add3A_657 = arith.constant 14 : i32
          %add3A_658 = vector.broadcast %add3A_657 : i32 to vector<16xi32>
          %add3A_659 = arith.addi %iota3A, %add3A_658 : vector<16xi32>
          %and3A_660 = arith.constant 15 : i32
          %and3A_661 = vector.broadcast %and3A_660 : i32 to vector<16xi32>
          %and3A_662 = arith.andi %add3A_659, %and3A_661 : vector<16xi32>
          %mul3A_663 = arith.constant 16 : i32
          %mul3A_664 = arith.muli %select_n3A_217, %mul3A_663 : i32
          %add3A_665 = vector.broadcast %mul3A_664 : i32 to vector<16xi32>
          %add3A_666 = arith.addi %and3A_662, %add3A_665 : vector<16xi32>
          %gather3A_667 = tpu.vector_load_idx %arg12[%add3A_221, %add3A_666] : memref<32x128xf32, #tpu.memory_space<vmem>>[vector<16xi32>, vector<16xi32>], vector<16xf32>,
          %mul3A_668 = arith.mulf %gather3A_667, %exp3A : vector<16xf32>
          tpu.vector_store_idx %arg18[%add3A_221, %add3A_666], %mul3A_668 : memref<32x144xf32, #tpu.memory_space<vmem>>[vector<16xi32>, vector<16xi32>], vector<16xf32>,
          %add3A_669 = arith.constant 15 : i32
          %add3A_670 = vector.broadcast %add3A_669 : i32 to vector<16xi32>
          %add3A_671 = arith.addi %iota3A, %add3A_670 : vector<16xi32>
          %and3A_672 = arith.constant 15 : i32
          %and3A_673 = vector.broadcast %and3A_672 : i32 to vector<16xi32>
          %and3A_674 = arith.andi %add3A_671, %and3A_673 : vector<16xi32>
          %mul3A_675 = arith.constant 16 : i32
          %mul3A_676 = arith.muli %select_n3A_217, %mul3A_675 : i32
          %add3A_677 = vector.broadcast %mul3A_676 : i32 to vector<16xi32>
          %add3A_678 = arith.addi %and3A_674, %add3A_677 : vector<16xi32>
          %gather3A_679 = tpu.vector_load_idx %arg12[%add3A_221, %add3A_678] : memref<32x128xf32, #tpu.memory_space<vmem>>[vector<16xi32>, vector<16xi32>], vector<16xf32>,
          %mul3A_680 = arith.mulf %gather3A_679, %exp3A : vector<16xf32>
          tpu.vector_store_idx %arg18[%add3A_221, %add3A_678], %mul3A_680 : memref<32x144xf32, #tpu.memory_space<vmem>>[vector<16xi32>, vector<16xi32>], vector<16xf32>,
        }
        %scan3A_157 = arith.constant 16 : i32
        %eq3A_158 = arith.constant 312 : i32
        %eq3A_159 = arith.cmpi eq, %mul3A_99, %eq3A_158 : i32
        %convert_element_type3A_160 = arith.extui %eq3A_159 : i1 to i32
        %cond3A_161 = arith.constant 0 : i32
        %cond3A_162 = arith.cmpi ne, %convert_element_type3A_160, %cond3A_161 : i32
        scf.if %cond3A_162 {
          %scan3A_183 = arith.constant 0 : i32
          %scan3A_184 = arith.constant 16 : i32
          %scan3A_185 = arith.constant 16 : i32
          %scan3A_186 = arith.addi %scan3A_184, %scan3A_185 : i32
          %scan3A_187 = arith.constant 1 : i32
          scf.for %scan3A_189 = %scan3A_184 to %scan3A_186 step %scan3A_187  : i32 {
            %swap3A_190 = arith.index_cast %scan3A_189 : i32 to index
            %swap3A_191 = arith.constant 0 : index
            %swap3A_192 = tpu.vector_load %arg18[%swap3A_190, %swap3A_191] {strides = array<i32>} : memref<32x144xf32, #tpu.memory_space<vmem>>, vector<16xf32>,
            tpu.vector_store %arg18[%swap3A_190, %swap3A_191], %broadcast_in_dim3A_3 {strides = array<i32>} : memref<32x144xf32, #tpu.memory_space<vmem>>, vector<16xf32>,
            %swap3A_193 = arith.index_cast %scan3A_189 : i32 to index
            %swap3A_194 = arith.constant 16 : index
            %swap3A_195 = tpu.vector_load %arg18[%swap3A_193, %swap3A_194] {strides = array<i32>} : memref<32x144xf32, #tpu.memory_space<vmem>>, vector<16xf32>,
            tpu.vector_store %arg18[%swap3A_193, %swap3A_194], %broadcast_in_dim3A_3 {strides = array<i32>} : memref<32x144xf32, #tpu.memory_space<vmem>>, vector<16xf32>,
            %swap3A_196 = arith.index_cast %scan3A_189 : i32 to index
            %swap3A_197 = arith.constant 32 : index
            %swap3A_198 = tpu.vector_load %arg18[%swap3A_196, %swap3A_197] {strides = array<i32>} : memref<32x144xf32, #tpu.memory_space<vmem>>, vector<16xf32>,
            tpu.vector_store %arg18[%swap3A_196, %swap3A_197], %broadcast_in_dim3A_3 {strides = array<i32>} : memref<32x144xf32, #tpu.memory_space<vmem>>, vector<16xf32>,
            %swap3A_199 = arith.index_cast %scan3A_189 : i32 to index
            %swap3A_200 = arith.constant 48 : index
            %swap3A_201 = tpu.vector_load %arg18[%swap3A_199, %swap3A_200] {strides = array<i32>} : memref<32x144xf32, #tpu.memory_space<vmem>>, vector<16xf32>,
            tpu.vector_store %arg18[%swap3A_199, %swap3A_200], %broadcast_in_dim3A_3 {strides = array<i32>} : memref<32x144xf32, #tpu.memory_space<vmem>>, vector<16xf32>,
            %swap3A_202 = arith.index_cast %scan3A_189 : i32 to index
            %swap3A_203 = arith.constant 64 : index
            %swap3A_204 = tpu.vector_load %arg18[%swap3A_202, %swap3A_203] {strides = array<i32>} : memref<32x144xf32, #tpu.memory_space<vmem>>, vector<16xf32>,
            tpu.vector_store %arg18[%swap3A_202, %swap3A_203], %broadcast_in_dim3A_3 {strides = array<i32>} : memref<32x144xf32, #tpu.memory_space<vmem>>, vector<16xf32>,
            %swap3A_205 = arith.index_cast %scan3A_189 : i32 to index
            %swap3A_206 = arith.constant 80 : index
            %swap3A_207 = tpu.vector_load %arg18[%swap3A_205, %swap3A_206] {strides = array<i32>} : memref<32x144xf32, #tpu.memory_space<vmem>>, vector<16xf32>,
            tpu.vector_store %arg18[%swap3A_205, %swap3A_206], %broadcast_in_dim3A_3 {strides = array<i32>} : memref<32x144xf32, #tpu.memory_space<vmem>>, vector<16xf32>,
            %swap3A_208 = arith.index_cast %scan3A_189 : i32 to index
            %swap3A_209 = arith.constant 96 : index
            %swap3A_210 = tpu.vector_load %arg18[%swap3A_208, %swap3A_209] {strides = array<i32>} : memref<32x144xf32, #tpu.memory_space<vmem>>, vector<16xf32>,
            tpu.vector_store %arg18[%swap3A_208, %swap3A_209], %broadcast_in_dim3A_3 {strides = array<i32>} : memref<32x144xf32, #tpu.memory_space<vmem>>, vector<16xf32>,
            %swap3A_211 = arith.index_cast %scan3A_189 : i32 to index
            %swap3A_212 = arith.constant 112 : index
            %swap3A_213 = tpu.vector_load %arg18[%swap3A_211, %swap3A_212] {strides = array<i32>} : memref<32x144xf32, #tpu.memory_space<vmem>>, vector<16xf32>,
            tpu.vector_store %arg18[%swap3A_211, %swap3A_212], %broadcast_in_dim3A_3 {strides = array<i32>} : memref<32x144xf32, #tpu.memory_space<vmem>>, vector<16xf32>,
            %swap3A_214 = arith.index_cast %scan3A_189 : i32 to index
            %swap3A_215 = arith.constant 128 : index
            %swap3A_216 = tpu.vector_load %arg18[%swap3A_214, %swap3A_215] {strides = array<i32>} : memref<32x144xf32, #tpu.memory_space<vmem>>, vector<16xf32>,
            tpu.vector_store %arg18[%swap3A_214, %swap3A_215], %broadcast_in_dim3A_3 {strides = array<i32>} : memref<32x144xf32, #tpu.memory_space<vmem>>, vector<16xf32>,
          }
          %scan3A_188 = arith.constant 16 : i32
        } else {
        }
        %get3A = arith.constant 1 : i32
        %get3A_163 = arith.index_cast %get3A : i32 to index
        %get3A_164 = arith.constant 0 : index
        %get3A_165 = tpu.vector_load %arg8[%get3A_163, %get3A_164] {strides = array<i32>} : memref<2x32xi32, #tpu.memory_space<vmem>>, vector<16xi32>,
        %swap3A = arith.constant 0 : index
        %swap3A_166 = tpu.vector_load %arg19[%swap3A] {strides = array<i32>} : memref<32xi32, #tpu.memory_space<vmem>>, vector<16xi32>,
        tpu.vector_store %arg19[%swap3A], %get3A_165 {strides = array<i32>} : memref<32xi32, #tpu.memory_space<vmem>>, vector<16xi32>,
        %get3A_167 = arith.constant 1 : i32
        %get3A_168 = arith.index_cast %get3A_167 : i32 to index
        %get3A_169 = arith.constant 16 : index
        %get3A_170 = tpu.vector_load %arg8[%get3A_168, %get3A_169] {strides = array<i32>} : memref<2x32xi32, #tpu.memory_space<vmem>>, vector<16xi32>,
        %swap3A_171 = arith.constant 16 : index
        %swap3A_172 = tpu.vector_load %arg19[%swap3A_171] {strides = array<i32>} : memref<32xi32, #tpu.memory_space<vmem>>, vector<16xi32>,
        tpu.vector_store %arg19[%swap3A_171], %get3A_170 {strides = array<i32>} : memref<32xi32, #tpu.memory_space<vmem>>, vector<16xi32>,
        %dma_start3A_173 = arith.constant 0 : i32
        %dma_start3A_174 = arith.constant 0 : i32
        %dma_start3A_175 = tpu.memref_slice %arg20[%dma_start3A_173, %dma_start3A_174] : memref<10000x144xf32, #tpu.memory_space<vmem_shared>> -> memref<10000x144xf32, #tpu.memory_space<vmem_shared>>
        tpu.enqueue_indirect_dma source(%arg18 : memref<32x144xf32, #tpu.memory_space<vmem>>) target(%dma_start3A_175 : memref<10000x144xf32, #tpu.memory_space<vmem_shared>>) offsets(%arg19 : memref<32xi32, #tpu.memory_space<vmem>>) semaphore(%arg31 : memref<!tpu.dma_semaphore, #tpu.memory_space<semaphore_mem>>) {add = true}
        %add3A_176 = arith.constant 2 : i32
        %add3A_177 = arith.addi %mul3A_99, %add3A_176 : i32
        %le3A_178 = arith.constant 312 : i32
        %le3A_179 = arith.cmpi sle, %add3A_177, %le3A_178 : i32
        %convert_element_type3A_180 = arith.extui %le3A_179 : i1 to i32
        %cond3A_181 = arith.constant 0 : i32
        %cond3A_182 = arith.cmpi ne, %convert_element_type3A_180, %cond3A_181 : i32
        scf.if %cond3A_182 {
          %add3A_183 = arith.constant 2 : i32
          %add3A_184 = arith.addi %mul3A_99, %add3A_183 : i32
          %mul3A_185 = arith.constant 32 : i32
          %mul3A_186 = arith.muli %add3A_184, %mul3A_185 : i32
          %add3A_187 = arith.addi %mul3A_2, %mul3A_186 : i32
          %add3A_188 = arith.constant 320064 : i32
          %add3A_189 = arith.addi %add3A_188, %add3A_187 : i32
          %dma_start3A_190 = arith.constant 0 : i32
          %dma_start3A_191 = arith.constant 0 : i32
          %dma_start3A_192 = tpu.memref_slice %arg8[%dma_start3A_190, %dma_start3A_191] : memref<2x32xi32, #tpu.memory_space<vmem>> -> memref<1x32xi32, #tpu.memory_space<vmem>>
          %dma_start3A_193 = tpu.memref_squeeze %dma_start3A_192 : memref<1x32xi32, #tpu.memory_space<vmem>> -> memref<32xi32, #tpu.memory_space<vmem>>
          %dma_start3A_194 = tpu.memref_slice %arg6[%add3A_187] : memref<640128xi32, #tpu.memory_space<hbm>> -> memref<32xi32, #tpu.memory_space<hbm>>
          %dma_start3A_195 = arith.constant 0 : i32
          %dma_start3A_196 = tpu.memref_slice %arg8[%dma_start3A_190, %dma_start3A_195] : memref<2x32xi32, #tpu.memory_space<vmem>> -> memref<1x32xi32, #tpu.memory_space<vmem>>
          %dma_start3A_197 = tpu.memref_squeeze %dma_start3A_196 : memref<1x32xi32, #tpu.memory_space<vmem>> -> memref<32xi32, #tpu.memory_space<vmem>>
          %dma_start3A_198 = tpu.memref_slice %arg6[%add3A_187] : memref<640128xi32, #tpu.memory_space<hbm>> -> memref<32xi32, #tpu.memory_space<hbm>>
          tpu.enqueue_dma source(%dma_start3A_198 : memref<32xi32, #tpu.memory_space<hbm>>) target(%dma_start3A_197 : memref<32xi32, #tpu.memory_space<vmem>>) target_semaphore(%arg29 : memref<!tpu.dma_semaphore, #tpu.memory_space<semaphore_mem>>)
          %dma_start3A_199 = arith.constant 1 : i32
          %dma_start3A_200 = arith.constant 0 : i32
          %dma_start3A_201 = tpu.memref_slice %arg8[%dma_start3A_199, %dma_start3A_200] : memref<2x32xi32, #tpu.memory_space<vmem>> -> memref<1x32xi32, #tpu.memory_space<vmem>>
          %dma_start3A_202 = tpu.memref_squeeze %dma_start3A_201 : memref<1x32xi32, #tpu.memory_space<vmem>> -> memref<32xi32, #tpu.memory_space<vmem>>
          %dma_start3A_203 = tpu.memref_slice %arg6[%add3A_189] : memref<640128xi32, #tpu.memory_space<hbm>> -> memref<32xi32, #tpu.memory_space<hbm>>
          %dma_start3A_204 = arith.constant 0 : i32
          %dma_start3A_205 = tpu.memref_slice %arg8[%dma_start3A_199, %dma_start3A_204] : memref<2x32xi32, #tpu.memory_space<vmem>> -> memref<1x32xi32, #tpu.memory_space<vmem>>
          %dma_start3A_206 = tpu.memref_squeeze %dma_start3A_205 : memref<1x32xi32, #tpu.memory_space<vmem>> -> memref<32xi32, #tpu.memory_space<vmem>>
          %dma_start3A_207 = tpu.memref_slice %arg6[%add3A_189] : memref<640128xi32, #tpu.memory_space<hbm>> -> memref<32xi32, #tpu.memory_space<hbm>>
          tpu.enqueue_dma source(%dma_start3A_207 : memref<32xi32, #tpu.memory_space<hbm>>) target(%dma_start3A_206 : memref<32xi32, #tpu.memory_space<vmem>>) target_semaphore(%arg29 : memref<!tpu.dma_semaphore, #tpu.memory_space<semaphore_mem>>)
        } else {
        }
      } else {
      }
      %mul3A_104 = arith.constant 2 : i32
      %mul3A_105 = arith.muli %scan3A_97, %mul3A_104 : i32
      %add3A_106 = arith.constant 1 : i32
      %add3A_107 = arith.addi %mul3A_105, %add3A_106 : i32
      %le3A_108 = arith.constant 312 : i32
      %le3A_109 = arith.cmpi sle, %add3A_107, %le3A_108 : i32
      %convert_element_type3A_110 = arith.extui %le3A_109 : i1 to i32
      %cond3A_111 = arith.constant 0 : i32
      %cond3A_112 = arith.cmpi ne, %convert_element_type3A_110, %cond3A_111 : i32
      scf.if %cond3A_112 {
        %add3A_113 = arith.constant 1 : i32
        %add3A_114 = arith.addi %add3A_107, %add3A_113 : i32
        %le3A_115 = arith.constant 312 : i32
        %le3A_116 = arith.cmpi sle, %add3A_114, %le3A_115 : i32
        %convert_element_type3A_117 = arith.extui %le3A_116 : i1 to i32
        %cond3A_118 = arith.constant 0 : i32
        %cond3A_119 = arith.cmpi ne, %convert_element_type3A_117, %cond3A_118 : i32
        scf.if %cond3A_119 {
          %add3A_183 = arith.constant 1 : i32
          %add3A_184 = arith.addi %add3A_107, %add3A_183 : i32
          %mul3A_185 = arith.constant 32 : i32
          %mul3A_186 = arith.muli %add3A_184, %mul3A_185 : i32
          %add3A_187 = arith.addi %mul3A_2, %mul3A_186 : i32
          %add3A_188 = arith.constant 320064 : i32
          %add3A_189 = arith.addi %add3A_188, %add3A_187 : i32
          %dma_wait3A_190 = arith.constant 0 : i32
          %dma_wait3A_191 = arith.constant 0 : i32
          %dma_wait3A_192 = tpu.memref_slice %arg8[%dma_wait3A_190, %dma_wait3A_191] : memref<2x32xi32, #tpu.memory_space<vmem>> -> memref<1x32xi32, #tpu.memory_space<vmem>>
          %dma_wait3A_193 = tpu.memref_squeeze %dma_wait3A_192 : memref<1x32xi32, #tpu.memory_space<vmem>> -> memref<32xi32, #tpu.memory_space<vmem>>
          %dma_wait3A_194 = tpu.memref_slice %arg6[%add3A_187] : memref<640128xi32, #tpu.memory_space<hbm>> -> memref<32xi32, #tpu.memory_space<hbm>>
          %dma_wait3A_195 = arith.constant 0 : i32
          %dma_wait3A_196 = tpu.memref_slice %arg8[%dma_wait3A_190, %dma_wait3A_195] : memref<2x32xi32, #tpu.memory_space<vmem>> -> memref<1x32xi32, #tpu.memory_space<vmem>>
          %dma_wait3A_197 = tpu.memref_squeeze %dma_wait3A_196 : memref<1x32xi32, #tpu.memory_space<vmem>> -> memref<32xi32, #tpu.memory_space<vmem>>
          %dma_wait3A_198 = tpu.memref_slice %arg6[%add3A_187] : memref<640128xi32, #tpu.memory_space<hbm>> -> memref<32xi32, #tpu.memory_space<hbm>>
          tpu.wait_dma2 semaphore(%arg29 : memref<!tpu.dma_semaphore, #tpu.memory_space<semaphore_mem>>) src(%dma_wait3A_198 : memref<32xi32, #tpu.memory_space<hbm>>) dst(%dma_wait3A_197 : memref<32xi32, #tpu.memory_space<vmem>>)
          %dma_wait3A_199 = arith.constant 1 : i32
          %dma_wait3A_200 = arith.constant 0 : i32
          %dma_wait3A_201 = tpu.memref_slice %arg8[%dma_wait3A_199, %dma_wait3A_200] : memref<2x32xi32, #tpu.memory_space<vmem>> -> memref<1x32xi32, #tpu.memory_space<vmem>>
          %dma_wait3A_202 = tpu.memref_squeeze %dma_wait3A_201 : memref<1x32xi32, #tpu.memory_space<vmem>> -> memref<32xi32, #tpu.memory_space<vmem>>
          %dma_wait3A_203 = tpu.memref_slice %arg6[%add3A_189] : memref<640128xi32, #tpu.memory_space<hbm>> -> memref<32xi32, #tpu.memory_space<hbm>>
          %dma_wait3A_204 = arith.constant 0 : i32
          %dma_wait3A_205 = tpu.memref_slice %arg8[%dma_wait3A_199, %dma_wait3A_204] : memref<2x32xi32, #tpu.memory_space<vmem>> -> memref<1x32xi32, #tpu.memory_space<vmem>>
          %dma_wait3A_206 = tpu.memref_squeeze %dma_wait3A_205 : memref<1x32xi32, #tpu.memory_space<vmem>> -> memref<32xi32, #tpu.memory_space<vmem>>
          %dma_wait3A_207 = tpu.memref_slice %arg6[%add3A_189] : memref<640128xi32, #tpu.memory_space<hbm>> -> memref<32xi32, #tpu.memory_space<hbm>>
          tpu.wait_dma2 semaphore(%arg29 : memref<!tpu.dma_semaphore, #tpu.memory_space<semaphore_mem>>) src(%dma_wait3A_207 : memref<32xi32, #tpu.memory_space<hbm>>) dst(%dma_wait3A_206 : memref<32xi32, #tpu.memory_space<vmem>>)
          %add3A_208 = arith.constant 1 : i32
          %add3A_209 = arith.addi %add3A_107, %add3A_208 : i32
          %dma_start3A_210 = arith.constant 1 : i32
          %dma_start3A_211 = arith.constant 0 : i32
          %dma_start3A_212 = tpu.memref_slice %arg8[%dma_start3A_210, %dma_start3A_211] : memref<2x32xi32, #tpu.memory_space<vmem>> -> memref<1x32xi32, #tpu.memory_space<vmem>>
          %dma_start3A_213 = tpu.memref_squeeze %dma_start3A_212 : memref<1x32xi32, #tpu.memory_space<vmem>> -> memref<32xi32, #tpu.memory_space<vmem>>
          %dma_start3A_214 = arith.constant 0 : i32
          %dma_start3A_215 = arith.constant 0 : i32
          %dma_start3A_216 = tpu.memref_slice %arg2[%dma_start3A_214, %dma_start3A_215] : memref<10000x128xf32, #tpu.memory_space<hbm>> -> memref<10000x128xf32, #tpu.memory_space<hbm>>
          tpu.enqueue_indirect_dma source(%dma_start3A_216 : memref<10000x128xf32, #tpu.memory_space<hbm>>) target(%arg10 : memref<32x128xf32, #tpu.memory_space<vmem>>) offsets(%dma_start3A_213 : memref<32xi32, #tpu.memory_space<vmem>>) semaphore(%arg21 : memref<!tpu.dma_semaphore, #tpu.memory_space<semaphore_mem>>)
          %dma_start3A_217 = arith.constant 0 : i32
          %dma_start3A_218 = arith.constant 0 : i32
          %dma_start3A_219 = tpu.memref_slice %arg8[%dma_start3A_217, %dma_start3A_218] : memref<2x32xi32, #tpu.memory_space<vmem>> -> memref<1x32xi32, #tpu.memory_space<vmem>>
          %dma_start3A_220 = tpu.memref_squeeze %dma_start3A_219 : memref<1x32xi32, #tpu.memory_space<vmem>> -> memref<32xi32, #tpu.memory_space<vmem>>
          %dma_start3A_221 = arith.constant 0 : i32
          %dma_start3A_222 = arith.constant 0 : i32
          %dma_start3A_223 = tpu.memref_slice %arg3[%dma_start3A_221, %dma_start3A_222] : memref<10000x128xf32, #tpu.memory_space<hbm>> -> memref<10000x128xf32, #tpu.memory_space<hbm>>
          tpu.enqueue_indirect_dma source(%dma_start3A_223 : memref<10000x128xf32, #tpu.memory_space<hbm>>) target(%arg11 : memref<32x128xf32, #tpu.memory_space<vmem>>) offsets(%dma_start3A_220 : memref<32xi32, #tpu.memory_space<vmem>>) semaphore(%arg22 : memref<!tpu.dma_semaphore, #tpu.memory_space<semaphore_mem>>)
          %dma_start3A_224 = arith.constant 0 : i32
          %dma_start3A_225 = arith.constant 0 : i32
          %dma_start3A_226 = tpu.memref_slice %arg8[%dma_start3A_224, %dma_start3A_225] : memref<2x32xi32, #tpu.memory_space<vmem>> -> memref<1x32xi32, #tpu.memory_space<vmem>>
          %dma_start3A_227 = tpu.memref_squeeze %dma_start3A_226 : memref<1x32xi32, #tpu.memory_space<vmem>> -> memref<32xi32, #tpu.memory_space<vmem>>
          %dma_start3A_228 = arith.constant 0 : i32
          %dma_start3A_229 = arith.constant 0 : i32
          %dma_start3A_230 = tpu.memref_slice %arg4[%dma_start3A_228, %dma_start3A_229] : memref<10000x128xf32, #tpu.memory_space<hbm>> -> memref<10000x128xf32, #tpu.memory_space<hbm>>
          tpu.enqueue_indirect_dma source(%dma_start3A_230 : memref<10000x128xf32, #tpu.memory_space<hbm>>) target(%arg12 : memref<32x128xf32, #tpu.memory_space<vmem>>) offsets(%dma_start3A_227 : memref<32xi32, #tpu.memory_space<vmem>>) semaphore(%arg23 : memref<!tpu.dma_semaphore, #tpu.memory_space<semaphore_mem>>)
          %mul3A_231 = arith.constant 32 : i32
          %mul3A_232 = arith.muli %add3A_209, %mul3A_231 : i32
          %add3A_233 = arith.addi %mul3A_2, %mul3A_232 : i32
          %dma_start3A_234 = arith.constant 0 : i32
          %dma_start3A_235 = tpu.memref_slice %arg5[%add3A_233, %dma_start3A_234] : memref<324000x128xf32, #tpu.memory_space<hbm>> -> memref<32x128xf32, #tpu.memory_space<hbm>>
          %dma_start3A_236 = arith.constant 0 : i32
          %dma_start3A_237 = tpu.memref_slice %arg5[%add3A_233, %dma_start3A_236] : memref<324000x128xf32, #tpu.memory_space<hbm>> -> memref<32x128xf32, #tpu.memory_space<hbm>>
          tpu.enqueue_dma source(%dma_start3A_237 : memref<32x128xf32, #tpu.memory_space<hbm>>) target(%arg13 : memref<32x128xf32, #tpu.memory_space<vmem>>) target_semaphore(%arg24 : memref<!tpu.dma_semaphore, #tpu.memory_space<semaphore_mem>>)
        } else {
        }
        %dma_wait3A_120 = arith.constant 1 : i32
        %dma_wait3A_121 = arith.constant 0 : i32
        %dma_wait3A_122 = tpu.memref_slice %arg9[%dma_wait3A_120, %dma_wait3A_121] : memref<2x32xi32, #tpu.memory_space<vmem>> -> memref<1x32xi32, #tpu.memory_space<vmem>>
        %dma_wait3A_123 = tpu.memref_squeeze %dma_wait3A_122 : memref<1x32xi32, #tpu.memory_space<vmem>> -> memref<32xi32, #tpu.memory_space<vmem>>
        %dma_wait3A_124 = arith.constant 0 : i32
        %dma_wait3A_125 = arith.constant 0 : i32
        %dma_wait3A_126 = tpu.memref_slice %arg2[%dma_wait3A_124, %dma_wait3A_125] : memref<10000x128xf32, #tpu.memory_space<hbm>> -> memref<10000x128xf32, #tpu.memory_space<hbm>>
        tpu.wait_indirect_dma semaphore(%arg25 : memref<!tpu.dma_semaphore, #tpu.memory_space<semaphore_mem>>) src(%dma_wait3A_126 : memref<10000x128xf32, #tpu.memory_space<hbm>>) dst(%arg14 : memref<32x128xf32, #tpu.memory_space<vmem>>)
        %dma_wait3A_127 = arith.constant 0 : i32
        %dma_wait3A_128 = arith.constant 0 : i32
        %dma_wait3A_129 = tpu.memref_slice %arg9[%dma_wait3A_127, %dma_wait3A_128] : memref<2x32xi32, #tpu.memory_space<vmem>> -> memref<1x32xi32, #tpu.memory_space<vmem>>
        %dma_wait3A_130 = tpu.memref_squeeze %dma_wait3A_129 : memref<1x32xi32, #tpu.memory_space<vmem>> -> memref<32xi32, #tpu.memory_space<vmem>>
        %dma_wait3A_131 = arith.constant 0 : i32
        %dma_wait3A_132 = arith.constant 0 : i32
        %dma_wait3A_133 = tpu.memref_slice %arg3[%dma_wait3A_131, %dma_wait3A_132] : memref<10000x128xf32, #tpu.memory_space<hbm>> -> memref<10000x128xf32, #tpu.memory_space<hbm>>
        tpu.wait_indirect_dma semaphore(%arg26 : memref<!tpu.dma_semaphore, #tpu.memory_space<semaphore_mem>>) src(%dma_wait3A_133 : memref<10000x128xf32, #tpu.memory_space<hbm>>) dst(%arg15 : memref<32x128xf32, #tpu.memory_space<vmem>>)
        %dma_wait3A_134 = arith.constant 0 : i32
        %dma_wait3A_135 = arith.constant 0 : i32
        %dma_wait3A_136 = tpu.memref_slice %arg9[%dma_wait3A_134, %dma_wait3A_135] : memref<2x32xi32, #tpu.memory_space<vmem>> -> memref<1x32xi32, #tpu.memory_space<vmem>>
        %dma_wait3A_137 = tpu.memref_squeeze %dma_wait3A_136 : memref<1x32xi32, #tpu.memory_space<vmem>> -> memref<32xi32, #tpu.memory_space<vmem>>
        %dma_wait3A_138 = arith.constant 0 : i32
        %dma_wait3A_139 = arith.constant 0 : i32
        %dma_wait3A_140 = tpu.memref_slice %arg4[%dma_wait3A_138, %dma_wait3A_139] : memref<10000x128xf32, #tpu.memory_space<hbm>> -> memref<10000x128xf32, #tpu.memory_space<hbm>>
        tpu.wait_indirect_dma semaphore(%arg27 : memref<!tpu.dma_semaphore, #tpu.memory_space<semaphore_mem>>) src(%dma_wait3A_140 : memref<10000x128xf32, #tpu.memory_space<hbm>>) dst(%arg16 : memref<32x128xf32, #tpu.memory_space<vmem>>)
        %mul3A_141 = arith.constant 32 : i32
        %mul3A_142 = arith.muli %add3A_107, %mul3A_141 : i32
        %add3A_143 = arith.addi %mul3A_2, %mul3A_142 : i32
        %dma_wait3A_144 = arith.constant 0 : i32
        %dma_wait3A_145 = tpu.memref_slice %arg5[%add3A_143, %dma_wait3A_144] : memref<324000x128xf32, #tpu.memory_space<hbm>> -> memref<32x128xf32, #tpu.memory_space<hbm>>
        %dma_wait3A_146 = arith.constant 0 : i32
        %dma_wait3A_147 = tpu.memref_slice %arg5[%add3A_143, %dma_wait3A_146] : memref<324000x128xf32, #tpu.memory_space<hbm>> -> memref<32x128xf32, #tpu.memory_space<hbm>>
        tpu.wait_dma2 semaphore(%arg28 : memref<!tpu.dma_semaphore, #tpu.memory_space<semaphore_mem>>) src(%dma_wait3A_147 : memref<32x128xf32, #tpu.memory_space<hbm>>) dst(%arg17 : memref<32x128xf32, #tpu.memory_space<vmem>>)
        %ge3A = arith.constant 1 : i32
        %ge3A_148 = arith.cmpi sge, %add3A_107, %ge3A : i32
        %convert_element_type3A_149 = arith.extui %ge3A_148 : i1 to i32
        %cond3A_150 = arith.constant 0 : i32
        %cond3A_151 = arith.cmpi ne, %convert_element_type3A_149, %cond3A_150 : i32
        scf.if %cond3A_151 {
          %dma_wait3A_183 = arith.constant 0 : i32
          %dma_wait3A_184 = arith.constant 0 : i32
          %dma_wait3A_185 = tpu.memref_slice %arg20[%dma_wait3A_183, %dma_wait3A_184] : memref<10000x144xf32, #tpu.memory_space<vmem_shared>> -> memref<10000x144xf32, #tpu.memory_space<vmem_shared>>
          tpu.wait_indirect_dma semaphore(%arg31 : memref<!tpu.dma_semaphore, #tpu.memory_space<semaphore_mem>>) src(%arg18 : memref<32x144xf32, #tpu.memory_space<vmem>>) dst(%dma_wait3A_185 : memref<10000x144xf32, #tpu.memory_space<vmem_shared>>)
        } else {
        }
        %iota3A = tpu.iota {dimensions = array<i32: 0>} : vector<16xi32>
        %scan3A_152 = arith.constant 0 : i32
        %scan3A_153 = arith.constant 0 : i32
        %scan3A_154 = arith.constant 16 : i32
        %scan3A_155 = arith.addi %scan3A_153, %scan3A_154 : i32
        %scan3A_156 = arith.constant 1 : i32
        scf.for %scan3A_183 = %scan3A_153 to %scan3A_155 step %scan3A_156  : i32 {
          %jit3A_184 = arith.constant 8 : i32
          %div3A = arith.divsi %scan3A_183, %jit3A_184 : i32
          %sign3A = arith.constant 0 : i32
          %sign3A_185 = arith.cmpi sgt, %scan3A_183, %sign3A : i32
          %sign3A_186 = arith.extui %sign3A_185 : i1 to i32
          %sign3A_187 = arith.constant 0 : i32
          %sign3A_188 = arith.cmpi slt, %scan3A_183, %sign3A_187 : i32
          %sign3A_189 = arith.extui %sign3A_188 : i1 to i32
          %sign3A_190 = arith.subi %sign3A_186, %sign3A_189 : i32
          %sign3A_191 = arith.constant 0 : i32
          %sign3A_192 = arith.cmpi sgt, %jit3A_184, %sign3A_191 : i32
          %sign3A_193 = arith.extui %sign3A_192 : i1 to i32
          %sign3A_194 = arith.constant 0 : i32
          %sign3A_195 = arith.cmpi slt, %jit3A_184, %sign3A_194 : i32
          %sign3A_196 = arith.extui %sign3A_195 : i1 to i32
          %sign3A_197 = arith.subi %sign3A_193, %sign3A_196 : i32
          %ne3A = arith.cmpi ne, %sign3A_190, %sign3A_197 : i32
          %rem3A = arith.remsi %scan3A_183, %jit3A_184 : i32
          %ne3A_198 = arith.constant 0 : i32
          %ne3A_199 = arith.cmpi ne, %rem3A, %ne3A_198 : i32
          %and3A = arith.andi %ne3A, %ne3A_199 : i1
          %sub3A = arith.constant 1 : i32
          %sub3A_200 = arith.subi %div3A, %sub3A : i32
          %select_n3A_201 = arith.select %and3A, %sub3A_200, %div3A : i32
          %jit3A_202 = arith.constant 8 : i32
          %eq3A_203 = arith.constant 0 : i32
          %eq3A_204 = arith.cmpi eq, %jit3A_202, %eq3A_203 : i32
          %jit3A_205 = arith.constant 1 : i32
          %select_n3A_206 = arith.select %eq3A_204, %jit3A_205, %jit3A_202 : i32
          %rem3A_207 = arith.remsi %scan3A_183, %select_n3A_206 : i32
          %ne3A_208 = arith.constant 0 : i32
          %ne3A_209 = arith.cmpi ne, %rem3A_207, %ne3A_208 : i32
          %lt3A_210 = arith.constant 0 : i32
          %lt3A_211 = arith.cmpi slt, %rem3A_207, %lt3A_210 : i32
          %lt3A_212 = arith.constant 0 : i32
          %lt3A_213 = arith.cmpi slt, %select_n3A_206, %lt3A_212 : i32
          %ne3A_214 = arith.xori %lt3A_211, %lt3A_213 : i1
          %and3A_215 = arith.andi %ne3A_214, %ne3A_209 : i1
          %add3A_216 = arith.addi %rem3A_207, %select_n3A_206 : i32
          %select_n3A_217 = arith.select %and3A_215, %add3A_216, %rem3A_207 : i32
          %mul3A_218 = arith.constant 16 : i32
          %mul3A_219 = arith.muli %select_n3A_201, %mul3A_218 : i32
          %add3A_220 = vector.broadcast %mul3A_219 : i32 to vector<16xi32>
          %add3A_221 = arith.addi %add3A_220, %iota3A : vector<16xi32>
          %broadcast_in_dim3A_222 = arith.constant 0.000000e+00 : f32
          %broadcast_in_dim3A_223 = vector.broadcast %broadcast_in_dim3A_222 : f32 to vector<16xf32>
          %add3A_224 = arith.constant 0 : i32
          %add3A_225 = vector.broadcast %add3A_224 : i32 to vector<16xi32>
          %add3A_226 = arith.addi %iota3A, %add3A_225 : vector<16xi32>
          %and3A_227 = arith.constant 15 : i32
          %and3A_228 = vector.broadcast %and3A_227 : i32 to vector<16xi32>
          %and3A_229 = arith.andi %add3A_226, %and3A_228 : vector<16xi32>
          %mul3A_230 = arith.constant 16 : i32
          %mul3A_231 = arith.muli %select_n3A_217, %mul3A_230 : i32
          %add3A_232 = vector.broadcast %mul3A_231 : i32 to vector<16xi32>
          %add3A_233 = arith.addi %and3A_229, %add3A_232 : vector<16xi32>
          %gather3A = tpu.vector_load_idx %arg15[%add3A_221, %add3A_233] : memref<32x128xf32, #tpu.memory_space<vmem>>[vector<16xi32>, vector<16xi32>], vector<16xf32>,
          %gather3A_234 = tpu.vector_load_idx %arg14[%add3A_221, %add3A_233] : memref<32x128xf32, #tpu.memory_space<vmem>>[vector<16xi32>, vector<16xi32>], vector<16xf32>,
          %gather3A_235 = tpu.vector_load_idx %arg17[%add3A_221, %add3A_233] : memref<32x128xf32, #tpu.memory_space<vmem>>[vector<16xi32>, vector<16xi32>], vector<16xf32>,
          %mul3A_236 = arith.mulf %gather3A, %gather3A_234 : vector<16xf32>
          %mul3A_237 = arith.mulf %mul3A_236, %gather3A_235 : vector<16xf32>
          %add3A_238 = arith.addf %broadcast_in_dim3A_223, %mul3A_237 : vector<16xf32>
          %add3A_239 = arith.constant 1 : i32
          %add3A_240 = vector.broadcast %add3A_239 : i32 to vector<16xi32>
          %add3A_241 = arith.addi %iota3A, %add3A_240 : vector<16xi32>
          %and3A_242 = arith.constant 15 : i32
          %and3A_243 = vector.broadcast %and3A_242 : i32 to vector<16xi32>
          %and3A_244 = arith.andi %add3A_241, %and3A_243 : vector<16xi32>
          %mul3A_245 = arith.constant 16 : i32
          %mul3A_246 = arith.muli %select_n3A_217, %mul3A_245 : i32
          %add3A_247 = vector.broadcast %mul3A_246 : i32 to vector<16xi32>
          %add3A_248 = arith.addi %and3A_244, %add3A_247 : vector<16xi32>
          %gather3A_249 = tpu.vector_load_idx %arg15[%add3A_221, %add3A_248] : memref<32x128xf32, #tpu.memory_space<vmem>>[vector<16xi32>, vector<16xi32>], vector<16xf32>,
          %gather3A_250 = tpu.vector_load_idx %arg14[%add3A_221, %add3A_248] : memref<32x128xf32, #tpu.memory_space<vmem>>[vector<16xi32>, vector<16xi32>], vector<16xf32>,
          %gather3A_251 = tpu.vector_load_idx %arg17[%add3A_221, %add3A_248] : memref<32x128xf32, #tpu.memory_space<vmem>>[vector<16xi32>, vector<16xi32>], vector<16xf32>,
          %mul3A_252 = arith.mulf %gather3A_249, %gather3A_250 : vector<16xf32>
          %mul3A_253 = arith.mulf %mul3A_252, %gather3A_251 : vector<16xf32>
          %add3A_254 = arith.addf %add3A_238, %mul3A_253 : vector<16xf32>
          %add3A_255 = arith.constant 2 : i32
          %add3A_256 = vector.broadcast %add3A_255 : i32 to vector<16xi32>
          %add3A_257 = arith.addi %iota3A, %add3A_256 : vector<16xi32>
          %and3A_258 = arith.constant 15 : i32
          %and3A_259 = vector.broadcast %and3A_258 : i32 to vector<16xi32>
          %and3A_260 = arith.andi %add3A_257, %and3A_259 : vector<16xi32>
          %mul3A_261 = arith.constant 16 : i32
          %mul3A_262 = arith.muli %select_n3A_217, %mul3A_261 : i32
          %add3A_263 = vector.broadcast %mul3A_262 : i32 to vector<16xi32>
          %add3A_264 = arith.addi %and3A_260, %add3A_263 : vector<16xi32>
          %gather3A_265 = tpu.vector_load_idx %arg15[%add3A_221, %add3A_264] : memref<32x128xf32, #tpu.memory_space<vmem>>[vector<16xi32>, vector<16xi32>], vector<16xf32>,
          %gather3A_266 = tpu.vector_load_idx %arg14[%add3A_221, %add3A_264] : memref<32x128xf32, #tpu.memory_space<vmem>>[vector<16xi32>, vector<16xi32>], vector<16xf32>,
          %gather3A_267 = tpu.vector_load_idx %arg17[%add3A_221, %add3A_264] : memref<32x128xf32, #tpu.memory_space<vmem>>[vector<16xi32>, vector<16xi32>], vector<16xf32>,
          %mul3A_268 = arith.mulf %gather3A_265, %gather3A_266 : vector<16xf32>
          %mul3A_269 = arith.mulf %mul3A_268, %gather3A_267 : vector<16xf32>
          %add3A_270 = arith.addf %add3A_254, %mul3A_269 : vector<16xf32>
          %add3A_271 = arith.constant 3 : i32
          %add3A_272 = vector.broadcast %add3A_271 : i32 to vector<16xi32>
          %add3A_273 = arith.addi %iota3A, %add3A_272 : vector<16xi32>
          %and3A_274 = arith.constant 15 : i32
          %and3A_275 = vector.broadcast %and3A_274 : i32 to vector<16xi32>
          %and3A_276 = arith.andi %add3A_273, %and3A_275 : vector<16xi32>
          %mul3A_277 = arith.constant 16 : i32
          %mul3A_278 = arith.muli %select_n3A_217, %mul3A_277 : i32
          %add3A_279 = vector.broadcast %mul3A_278 : i32 to vector<16xi32>
          %add3A_280 = arith.addi %and3A_276, %add3A_279 : vector<16xi32>
          %gather3A_281 = tpu.vector_load_idx %arg15[%add3A_221, %add3A_280] : memref<32x128xf32, #tpu.memory_space<vmem>>[vector<16xi32>, vector<16xi32>], vector<16xf32>,
          %gather3A_282 = tpu.vector_load_idx %arg14[%add3A_221, %add3A_280] : memref<32x128xf32, #tpu.memory_space<vmem>>[vector<16xi32>, vector<16xi32>], vector<16xf32>,
          %gather3A_283 = tpu.vector_load_idx %arg17[%add3A_221, %add3A_280] : memref<32x128xf32, #tpu.memory_space<vmem>>[vector<16xi32>, vector<16xi32>], vector<16xf32>,
          %mul3A_284 = arith.mulf %gather3A_281, %gather3A_282 : vector<16xf32>
          %mul3A_285 = arith.mulf %mul3A_284, %gather3A_283 : vector<16xf32>
          %add3A_286 = arith.addf %add3A_270, %mul3A_285 : vector<16xf32>
          %add3A_287 = arith.constant 4 : i32
          %add3A_288 = vector.broadcast %add3A_287 : i32 to vector<16xi32>
          %add3A_289 = arith.addi %iota3A, %add3A_288 : vector<16xi32>
          %and3A_290 = arith.constant 15 : i32
          %and3A_291 = vector.broadcast %and3A_290 : i32 to vector<16xi32>
          %and3A_292 = arith.andi %add3A_289, %and3A_291 : vector<16xi32>
          %mul3A_293 = arith.constant 16 : i32
          %mul3A_294 = arith.muli %select_n3A_217, %mul3A_293 : i32
          %add3A_295 = vector.broadcast %mul3A_294 : i32 to vector<16xi32>
          %add3A_296 = arith.addi %and3A_292, %add3A_295 : vector<16xi32>
          %gather3A_297 = tpu.vector_load_idx %arg15[%add3A_221, %add3A_296] : memref<32x128xf32, #tpu.memory_space<vmem>>[vector<16xi32>, vector<16xi32>], vector<16xf32>,
          %gather3A_298 = tpu.vector_load_idx %arg14[%add3A_221, %add3A_296] : memref<32x128xf32, #tpu.memory_space<vmem>>[vector<16xi32>, vector<16xi32>], vector<16xf32>,
          %gather3A_299 = tpu.vector_load_idx %arg17[%add3A_221, %add3A_296] : memref<32x128xf32, #tpu.memory_space<vmem>>[vector<16xi32>, vector<16xi32>], vector<16xf32>,
          %mul3A_300 = arith.mulf %gather3A_297, %gather3A_298 : vector<16xf32>
          %mul3A_301 = arith.mulf %mul3A_300, %gather3A_299 : vector<16xf32>
          %add3A_302 = arith.addf %add3A_286, %mul3A_301 : vector<16xf32>
          %add3A_303 = arith.constant 5 : i32
          %add3A_304 = vector.broadcast %add3A_303 : i32 to vector<16xi32>
          %add3A_305 = arith.addi %iota3A, %add3A_304 : vector<16xi32>
          %and3A_306 = arith.constant 15 : i32
          %and3A_307 = vector.broadcast %and3A_306 : i32 to vector<16xi32>
          %and3A_308 = arith.andi %add3A_305, %and3A_307 : vector<16xi32>
          %mul3A_309 = arith.constant 16 : i32
          %mul3A_310 = arith.muli %select_n3A_217, %mul3A_309 : i32
          %add3A_311 = vector.broadcast %mul3A_310 : i32 to vector<16xi32>
          %add3A_312 = arith.addi %and3A_308, %add3A_311 : vector<16xi32>
          %gather3A_313 = tpu.vector_load_idx %arg15[%add3A_221, %add3A_312] : memref<32x128xf32, #tpu.memory_space<vmem>>[vector<16xi32>, vector<16xi32>], vector<16xf32>,
          %gather3A_314 = tpu.vector_load_idx %arg14[%add3A_221, %add3A_312] : memref<32x128xf32, #tpu.memory_space<vmem>>[vector<16xi32>, vector<16xi32>], vector<16xf32>,
          %gather3A_315 = tpu.vector_load_idx %arg17[%add3A_221, %add3A_312] : memref<32x128xf32, #tpu.memory_space<vmem>>[vector<16xi32>, vector<16xi32>], vector<16xf32>,
          %mul3A_316 = arith.mulf %gather3A_313, %gather3A_314 : vector<16xf32>
          %mul3A_317 = arith.mulf %mul3A_316, %gather3A_315 : vector<16xf32>
          %add3A_318 = arith.addf %add3A_302, %mul3A_317 : vector<16xf32>
          %add3A_319 = arith.constant 6 : i32
          %add3A_320 = vector.broadcast %add3A_319 : i32 to vector<16xi32>
          %add3A_321 = arith.addi %iota3A, %add3A_320 : vector<16xi32>
          %and3A_322 = arith.constant 15 : i32
          %and3A_323 = vector.broadcast %and3A_322 : i32 to vector<16xi32>
          %and3A_324 = arith.andi %add3A_321, %and3A_323 : vector<16xi32>
          %mul3A_325 = arith.constant 16 : i32
          %mul3A_326 = arith.muli %select_n3A_217, %mul3A_325 : i32
          %add3A_327 = vector.broadcast %mul3A_326 : i32 to vector<16xi32>
          %add3A_328 = arith.addi %and3A_324, %add3A_327 : vector<16xi32>
          %gather3A_329 = tpu.vector_load_idx %arg15[%add3A_221, %add3A_328] : memref<32x128xf32, #tpu.memory_space<vmem>>[vector<16xi32>, vector<16xi32>], vector<16xf32>,
          %gather3A_330 = tpu.vector_load_idx %arg14[%add3A_221, %add3A_328] : memref<32x128xf32, #tpu.memory_space<vmem>>[vector<16xi32>, vector<16xi32>], vector<16xf32>,
          %gather3A_331 = tpu.vector_load_idx %arg17[%add3A_221, %add3A_328] : memref<32x128xf32, #tpu.memory_space<vmem>>[vector<16xi32>, vector<16xi32>], vector<16xf32>,
          %mul3A_332 = arith.mulf %gather3A_329, %gather3A_330 : vector<16xf32>
          %mul3A_333 = arith.mulf %mul3A_332, %gather3A_331 : vector<16xf32>
          %add3A_334 = arith.addf %add3A_318, %mul3A_333 : vector<16xf32>
          %add3A_335 = arith.constant 7 : i32
          %add3A_336 = vector.broadcast %add3A_335 : i32 to vector<16xi32>
          %add3A_337 = arith.addi %iota3A, %add3A_336 : vector<16xi32>
          %and3A_338 = arith.constant 15 : i32
          %and3A_339 = vector.broadcast %and3A_338 : i32 to vector<16xi32>
          %and3A_340 = arith.andi %add3A_337, %and3A_339 : vector<16xi32>
          %mul3A_341 = arith.constant 16 : i32
          %mul3A_342 = arith.muli %select_n3A_217, %mul3A_341 : i32
          %add3A_343 = vector.broadcast %mul3A_342 : i32 to vector<16xi32>
          %add3A_344 = arith.addi %and3A_340, %add3A_343 : vector<16xi32>
          %gather3A_345 = tpu.vector_load_idx %arg15[%add3A_221, %add3A_344] : memref<32x128xf32, #tpu.memory_space<vmem>>[vector<16xi32>, vector<16xi32>], vector<16xf32>,
          %gather3A_346 = tpu.vector_load_idx %arg14[%add3A_221, %add3A_344] : memref<32x128xf32, #tpu.memory_space<vmem>>[vector<16xi32>, vector<16xi32>], vector<16xf32>,
          %gather3A_347 = tpu.vector_load_idx %arg17[%add3A_221, %add3A_344] : memref<32x128xf32, #tpu.memory_space<vmem>>[vector<16xi32>, vector<16xi32>], vector<16xf32>,
          %mul3A_348 = arith.mulf %gather3A_345, %gather3A_346 : vector<16xf32>
          %mul3A_349 = arith.mulf %mul3A_348, %gather3A_347 : vector<16xf32>
          %add3A_350 = arith.addf %add3A_334, %mul3A_349 : vector<16xf32>
          %add3A_351 = arith.constant 8 : i32
          %add3A_352 = vector.broadcast %add3A_351 : i32 to vector<16xi32>
          %add3A_353 = arith.addi %iota3A, %add3A_352 : vector<16xi32>
          %and3A_354 = arith.constant 15 : i32
          %and3A_355 = vector.broadcast %and3A_354 : i32 to vector<16xi32>
          %and3A_356 = arith.andi %add3A_353, %and3A_355 : vector<16xi32>
          %mul3A_357 = arith.constant 16 : i32
          %mul3A_358 = arith.muli %select_n3A_217, %mul3A_357 : i32
          %add3A_359 = vector.broadcast %mul3A_358 : i32 to vector<16xi32>
          %add3A_360 = arith.addi %and3A_356, %add3A_359 : vector<16xi32>
          %gather3A_361 = tpu.vector_load_idx %arg15[%add3A_221, %add3A_360] : memref<32x128xf32, #tpu.memory_space<vmem>>[vector<16xi32>, vector<16xi32>], vector<16xf32>,
          %gather3A_362 = tpu.vector_load_idx %arg14[%add3A_221, %add3A_360] : memref<32x128xf32, #tpu.memory_space<vmem>>[vector<16xi32>, vector<16xi32>], vector<16xf32>,
          %gather3A_363 = tpu.vector_load_idx %arg17[%add3A_221, %add3A_360] : memref<32x128xf32, #tpu.memory_space<vmem>>[vector<16xi32>, vector<16xi32>], vector<16xf32>,
          %mul3A_364 = arith.mulf %gather3A_361, %gather3A_362 : vector<16xf32>
          %mul3A_365 = arith.mulf %mul3A_364, %gather3A_363 : vector<16xf32>
          %add3A_366 = arith.addf %add3A_350, %mul3A_365 : vector<16xf32>
          %add3A_367 = arith.constant 9 : i32
          %add3A_368 = vector.broadcast %add3A_367 : i32 to vector<16xi32>
          %add3A_369 = arith.addi %iota3A, %add3A_368 : vector<16xi32>
          %and3A_370 = arith.constant 15 : i32
          %and3A_371 = vector.broadcast %and3A_370 : i32 to vector<16xi32>
          %and3A_372 = arith.andi %add3A_369, %and3A_371 : vector<16xi32>
          %mul3A_373 = arith.constant 16 : i32
          %mul3A_374 = arith.muli %select_n3A_217, %mul3A_373 : i32
          %add3A_375 = vector.broadcast %mul3A_374 : i32 to vector<16xi32>
          %add3A_376 = arith.addi %and3A_372, %add3A_375 : vector<16xi32>
          %gather3A_377 = tpu.vector_load_idx %arg15[%add3A_221, %add3A_376] : memref<32x128xf32, #tpu.memory_space<vmem>>[vector<16xi32>, vector<16xi32>], vector<16xf32>,
          %gather3A_378 = tpu.vector_load_idx %arg14[%add3A_221, %add3A_376] : memref<32x128xf32, #tpu.memory_space<vmem>>[vector<16xi32>, vector<16xi32>], vector<16xf32>,
          %gather3A_379 = tpu.vector_load_idx %arg17[%add3A_221, %add3A_376] : memref<32x128xf32, #tpu.memory_space<vmem>>[vector<16xi32>, vector<16xi32>], vector<16xf32>,
          %mul3A_380 = arith.mulf %gather3A_377, %gather3A_378 : vector<16xf32>
          %mul3A_381 = arith.mulf %mul3A_380, %gather3A_379 : vector<16xf32>
          %add3A_382 = arith.addf %add3A_366, %mul3A_381 : vector<16xf32>
          %add3A_383 = arith.constant 10 : i32
          %add3A_384 = vector.broadcast %add3A_383 : i32 to vector<16xi32>
          %add3A_385 = arith.addi %iota3A, %add3A_384 : vector<16xi32>
          %and3A_386 = arith.constant 15 : i32
          %and3A_387 = vector.broadcast %and3A_386 : i32 to vector<16xi32>
          %and3A_388 = arith.andi %add3A_385, %and3A_387 : vector<16xi32>
          %mul3A_389 = arith.constant 16 : i32
          %mul3A_390 = arith.muli %select_n3A_217, %mul3A_389 : i32
          %add3A_391 = vector.broadcast %mul3A_390 : i32 to vector<16xi32>
          %add3A_392 = arith.addi %and3A_388, %add3A_391 : vector<16xi32>
          %gather3A_393 = tpu.vector_load_idx %arg15[%add3A_221, %add3A_392] : memref<32x128xf32, #tpu.memory_space<vmem>>[vector<16xi32>, vector<16xi32>], vector<16xf32>,
          %gather3A_394 = tpu.vector_load_idx %arg14[%add3A_221, %add3A_392] : memref<32x128xf32, #tpu.memory_space<vmem>>[vector<16xi32>, vector<16xi32>], vector<16xf32>,
          %gather3A_395 = tpu.vector_load_idx %arg17[%add3A_221, %add3A_392] : memref<32x128xf32, #tpu.memory_space<vmem>>[vector<16xi32>, vector<16xi32>], vector<16xf32>,
          %mul3A_396 = arith.mulf %gather3A_393, %gather3A_394 : vector<16xf32>
          %mul3A_397 = arith.mulf %mul3A_396, %gather3A_395 : vector<16xf32>
          %add3A_398 = arith.addf %add3A_382, %mul3A_397 : vector<16xf32>
          %add3A_399 = arith.constant 11 : i32
          %add3A_400 = vector.broadcast %add3A_399 : i32 to vector<16xi32>
          %add3A_401 = arith.addi %iota3A, %add3A_400 : vector<16xi32>
          %and3A_402 = arith.constant 15 : i32
          %and3A_403 = vector.broadcast %and3A_402 : i32 to vector<16xi32>
          %and3A_404 = arith.andi %add3A_401, %and3A_403 : vector<16xi32>
          %mul3A_405 = arith.constant 16 : i32
          %mul3A_406 = arith.muli %select_n3A_217, %mul3A_405 : i32
          %add3A_407 = vector.broadcast %mul3A_406 : i32 to vector<16xi32>
          %add3A_408 = arith.addi %and3A_404, %add3A_407 : vector<16xi32>
          %gather3A_409 = tpu.vector_load_idx %arg15[%add3A_221, %add3A_408] : memref<32x128xf32, #tpu.memory_space<vmem>>[vector<16xi32>, vector<16xi32>], vector<16xf32>,
          %gather3A_410 = tpu.vector_load_idx %arg14[%add3A_221, %add3A_408] : memref<32x128xf32, #tpu.memory_space<vmem>>[vector<16xi32>, vector<16xi32>], vector<16xf32>,
          %gather3A_411 = tpu.vector_load_idx %arg17[%add3A_221, %add3A_408] : memref<32x128xf32, #tpu.memory_space<vmem>>[vector<16xi32>, vector<16xi32>], vector<16xf32>,
          %mul3A_412 = arith.mulf %gather3A_409, %gather3A_410 : vector<16xf32>
          %mul3A_413 = arith.mulf %mul3A_412, %gather3A_411 : vector<16xf32>
          %add3A_414 = arith.addf %add3A_398, %mul3A_413 : vector<16xf32>
          %add3A_415 = arith.constant 12 : i32
          %add3A_416 = vector.broadcast %add3A_415 : i32 to vector<16xi32>
          %add3A_417 = arith.addi %iota3A, %add3A_416 : vector<16xi32>
          %and3A_418 = arith.constant 15 : i32
          %and3A_419 = vector.broadcast %and3A_418 : i32 to vector<16xi32>
          %and3A_420 = arith.andi %add3A_417, %and3A_419 : vector<16xi32>
          %mul3A_421 = arith.constant 16 : i32
          %mul3A_422 = arith.muli %select_n3A_217, %mul3A_421 : i32
          %add3A_423 = vector.broadcast %mul3A_422 : i32 to vector<16xi32>
          %add3A_424 = arith.addi %and3A_420, %add3A_423 : vector<16xi32>
          %gather3A_425 = tpu.vector_load_idx %arg15[%add3A_221, %add3A_424] : memref<32x128xf32, #tpu.memory_space<vmem>>[vector<16xi32>, vector<16xi32>], vector<16xf32>,
          %gather3A_426 = tpu.vector_load_idx %arg14[%add3A_221, %add3A_424] : memref<32x128xf32, #tpu.memory_space<vmem>>[vector<16xi32>, vector<16xi32>], vector<16xf32>,
          %gather3A_427 = tpu.vector_load_idx %arg17[%add3A_221, %add3A_424] : memref<32x128xf32, #tpu.memory_space<vmem>>[vector<16xi32>, vector<16xi32>], vector<16xf32>,
          %mul3A_428 = arith.mulf %gather3A_425, %gather3A_426 : vector<16xf32>
          %mul3A_429 = arith.mulf %mul3A_428, %gather3A_427 : vector<16xf32>
          %add3A_430 = arith.addf %add3A_414, %mul3A_429 : vector<16xf32>
          %add3A_431 = arith.constant 13 : i32
          %add3A_432 = vector.broadcast %add3A_431 : i32 to vector<16xi32>
          %add3A_433 = arith.addi %iota3A, %add3A_432 : vector<16xi32>
          %and3A_434 = arith.constant 15 : i32
          %and3A_435 = vector.broadcast %and3A_434 : i32 to vector<16xi32>
          %and3A_436 = arith.andi %add3A_433, %and3A_435 : vector<16xi32>
          %mul3A_437 = arith.constant 16 : i32
          %mul3A_438 = arith.muli %select_n3A_217, %mul3A_437 : i32
          %add3A_439 = vector.broadcast %mul3A_438 : i32 to vector<16xi32>
          %add3A_440 = arith.addi %and3A_436, %add3A_439 : vector<16xi32>
          %gather3A_441 = tpu.vector_load_idx %arg15[%add3A_221, %add3A_440] : memref<32x128xf32, #tpu.memory_space<vmem>>[vector<16xi32>, vector<16xi32>], vector<16xf32>,
          %gather3A_442 = tpu.vector_load_idx %arg14[%add3A_221, %add3A_440] : memref<32x128xf32, #tpu.memory_space<vmem>>[vector<16xi32>, vector<16xi32>], vector<16xf32>,
          %gather3A_443 = tpu.vector_load_idx %arg17[%add3A_221, %add3A_440] : memref<32x128xf32, #tpu.memory_space<vmem>>[vector<16xi32>, vector<16xi32>], vector<16xf32>,
          %mul3A_444 = arith.mulf %gather3A_441, %gather3A_442 : vector<16xf32>
          %mul3A_445 = arith.mulf %mul3A_444, %gather3A_443 : vector<16xf32>
          %add3A_446 = arith.addf %add3A_430, %mul3A_445 : vector<16xf32>
          %add3A_447 = arith.constant 14 : i32
          %add3A_448 = vector.broadcast %add3A_447 : i32 to vector<16xi32>
          %add3A_449 = arith.addi %iota3A, %add3A_448 : vector<16xi32>
          %and3A_450 = arith.constant 15 : i32
          %and3A_451 = vector.broadcast %and3A_450 : i32 to vector<16xi32>
          %and3A_452 = arith.andi %add3A_449, %and3A_451 : vector<16xi32>
          %mul3A_453 = arith.constant 16 : i32
          %mul3A_454 = arith.muli %select_n3A_217, %mul3A_453 : i32
          %add3A_455 = vector.broadcast %mul3A_454 : i32 to vector<16xi32>
          %add3A_456 = arith.addi %and3A_452, %add3A_455 : vector<16xi32>
          %gather3A_457 = tpu.vector_load_idx %arg15[%add3A_221, %add3A_456] : memref<32x128xf32, #tpu.memory_space<vmem>>[vector<16xi32>, vector<16xi32>], vector<16xf32>,
          %gather3A_458 = tpu.vector_load_idx %arg14[%add3A_221, %add3A_456] : memref<32x128xf32, #tpu.memory_space<vmem>>[vector<16xi32>, vector<16xi32>], vector<16xf32>,
          %gather3A_459 = tpu.vector_load_idx %arg17[%add3A_221, %add3A_456] : memref<32x128xf32, #tpu.memory_space<vmem>>[vector<16xi32>, vector<16xi32>], vector<16xf32>,
          %mul3A_460 = arith.mulf %gather3A_457, %gather3A_458 : vector<16xf32>
          %mul3A_461 = arith.mulf %mul3A_460, %gather3A_459 : vector<16xf32>
          %add3A_462 = arith.addf %add3A_446, %mul3A_461 : vector<16xf32>
          %add3A_463 = arith.constant 15 : i32
          %add3A_464 = vector.broadcast %add3A_463 : i32 to vector<16xi32>
          %add3A_465 = arith.addi %iota3A, %add3A_464 : vector<16xi32>
          %and3A_466 = arith.constant 15 : i32
          %and3A_467 = vector.broadcast %and3A_466 : i32 to vector<16xi32>
          %and3A_468 = arith.andi %add3A_465, %and3A_467 : vector<16xi32>
          %mul3A_469 = arith.constant 16 : i32
          %mul3A_470 = arith.muli %select_n3A_217, %mul3A_469 : i32
          %add3A_471 = vector.broadcast %mul3A_470 : i32 to vector<16xi32>
          %add3A_472 = arith.addi %and3A_468, %add3A_471 : vector<16xi32>
          %gather3A_473 = tpu.vector_load_idx %arg15[%add3A_221, %add3A_472] : memref<32x128xf32, #tpu.memory_space<vmem>>[vector<16xi32>, vector<16xi32>], vector<16xf32>,
          %gather3A_474 = tpu.vector_load_idx %arg14[%add3A_221, %add3A_472] : memref<32x128xf32, #tpu.memory_space<vmem>>[vector<16xi32>, vector<16xi32>], vector<16xf32>,
          %gather3A_475 = tpu.vector_load_idx %arg17[%add3A_221, %add3A_472] : memref<32x128xf32, #tpu.memory_space<vmem>>[vector<16xi32>, vector<16xi32>], vector<16xf32>,
          %mul3A_476 = arith.mulf %gather3A_473, %gather3A_474 : vector<16xf32>
          %mul3A_477 = arith.mulf %mul3A_476, %gather3A_475 : vector<16xf32>
          %add3A_478 = arith.addf %add3A_462, %mul3A_477 : vector<16xf32>
          %mul3A_479 = arith.constant 2.500000e-01 : f32
          %mul3A_480 = vector.broadcast %mul3A_479 : f32 to vector<16xf32>
          %mul3A_481 = arith.mulf %add3A_478, %mul3A_480 : vector<16xf32>
          %jit3A_482 = arith.constant -5.000000e+00 : f32
          %jit3A_483 = arith.constant 5.000000e+00 : f32
          %max3A = vector.broadcast %jit3A_482 : f32 to vector<16xf32>
          %max3A_484 = arith.maximumf %max3A, %mul3A_481 : vector<16xf32>
          %min3A = vector.broadcast %jit3A_483 : f32 to vector<16xf32>
          %min3A_485 = arith.minimumf %min3A, %max3A_484 : vector<16xf32>
          %exp3A = math.exp %min3A_485 : vector<16xf32>
          %add3A_486 = arith.constant 128 : i32
          %add3A_487 = arith.addi %add3A_486, %select_n3A_217 : i32
          %broadcast_in_dim3A_488 = vector.broadcast %add3A_487 : i32 to vector<16xi32>
          tpu.vector_store_idx %arg18[%add3A_221, %broadcast_in_dim3A_488], %exp3A : memref<32x144xf32, #tpu.memory_space<vmem>>[vector<16xi32>, vector<16xi32>], vector<16xf32>,
          %add3A_489 = arith.constant 0 : i32
          %add3A_490 = vector.broadcast %add3A_489 : i32 to vector<16xi32>
          %add3A_491 = arith.addi %iota3A, %add3A_490 : vector<16xi32>
          %and3A_492 = arith.constant 15 : i32
          %and3A_493 = vector.broadcast %and3A_492 : i32 to vector<16xi32>
          %and3A_494 = arith.andi %add3A_491, %and3A_493 : vector<16xi32>
          %mul3A_495 = arith.constant 16 : i32
          %mul3A_496 = arith.muli %select_n3A_217, %mul3A_495 : i32
          %add3A_497 = vector.broadcast %mul3A_496 : i32 to vector<16xi32>
          %add3A_498 = arith.addi %and3A_494, %add3A_497 : vector<16xi32>
          %gather3A_499 = tpu.vector_load_idx %arg16[%add3A_221, %add3A_498] : memref<32x128xf32, #tpu.memory_space<vmem>>[vector<16xi32>, vector<16xi32>], vector<16xf32>,
          %mul3A_500 = arith.mulf %gather3A_499, %exp3A : vector<16xf32>
          tpu.vector_store_idx %arg18[%add3A_221, %add3A_498], %mul3A_500 : memref<32x144xf32, #tpu.memory_space<vmem>>[vector<16xi32>, vector<16xi32>], vector<16xf32>,
          %add3A_501 = arith.constant 1 : i32
          %add3A_502 = vector.broadcast %add3A_501 : i32 to vector<16xi32>
          %add3A_503 = arith.addi %iota3A, %add3A_502 : vector<16xi32>
          %and3A_504 = arith.constant 15 : i32
          %and3A_505 = vector.broadcast %and3A_504 : i32 to vector<16xi32>
          %and3A_506 = arith.andi %add3A_503, %and3A_505 : vector<16xi32>
          %mul3A_507 = arith.constant 16 : i32
          %mul3A_508 = arith.muli %select_n3A_217, %mul3A_507 : i32
          %add3A_509 = vector.broadcast %mul3A_508 : i32 to vector<16xi32>
          %add3A_510 = arith.addi %and3A_506, %add3A_509 : vector<16xi32>
          %gather3A_511 = tpu.vector_load_idx %arg16[%add3A_221, %add3A_510] : memref<32x128xf32, #tpu.memory_space<vmem>>[vector<16xi32>, vector<16xi32>], vector<16xf32>,
          %mul3A_512 = arith.mulf %gather3A_511, %exp3A : vector<16xf32>
          tpu.vector_store_idx %arg18[%add3A_221, %add3A_510], %mul3A_512 : memref<32x144xf32, #tpu.memory_space<vmem>>[vector<16xi32>, vector<16xi32>], vector<16xf32>,
          %add3A_513 = arith.constant 2 : i32
          %add3A_514 = vector.broadcast %add3A_513 : i32 to vector<16xi32>
          %add3A_515 = arith.addi %iota3A, %add3A_514 : vector<16xi32>
          %and3A_516 = arith.constant 15 : i32
          %and3A_517 = vector.broadcast %and3A_516 : i32 to vector<16xi32>
          %and3A_518 = arith.andi %add3A_515, %and3A_517 : vector<16xi32>
          %mul3A_519 = arith.constant 16 : i32
          %mul3A_520 = arith.muli %select_n3A_217, %mul3A_519 : i32
          %add3A_521 = vector.broadcast %mul3A_520 : i32 to vector<16xi32>
          %add3A_522 = arith.addi %and3A_518, %add3A_521 : vector<16xi32>
          %gather3A_523 = tpu.vector_load_idx %arg16[%add3A_221, %add3A_522] : memref<32x128xf32, #tpu.memory_space<vmem>>[vector<16xi32>, vector<16xi32>], vector<16xf32>,
          %mul3A_524 = arith.mulf %gather3A_523, %exp3A : vector<16xf32>
          tpu.vector_store_idx %arg18[%add3A_221, %add3A_522], %mul3A_524 : memref<32x144xf32, #tpu.memory_space<vmem>>[vector<16xi32>, vector<16xi32>], vector<16xf32>,
          %add3A_525 = arith.constant 3 : i32
          %add3A_526 = vector.broadcast %add3A_525 : i32 to vector<16xi32>
          %add3A_527 = arith.addi %iota3A, %add3A_526 : vector<16xi32>
          %and3A_528 = arith.constant 15 : i32
          %and3A_529 = vector.broadcast %and3A_528 : i32 to vector<16xi32>
          %and3A_530 = arith.andi %add3A_527, %and3A_529 : vector<16xi32>
          %mul3A_531 = arith.constant 16 : i32
          %mul3A_532 = arith.muli %select_n3A_217, %mul3A_531 : i32
          %add3A_533 = vector.broadcast %mul3A_532 : i32 to vector<16xi32>
          %add3A_534 = arith.addi %and3A_530, %add3A_533 : vector<16xi32>
          %gather3A_535 = tpu.vector_load_idx %arg16[%add3A_221, %add3A_534] : memref<32x128xf32, #tpu.memory_space<vmem>>[vector<16xi32>, vector<16xi32>], vector<16xf32>,
          %mul3A_536 = arith.mulf %gather3A_535, %exp3A : vector<16xf32>
          tpu.vector_store_idx %arg18[%add3A_221, %add3A_534], %mul3A_536 : memref<32x144xf32, #tpu.memory_space<vmem>>[vector<16xi32>, vector<16xi32>], vector<16xf32>,
          %add3A_537 = arith.constant 4 : i32
          %add3A_538 = vector.broadcast %add3A_537 : i32 to vector<16xi32>
          %add3A_539 = arith.addi %iota3A, %add3A_538 : vector<16xi32>
          %and3A_540 = arith.constant 15 : i32
          %and3A_541 = vector.broadcast %and3A_540 : i32 to vector<16xi32>
          %and3A_542 = arith.andi %add3A_539, %and3A_541 : vector<16xi32>
          %mul3A_543 = arith.constant 16 : i32
          %mul3A_544 = arith.muli %select_n3A_217, %mul3A_543 : i32
          %add3A_545 = vector.broadcast %mul3A_544 : i32 to vector<16xi32>
          %add3A_546 = arith.addi %and3A_542, %add3A_545 : vector<16xi32>
          %gather3A_547 = tpu.vector_load_idx %arg16[%add3A_221, %add3A_546] : memref<32x128xf32, #tpu.memory_space<vmem>>[vector<16xi32>, vector<16xi32>], vector<16xf32>,
          %mul3A_548 = arith.mulf %gather3A_547, %exp3A : vector<16xf32>
          tpu.vector_store_idx %arg18[%add3A_221, %add3A_546], %mul3A_548 : memref<32x144xf32, #tpu.memory_space<vmem>>[vector<16xi32>, vector<16xi32>], vector<16xf32>,
          %add3A_549 = arith.constant 5 : i32
          %add3A_550 = vector.broadcast %add3A_549 : i32 to vector<16xi32>
          %add3A_551 = arith.addi %iota3A, %add3A_550 : vector<16xi32>
          %and3A_552 = arith.constant 15 : i32
          %and3A_553 = vector.broadcast %and3A_552 : i32 to vector<16xi32>
          %and3A_554 = arith.andi %add3A_551, %and3A_553 : vector<16xi32>
          %mul3A_555 = arith.constant 16 : i32
          %mul3A_556 = arith.muli %select_n3A_217, %mul3A_555 : i32
          %add3A_557 = vector.broadcast %mul3A_556 : i32 to vector<16xi32>
          %add3A_558 = arith.addi %and3A_554, %add3A_557 : vector<16xi32>
          %gather3A_559 = tpu.vector_load_idx %arg16[%add3A_221, %add3A_558] : memref<32x128xf32, #tpu.memory_space<vmem>>[vector<16xi32>, vector<16xi32>], vector<16xf32>,
          %mul3A_560 = arith.mulf %gather3A_559, %exp3A : vector<16xf32>
          tpu.vector_store_idx %arg18[%add3A_221, %add3A_558], %mul3A_560 : memref<32x144xf32, #tpu.memory_space<vmem>>[vector<16xi32>, vector<16xi32>], vector<16xf32>,
          %add3A_561 = arith.constant 6 : i32
          %add3A_562 = vector.broadcast %add3A_561 : i32 to vector<16xi32>
          %add3A_563 = arith.addi %iota3A, %add3A_562 : vector<16xi32>
          %and3A_564 = arith.constant 15 : i32
          %and3A_565 = vector.broadcast %and3A_564 : i32 to vector<16xi32>
          %and3A_566 = arith.andi %add3A_563, %and3A_565 : vector<16xi32>
          %mul3A_567 = arith.constant 16 : i32
          %mul3A_568 = arith.muli %select_n3A_217, %mul3A_567 : i32
          %add3A_569 = vector.broadcast %mul3A_568 : i32 to vector<16xi32>
          %add3A_570 = arith.addi %and3A_566, %add3A_569 : vector<16xi32>
          %gather3A_571 = tpu.vector_load_idx %arg16[%add3A_221, %add3A_570] : memref<32x128xf32, #tpu.memory_space<vmem>>[vector<16xi32>, vector<16xi32>], vector<16xf32>,
          %mul3A_572 = arith.mulf %gather3A_571, %exp3A : vector<16xf32>
          tpu.vector_store_idx %arg18[%add3A_221, %add3A_570], %mul3A_572 : memref<32x144xf32, #tpu.memory_space<vmem>>[vector<16xi32>, vector<16xi32>], vector<16xf32>,
          %add3A_573 = arith.constant 7 : i32
          %add3A_574 = vector.broadcast %add3A_573 : i32 to vector<16xi32>
          %add3A_575 = arith.addi %iota3A, %add3A_574 : vector<16xi32>
          %and3A_576 = arith.constant 15 : i32
          %and3A_577 = vector.broadcast %and3A_576 : i32 to vector<16xi32>
          %and3A_578 = arith.andi %add3A_575, %and3A_577 : vector<16xi32>
          %mul3A_579 = arith.constant 16 : i32
          %mul3A_580 = arith.muli %select_n3A_217, %mul3A_579 : i32
          %add3A_581 = vector.broadcast %mul3A_580 : i32 to vector<16xi32>
          %add3A_582 = arith.addi %and3A_578, %add3A_581 : vector<16xi32>
          %gather3A_583 = tpu.vector_load_idx %arg16[%add3A_221, %add3A_582] : memref<32x128xf32, #tpu.memory_space<vmem>>[vector<16xi32>, vector<16xi32>], vector<16xf32>,
          %mul3A_584 = arith.mulf %gather3A_583, %exp3A : vector<16xf32>
          tpu.vector_store_idx %arg18[%add3A_221, %add3A_582], %mul3A_584 : memref<32x144xf32, #tpu.memory_space<vmem>>[vector<16xi32>, vector<16xi32>], vector<16xf32>,
          %add3A_585 = arith.constant 8 : i32
          %add3A_586 = vector.broadcast %add3A_585 : i32 to vector<16xi32>
          %add3A_587 = arith.addi %iota3A, %add3A_586 : vector<16xi32>
          %and3A_588 = arith.constant 15 : i32
          %and3A_589 = vector.broadcast %and3A_588 : i32 to vector<16xi32>
          %and3A_590 = arith.andi %add3A_587, %and3A_589 : vector<16xi32>
          %mul3A_591 = arith.constant 16 : i32
          %mul3A_592 = arith.muli %select_n3A_217, %mul3A_591 : i32
          %add3A_593 = vector.broadcast %mul3A_592 : i32 to vector<16xi32>
          %add3A_594 = arith.addi %and3A_590, %add3A_593 : vector<16xi32>
          %gather3A_595 = tpu.vector_load_idx %arg16[%add3A_221, %add3A_594] : memref<32x128xf32, #tpu.memory_space<vmem>>[vector<16xi32>, vector<16xi32>], vector<16xf32>,
          %mul3A_596 = arith.mulf %gather3A_595, %exp3A : vector<16xf32>
          tpu.vector_store_idx %arg18[%add3A_221, %add3A_594], %mul3A_596 : memref<32x144xf32, #tpu.memory_space<vmem>>[vector<16xi32>, vector<16xi32>], vector<16xf32>,
          %add3A_597 = arith.constant 9 : i32
          %add3A_598 = vector.broadcast %add3A_597 : i32 to vector<16xi32>
          %add3A_599 = arith.addi %iota3A, %add3A_598 : vector<16xi32>
          %and3A_600 = arith.constant 15 : i32
          %and3A_601 = vector.broadcast %and3A_600 : i32 to vector<16xi32>
          %and3A_602 = arith.andi %add3A_599, %and3A_601 : vector<16xi32>
          %mul3A_603 = arith.constant 16 : i32
          %mul3A_604 = arith.muli %select_n3A_217, %mul3A_603 : i32
          %add3A_605 = vector.broadcast %mul3A_604 : i32 to vector<16xi32>
          %add3A_606 = arith.addi %and3A_602, %add3A_605 : vector<16xi32>
          %gather3A_607 = tpu.vector_load_idx %arg16[%add3A_221, %add3A_606] : memref<32x128xf32, #tpu.memory_space<vmem>>[vector<16xi32>, vector<16xi32>], vector<16xf32>,
          %mul3A_608 = arith.mulf %gather3A_607, %exp3A : vector<16xf32>
          tpu.vector_store_idx %arg18[%add3A_221, %add3A_606], %mul3A_608 : memref<32x144xf32, #tpu.memory_space<vmem>>[vector<16xi32>, vector<16xi32>], vector<16xf32>,
          %add3A_609 = arith.constant 10 : i32
          %add3A_610 = vector.broadcast %add3A_609 : i32 to vector<16xi32>
          %add3A_611 = arith.addi %iota3A, %add3A_610 : vector<16xi32>
          %and3A_612 = arith.constant 15 : i32
          %and3A_613 = vector.broadcast %and3A_612 : i32 to vector<16xi32>
          %and3A_614 = arith.andi %add3A_611, %and3A_613 : vector<16xi32>
          %mul3A_615 = arith.constant 16 : i32
          %mul3A_616 = arith.muli %select_n3A_217, %mul3A_615 : i32
          %add3A_617 = vector.broadcast %mul3A_616 : i32 to vector<16xi32>
          %add3A_618 = arith.addi %and3A_614, %add3A_617 : vector<16xi32>
          %gather3A_619 = tpu.vector_load_idx %arg16[%add3A_221, %add3A_618] : memref<32x128xf32, #tpu.memory_space<vmem>>[vector<16xi32>, vector<16xi32>], vector<16xf32>,
          %mul3A_620 = arith.mulf %gather3A_619, %exp3A : vector<16xf32>
          tpu.vector_store_idx %arg18[%add3A_221, %add3A_618], %mul3A_620 : memref<32x144xf32, #tpu.memory_space<vmem>>[vector<16xi32>, vector<16xi32>], vector<16xf32>,
          %add3A_621 = arith.constant 11 : i32
          %add3A_622 = vector.broadcast %add3A_621 : i32 to vector<16xi32>
          %add3A_623 = arith.addi %iota3A, %add3A_622 : vector<16xi32>
          %and3A_624 = arith.constant 15 : i32
          %and3A_625 = vector.broadcast %and3A_624 : i32 to vector<16xi32>
          %and3A_626 = arith.andi %add3A_623, %and3A_625 : vector<16xi32>
          %mul3A_627 = arith.constant 16 : i32
          %mul3A_628 = arith.muli %select_n3A_217, %mul3A_627 : i32
          %add3A_629 = vector.broadcast %mul3A_628 : i32 to vector<16xi32>
          %add3A_630 = arith.addi %and3A_626, %add3A_629 : vector<16xi32>
          %gather3A_631 = tpu.vector_load_idx %arg16[%add3A_221, %add3A_630] : memref<32x128xf32, #tpu.memory_space<vmem>>[vector<16xi32>, vector<16xi32>], vector<16xf32>,
          %mul3A_632 = arith.mulf %gather3A_631, %exp3A : vector<16xf32>
          tpu.vector_store_idx %arg18[%add3A_221, %add3A_630], %mul3A_632 : memref<32x144xf32, #tpu.memory_space<vmem>>[vector<16xi32>, vector<16xi32>], vector<16xf32>,
          %add3A_633 = arith.constant 12 : i32
          %add3A_634 = vector.broadcast %add3A_633 : i32 to vector<16xi32>
          %add3A_635 = arith.addi %iota3A, %add3A_634 : vector<16xi32>
          %and3A_636 = arith.constant 15 : i32
          %and3A_637 = vector.broadcast %and3A_636 : i32 to vector<16xi32>
          %and3A_638 = arith.andi %add3A_635, %and3A_637 : vector<16xi32>
          %mul3A_639 = arith.constant 16 : i32
          %mul3A_640 = arith.muli %select_n3A_217, %mul3A_639 : i32
          %add3A_641 = vector.broadcast %mul3A_640 : i32 to vector<16xi32>
          %add3A_642 = arith.addi %and3A_638, %add3A_641 : vector<16xi32>
          %gather3A_643 = tpu.vector_load_idx %arg16[%add3A_221, %add3A_642] : memref<32x128xf32, #tpu.memory_space<vmem>>[vector<16xi32>, vector<16xi32>], vector<16xf32>,
          %mul3A_644 = arith.mulf %gather3A_643, %exp3A : vector<16xf32>
          tpu.vector_store_idx %arg18[%add3A_221, %add3A_642], %mul3A_644 : memref<32x144xf32, #tpu.memory_space<vmem>>[vector<16xi32>, vector<16xi32>], vector<16xf32>,
          %add3A_645 = arith.constant 13 : i32
          %add3A_646 = vector.broadcast %add3A_645 : i32 to vector<16xi32>
          %add3A_647 = arith.addi %iota3A, %add3A_646 : vector<16xi32>
          %and3A_648 = arith.constant 15 : i32
          %and3A_649 = vector.broadcast %and3A_648 : i32 to vector<16xi32>
          %and3A_650 = arith.andi %add3A_647, %and3A_649 : vector<16xi32>
          %mul3A_651 = arith.constant 16 : i32
          %mul3A_652 = arith.muli %select_n3A_217, %mul3A_651 : i32
          %add3A_653 = vector.broadcast %mul3A_652 : i32 to vector<16xi32>
          %add3A_654 = arith.addi %and3A_650, %add3A_653 : vector<16xi32>
          %gather3A_655 = tpu.vector_load_idx %arg16[%add3A_221, %add3A_654] : memref<32x128xf32, #tpu.memory_space<vmem>>[vector<16xi32>, vector<16xi32>], vector<16xf32>,
          %mul3A_656 = arith.mulf %gather3A_655, %exp3A : vector<16xf32>
          tpu.vector_store_idx %arg18[%add3A_221, %add3A_654], %mul3A_656 : memref<32x144xf32, #tpu.memory_space<vmem>>[vector<16xi32>, vector<16xi32>], vector<16xf32>,
          %add3A_657 = arith.constant 14 : i32
          %add3A_658 = vector.broadcast %add3A_657 : i32 to vector<16xi32>
          %add3A_659 = arith.addi %iota3A, %add3A_658 : vector<16xi32>
          %and3A_660 = arith.constant 15 : i32
          %and3A_661 = vector.broadcast %and3A_660 : i32 to vector<16xi32>
          %and3A_662 = arith.andi %add3A_659, %and3A_661 : vector<16xi32>
          %mul3A_663 = arith.constant 16 : i32
          %mul3A_664 = arith.muli %select_n3A_217, %mul3A_663 : i32
          %add3A_665 = vector.broadcast %mul3A_664 : i32 to vector<16xi32>
          %add3A_666 = arith.addi %and3A_662, %add3A_665 : vector<16xi32>
          %gather3A_667 = tpu.vector_load_idx %arg16[%add3A_221, %add3A_666] : memref<32x128xf32, #tpu.memory_space<vmem>>[vector<16xi32>, vector<16xi32>], vector<16xf32>,
          %mul3A_668 = arith.mulf %gather3A_667, %exp3A : vector<16xf32>
          tpu.vector_store_idx %arg18[%add3A_221, %add3A_666], %mul3A_668 : memref<32x144xf32, #tpu.memory_space<vmem>>[vector<16xi32>, vector<16xi32>], vector<16xf32>,
          %add3A_669 = arith.constant 15 : i32
          %add3A_670 = vector.broadcast %add3A_669 : i32 to vector<16xi32>
          %add3A_671 = arith.addi %iota3A, %add3A_670 : vector<16xi32>
          %and3A_672 = arith.constant 15 : i32
          %and3A_673 = vector.broadcast %and3A_672 : i32 to vector<16xi32>
          %and3A_674 = arith.andi %add3A_671, %and3A_673 : vector<16xi32>
          %mul3A_675 = arith.constant 16 : i32
          %mul3A_676 = arith.muli %select_n3A_217, %mul3A_675 : i32
          %add3A_677 = vector.broadcast %mul3A_676 : i32 to vector<16xi32>
          %add3A_678 = arith.addi %and3A_674, %add3A_677 : vector<16xi32>
          %gather3A_679 = tpu.vector_load_idx %arg16[%add3A_221, %add3A_678] : memref<32x128xf32, #tpu.memory_space<vmem>>[vector<16xi32>, vector<16xi32>], vector<16xf32>,
          %mul3A_680 = arith.mulf %gather3A_679, %exp3A : vector<16xf32>
          tpu.vector_store_idx %arg18[%add3A_221, %add3A_678], %mul3A_680 : memref<32x144xf32, #tpu.memory_space<vmem>>[vector<16xi32>, vector<16xi32>], vector<16xf32>,
        }
        %scan3A_157 = arith.constant 16 : i32
        %eq3A_158 = arith.constant 312 : i32
        %eq3A_159 = arith.cmpi eq, %add3A_107, %eq3A_158 : i32
        %convert_element_type3A_160 = arith.extui %eq3A_159 : i1 to i32
        %cond3A_161 = arith.constant 0 : i32
        %cond3A_162 = arith.cmpi ne, %convert_element_type3A_160, %cond3A_161 : i32
        scf.if %cond3A_162 {
          %scan3A_183 = arith.constant 0 : i32
          %scan3A_184 = arith.constant 16 : i32
          %scan3A_185 = arith.constant 16 : i32
          %scan3A_186 = arith.addi %scan3A_184, %scan3A_185 : i32
          %scan3A_187 = arith.constant 1 : i32
          scf.for %scan3A_189 = %scan3A_184 to %scan3A_186 step %scan3A_187  : i32 {
            %swap3A_190 = arith.index_cast %scan3A_189 : i32 to index
            %swap3A_191 = arith.constant 0 : index
            %swap3A_192 = tpu.vector_load %arg18[%swap3A_190, %swap3A_191] {strides = array<i32>} : memref<32x144xf32, #tpu.memory_space<vmem>>, vector<16xf32>,
            tpu.vector_store %arg18[%swap3A_190, %swap3A_191], %broadcast_in_dim3A_3 {strides = array<i32>} : memref<32x144xf32, #tpu.memory_space<vmem>>, vector<16xf32>,
            %swap3A_193 = arith.index_cast %scan3A_189 : i32 to index
            %swap3A_194 = arith.constant 16 : index
            %swap3A_195 = tpu.vector_load %arg18[%swap3A_193, %swap3A_194] {strides = array<i32>} : memref<32x144xf32, #tpu.memory_space<vmem>>, vector<16xf32>,
            tpu.vector_store %arg18[%swap3A_193, %swap3A_194], %broadcast_in_dim3A_3 {strides = array<i32>} : memref<32x144xf32, #tpu.memory_space<vmem>>, vector<16xf32>,
            %swap3A_196 = arith.index_cast %scan3A_189 : i32 to index
            %swap3A_197 = arith.constant 32 : index
            %swap3A_198 = tpu.vector_load %arg18[%swap3A_196, %swap3A_197] {strides = array<i32>} : memref<32x144xf32, #tpu.memory_space<vmem>>, vector<16xf32>,
            tpu.vector_store %arg18[%swap3A_196, %swap3A_197], %broadcast_in_dim3A_3 {strides = array<i32>} : memref<32x144xf32, #tpu.memory_space<vmem>>, vector<16xf32>,
            %swap3A_199 = arith.index_cast %scan3A_189 : i32 to index
            %swap3A_200 = arith.constant 48 : index
            %swap3A_201 = tpu.vector_load %arg18[%swap3A_199, %swap3A_200] {strides = array<i32>} : memref<32x144xf32, #tpu.memory_space<vmem>>, vector<16xf32>,
            tpu.vector_store %arg18[%swap3A_199, %swap3A_200], %broadcast_in_dim3A_3 {strides = array<i32>} : memref<32x144xf32, #tpu.memory_space<vmem>>, vector<16xf32>,
            %swap3A_202 = arith.index_cast %scan3A_189 : i32 to index
            %swap3A_203 = arith.constant 64 : index
            %swap3A_204 = tpu.vector_load %arg18[%swap3A_202, %swap3A_203] {strides = array<i32>} : memref<32x144xf32, #tpu.memory_space<vmem>>, vector<16xf32>,
            tpu.vector_store %arg18[%swap3A_202, %swap3A_203], %broadcast_in_dim3A_3 {strides = array<i32>} : memref<32x144xf32, #tpu.memory_space<vmem>>, vector<16xf32>,
            %swap3A_205 = arith.index_cast %scan3A_189 : i32 to index
            %swap3A_206 = arith.constant 80 : index
            %swap3A_207 = tpu.vector_load %arg18[%swap3A_205, %swap3A_206] {strides = array<i32>} : memref<32x144xf32, #tpu.memory_space<vmem>>, vector<16xf32>,
            tpu.vector_store %arg18[%swap3A_205, %swap3A_206], %broadcast_in_dim3A_3 {strides = array<i32>} : memref<32x144xf32, #tpu.memory_space<vmem>>, vector<16xf32>,
            %swap3A_208 = arith.index_cast %scan3A_189 : i32 to index
            %swap3A_209 = arith.constant 96 : index
            %swap3A_210 = tpu.vector_load %arg18[%swap3A_208, %swap3A_209] {strides = array<i32>} : memref<32x144xf32, #tpu.memory_space<vmem>>, vector<16xf32>,
            tpu.vector_store %arg18[%swap3A_208, %swap3A_209], %broadcast_in_dim3A_3 {strides = array<i32>} : memref<32x144xf32, #tpu.memory_space<vmem>>, vector<16xf32>,
            %swap3A_211 = arith.index_cast %scan3A_189 : i32 to index
            %swap3A_212 = arith.constant 112 : index
            %swap3A_213 = tpu.vector_load %arg18[%swap3A_211, %swap3A_212] {strides = array<i32>} : memref<32x144xf32, #tpu.memory_space<vmem>>, vector<16xf32>,
            tpu.vector_store %arg18[%swap3A_211, %swap3A_212], %broadcast_in_dim3A_3 {strides = array<i32>} : memref<32x144xf32, #tpu.memory_space<vmem>>, vector<16xf32>,
            %swap3A_214 = arith.index_cast %scan3A_189 : i32 to index
            %swap3A_215 = arith.constant 128 : index
            %swap3A_216 = tpu.vector_load %arg18[%swap3A_214, %swap3A_215] {strides = array<i32>} : memref<32x144xf32, #tpu.memory_space<vmem>>, vector<16xf32>,
            tpu.vector_store %arg18[%swap3A_214, %swap3A_215], %broadcast_in_dim3A_3 {strides = array<i32>} : memref<32x144xf32, #tpu.memory_space<vmem>>, vector<16xf32>,
          }
          %scan3A_188 = arith.constant 16 : i32
        } else {
        }
        %get3A = arith.constant 1 : i32
        %get3A_163 = arith.index_cast %get3A : i32 to index
        %get3A_164 = arith.constant 0 : index
        %get3A_165 = tpu.vector_load %arg9[%get3A_163, %get3A_164] {strides = array<i32>} : memref<2x32xi32, #tpu.memory_space<vmem>>, vector<16xi32>,
        %swap3A = arith.constant 0 : index
        %swap3A_166 = tpu.vector_load %arg19[%swap3A] {strides = array<i32>} : memref<32xi32, #tpu.memory_space<vmem>>, vector<16xi32>,
        tpu.vector_store %arg19[%swap3A], %get3A_165 {strides = array<i32>} : memref<32xi32, #tpu.memory_space<vmem>>, vector<16xi32>,
        %get3A_167 = arith.constant 1 : i32
        %get3A_168 = arith.index_cast %get3A_167 : i32 to index
        %get3A_169 = arith.constant 16 : index
        %get3A_170 = tpu.vector_load %arg9[%get3A_168, %get3A_169] {strides = array<i32>} : memref<2x32xi32, #tpu.memory_space<vmem>>, vector<16xi32>,
        %swap3A_171 = arith.constant 16 : index
        %swap3A_172 = tpu.vector_load %arg19[%swap3A_171] {strides = array<i32>} : memref<32xi32, #tpu.memory_space<vmem>>, vector<16xi32>,
        tpu.vector_store %arg19[%swap3A_171], %get3A_170 {strides = array<i32>} : memref<32xi32, #tpu.memory_space<vmem>>, vector<16xi32>,
        %dma_start3A_173 = arith.constant 0 : i32
        %dma_start3A_174 = arith.constant 0 : i32
        %dma_start3A_175 = tpu.memref_slice %arg20[%dma_start3A_173, %dma_start3A_174] : memref<10000x144xf32, #tpu.memory_space<vmem_shared>> -> memref<10000x144xf32, #tpu.memory_space<vmem_shared>>
        tpu.enqueue_indirect_dma source(%arg18 : memref<32x144xf32, #tpu.memory_space<vmem>>) target(%dma_start3A_175 : memref<10000x144xf32, #tpu.memory_space<vmem_shared>>) offsets(%arg19 : memref<32xi32, #tpu.memory_space<vmem>>) semaphore(%arg31 : memref<!tpu.dma_semaphore, #tpu.memory_space<semaphore_mem>>) {add = true}
        %add3A_176 = arith.constant 2 : i32
        %add3A_177 = arith.addi %add3A_107, %add3A_176 : i32
        %le3A_178 = arith.constant 312 : i32
        %le3A_179 = arith.cmpi sle, %add3A_177, %le3A_178 : i32
        %convert_element_type3A_180 = arith.extui %le3A_179 : i1 to i32
        %cond3A_181 = arith.constant 0 : i32
        %cond3A_182 = arith.cmpi ne, %convert_element_type3A_180, %cond3A_181 : i32
        scf.if %cond3A_182 {
          %add3A_183 = arith.constant 2 : i32
          %add3A_184 = arith.addi %add3A_107, %add3A_183 : i32
          %mul3A_185 = arith.constant 32 : i32
          %mul3A_186 = arith.muli %add3A_184, %mul3A_185 : i32
          %add3A_187 = arith.addi %mul3A_2, %mul3A_186 : i32
          %add3A_188 = arith.constant 320064 : i32
          %add3A_189 = arith.addi %add3A_188, %add3A_187 : i32
          %dma_start3A_190 = arith.constant 0 : i32
          %dma_start3A_191 = arith.constant 0 : i32
          %dma_start3A_192 = tpu.memref_slice %arg9[%dma_start3A_190, %dma_start3A_191] : memref<2x32xi32, #tpu.memory_space<vmem>> -> memref<1x32xi32, #tpu.memory_space<vmem>>
          %dma_start3A_193 = tpu.memref_squeeze %dma_start3A_192 : memref<1x32xi32, #tpu.memory_space<vmem>> -> memref<32xi32, #tpu.memory_space<vmem>>
          %dma_start3A_194 = tpu.memref_slice %arg6[%add3A_187] : memref<640128xi32, #tpu.memory_space<hbm>> -> memref<32xi32, #tpu.memory_space<hbm>>
          %dma_start3A_195 = arith.constant 0 : i32
          %dma_start3A_196 = tpu.memref_slice %arg9[%dma_start3A_190, %dma_start3A_195] : memref<2x32xi32, #tpu.memory_space<vmem>> -> memref<1x32xi32, #tpu.memory_space<vmem>>
          %dma_start3A_197 = tpu.memref_squeeze %dma_start3A_196 : memref<1x32xi32, #tpu.memory_space<vmem>> -> memref<32xi32, #tpu.memory_space<vmem>>
          %dma_start3A_198 = tpu.memref_slice %arg6[%add3A_187] : memref<640128xi32, #tpu.memory_space<hbm>> -> memref<32xi32, #tpu.memory_space<hbm>>
          tpu.enqueue_dma source(%dma_start3A_198 : memref<32xi32, #tpu.memory_space<hbm>>) target(%dma_start3A_197 : memref<32xi32, #tpu.memory_space<vmem>>) target_semaphore(%arg30 : memref<!tpu.dma_semaphore, #tpu.memory_space<semaphore_mem>>)
          %dma_start3A_199 = arith.constant 1 : i32
          %dma_start3A_200 = arith.constant 0 : i32
          %dma_start3A_201 = tpu.memref_slice %arg9[%dma_start3A_199, %dma_start3A_200] : memref<2x32xi32, #tpu.memory_space<vmem>> -> memref<1x32xi32, #tpu.memory_space<vmem>>
          %dma_start3A_202 = tpu.memref_squeeze %dma_start3A_201 : memref<1x32xi32, #tpu.memory_space<vmem>> -> memref<32xi32, #tpu.memory_space<vmem>>
          %dma_start3A_203 = tpu.memref_slice %arg6[%add3A_189] : memref<640128xi32, #tpu.memory_space<hbm>> -> memref<32xi32, #tpu.memory_space<hbm>>
          %dma_start3A_204 = arith.constant 0 : i32
          %dma_start3A_205 = tpu.memref_slice %arg9[%dma_start3A_199, %dma_start3A_204] : memref<2x32xi32, #tpu.memory_space<vmem>> -> memref<1x32xi32, #tpu.memory_space<vmem>>
          %dma_start3A_206 = tpu.memref_squeeze %dma_start3A_205 : memref<1x32xi32, #tpu.memory_space<vmem>> -> memref<32xi32, #tpu.memory_space<vmem>>
          %dma_start3A_207 = tpu.memref_slice %arg6[%add3A_189] : memref<640128xi32, #tpu.memory_space<hbm>> -> memref<32xi32, #tpu.memory_space<hbm>>
          tpu.enqueue_dma source(%dma_start3A_207 : memref<32xi32, #tpu.memory_space<hbm>>) target(%dma_start3A_206 : memref<32xi32, #tpu.memory_space<vmem>>) target_semaphore(%arg30 : memref<!tpu.dma_semaphore, #tpu.memory_space<semaphore_mem>>)
        } else {
        }
      } else {
      }
    }
    %scan3A_78 = arith.constant 157 : i32
    %dma_wait3A = arith.constant 0 : i32
    %dma_wait3A_79 = arith.constant 0 : i32
    %dma_wait3A_80 = tpu.memref_slice %arg20[%dma_wait3A, %dma_wait3A_79] : memref<10000x144xf32, #tpu.memory_space<vmem_shared>> -> memref<10000x144xf32, #tpu.memory_space<vmem_shared>>
    tpu.wait_indirect_dma semaphore(%arg31 : memref<!tpu.dma_semaphore, #tpu.memory_space<semaphore_mem>>) src(%arg18 : memref<32x144xf32, #tpu.memory_space<vmem>>) dst(%dma_wait3A_80 : memref<10000x144xf32, #tpu.memory_space<vmem_shared>>)
    %barrier3A_81 = arith.constant 0 : index
    tpu.barrier barrier_id(%barrier3A_81)
    %while3A_82 = arith.constant 0 : i32
    %while3A_83 = arith.constant 0 : i32
    %while3A_84 = arith.subi %select_n3A, %while3A_83 : i32
    %while3A_85 = arith.addi %while3A_83, %while3A_84 : i32
    %while3A_86 = arith.constant 1 : i32
    %while3A_87 = arith.divsi %while3A_84, %while3A_86 : i32
    %while3A_88 = arith.muli %while3A_87, %while3A_86 : i32
    %while3A_89 = arith.addi %while3A_83, %while3A_88 : i32
    %while3A_90 = arith.constant 1 : i32
    scf.for %while3A_97 = %while3A_83 to %while3A_89 step %while3A_90  : i32 {
      %mul3A_98 = arith.constant 16 : i32
      %mul3A_99 = arith.muli %while3A_97, %mul3A_98 : i32
      %add3A_100 = arith.addi %arg1, %mul3A_99 : i32
      %mul3A_101 = arith.constant 32 : i32
      %mul3A_102 = arith.muli %add3A_100, %mul3A_101 : i32
      "tpu.region"() ({
        %run_scoped3A_103 = tpu.sem_alloc : memref<!tpu.dma_semaphore, #tpu.memory_space<semaphore_mem>>
        %dma_start3A_104 = arith.constant 0 : i32
        %dma_start3A_105 = tpu.memref_slice %arg20[%mul3A_102, %dma_start3A_104] : memref<10000x144xf32, #tpu.memory_space<vmem_shared>> -> memref<32x144xf32, #tpu.memory_space<vmem_shared>>
        %dma_start3A_106 = arith.constant 0 : i32
        %dma_start3A_107 = tpu.memref_slice %arg20[%mul3A_102, %dma_start3A_106] : memref<10000x144xf32, #tpu.memory_space<vmem_shared>> -> memref<32x144xf32, #tpu.memory_space<vmem_shared>>
        tpu.enqueue_dma source(%dma_start3A_107 : memref<32x144xf32, #tpu.memory_space<vmem_shared>>) target(%arg18 : memref<32x144xf32, #tpu.memory_space<vmem>>) target_semaphore(%run_scoped3A_103 : memref<!tpu.dma_semaphore, #tpu.memory_space<semaphore_mem>>)
        %dma_wait3A_108 = arith.constant 0 : i32
        %dma_wait3A_109 = tpu.memref_slice %arg20[%mul3A_102, %dma_wait3A_108] : memref<10000x144xf32, #tpu.memory_space<vmem_shared>> -> memref<32x144xf32, #tpu.memory_space<vmem_shared>>
        %dma_wait3A_110 = arith.constant 0 : i32
        %dma_wait3A_111 = tpu.memref_slice %arg20[%mul3A_102, %dma_wait3A_110] : memref<10000x144xf32, #tpu.memory_space<vmem_shared>> -> memref<32x144xf32, #tpu.memory_space<vmem_shared>>
        tpu.wait_dma2 semaphore(%run_scoped3A_103 : memref<!tpu.dma_semaphore, #tpu.memory_space<semaphore_mem>>) src(%dma_wait3A_111 : memref<32x144xf32, #tpu.memory_space<vmem_shared>>) dst(%arg18 : memref<32x144xf32, #tpu.memory_space<vmem>>)
        tpu.yield
      }) : () -> ()
      "tpu.region"() ({
        %run_scoped3A_103 = tpu.sem_alloc : memref<!tpu.dma_semaphore, #tpu.memory_space<semaphore_mem>>
        %dma_start3A_104 = arith.constant 0 : i32
        %dma_start3A_105 = tpu.memref_slice %arg7[%arg0, %mul3A_102, %dma_start3A_104] : memref<2x10000x144xf32, #tpu.memory_space<hbm>> -> memref<1x32x144xf32, #tpu.memory_space<hbm>>
        %dma_start3A_106 = tpu.memref_squeeze %dma_start3A_105 : memref<1x32x144xf32, #tpu.memory_space<hbm>> -> memref<32x144xf32, #tpu.memory_space<hbm>>
        %dma_start3A_107 = arith.constant 0 : i32
        %dma_start3A_108 = tpu.memref_slice %arg7[%arg0, %mul3A_102, %dma_start3A_107] : memref<2x10000x144xf32, #tpu.memory_space<hbm>> -> memref<1x32x144xf32, #tpu.memory_space<hbm>>
        %dma_start3A_109 = tpu.memref_squeeze %dma_start3A_108 : memref<1x32x144xf32, #tpu.memory_space<hbm>> -> memref<32x144xf32, #tpu.memory_space<hbm>>
        tpu.enqueue_dma source(%arg18 : memref<32x144xf32, #tpu.memory_space<vmem>>) target(%dma_start3A_109 : memref<32x144xf32, #tpu.memory_space<hbm>>) target_semaphore(%run_scoped3A_103 : memref<!tpu.dma_semaphore, #tpu.memory_space<semaphore_mem>>)
        %dma_wait3A_110 = arith.constant 0 : i32
        %dma_wait3A_111 = tpu.memref_slice %arg7[%arg0, %mul3A_102, %dma_wait3A_110] : memref<2x10000x144xf32, #tpu.memory_space<hbm>> -> memref<1x32x144xf32, #tpu.memory_space<hbm>>
        %dma_wait3A_112 = tpu.memref_squeeze %dma_wait3A_111 : memref<1x32x144xf32, #tpu.memory_space<hbm>> -> memref<32x144xf32, #tpu.memory_space<hbm>>
        %dma_wait3A_113 = arith.constant 0 : i32
        %dma_wait3A_114 = tpu.memref_slice %arg7[%arg0, %mul3A_102, %dma_wait3A_113] : memref<2x10000x144xf32, #tpu.memory_space<hbm>> -> memref<1x32x144xf32, #tpu.memory_space<hbm>>
        %dma_wait3A_115 = tpu.memref_squeeze %dma_wait3A_114 : memref<1x32x144xf32, #tpu.memory_space<hbm>> -> memref<32x144xf32, #tpu.memory_space<hbm>>
        tpu.wait_dma2 semaphore(%run_scoped3A_103 : memref<!tpu.dma_semaphore, #tpu.memory_space<semaphore_mem>>) src(%arg18 : memref<32x144xf32, #tpu.memory_space<vmem>>) dst(%dma_wait3A_115 : memref<32x144xf32, #tpu.memory_space<hbm>>)
        tpu.yield
      }) : () -> ()
    }
    %while3A_91 = arith.constant 1 : i32
    scf.for %while3A_97 = %while3A_89 to %while3A_85 step %while3A_91  : i32 {
      %mul3A_98 = arith.constant 16 : i32
      %mul3A_99 = arith.muli %while3A_97, %mul3A_98 : i32
      %add3A_100 = arith.addi %arg1, %mul3A_99 : i32
      %mul3A_101 = arith.constant 32 : i32
      %mul3A_102 = arith.muli %add3A_100, %mul3A_101 : i32
      "tpu.region"() ({
        %run_scoped3A_103 = tpu.sem_alloc : memref<!tpu.dma_semaphore, #tpu.memory_space<semaphore_mem>>
        %dma_start3A_104 = arith.constant 0 : i32
        %dma_start3A_105 = tpu.memref_slice %arg20[%mul3A_102, %dma_start3A_104] : memref<10000x144xf32, #tpu.memory_space<vmem_shared>> -> memref<32x144xf32, #tpu.memory_space<vmem_shared>>
        %dma_start3A_106 = arith.constant 0 : i32
        %dma_start3A_107 = tpu.memref_slice %arg20[%mul3A_102, %dma_start3A_106] : memref<10000x144xf32, #tpu.memory_space<vmem_shared>> -> memref<32x144xf32, #tpu.memory_space<vmem_shared>>
        tpu.enqueue_dma source(%dma_start3A_107 : memref<32x144xf32, #tpu.memory_space<vmem_shared>>) target(%arg18 : memref<32x144xf32, #tpu.memory_space<vmem>>) target_semaphore(%run_scoped3A_103 : memref<!tpu.dma_semaphore, #tpu.memory_space<semaphore_mem>>)
        %dma_wait3A_108 = arith.constant 0 : i32
        %dma_wait3A_109 = tpu.memref_slice %arg20[%mul3A_102, %dma_wait3A_108] : memref<10000x144xf32, #tpu.memory_space<vmem_shared>> -> memref<32x144xf32, #tpu.memory_space<vmem_shared>>
        %dma_wait3A_110 = arith.constant 0 : i32
        %dma_wait3A_111 = tpu.memref_slice %arg20[%mul3A_102, %dma_wait3A_110] : memref<10000x144xf32, #tpu.memory_space<vmem_shared>> -> memref<32x144xf32, #tpu.memory_space<vmem_shared>>
        tpu.wait_dma2 semaphore(%run_scoped3A_103 : memref<!tpu.dma_semaphore, #tpu.memory_space<semaphore_mem>>) src(%dma_wait3A_111 : memref<32x144xf32, #tpu.memory_space<vmem_shared>>) dst(%arg18 : memref<32x144xf32, #tpu.memory_space<vmem>>)
        tpu.yield
      }) : () -> ()
      "tpu.region"() ({
        %run_scoped3A_103 = tpu.sem_alloc : memref<!tpu.dma_semaphore, #tpu.memory_space<semaphore_mem>>
        %dma_start3A_104 = arith.constant 0 : i32
        %dma_start3A_105 = tpu.memref_slice %arg7[%arg0, %mul3A_102, %dma_start3A_104] : memref<2x10000x144xf32, #tpu.memory_space<hbm>> -> memref<1x32x144xf32, #tpu.memory_space<hbm>>
        %dma_start3A_106 = tpu.memref_squeeze %dma_start3A_105 : memref<1x32x144xf32, #tpu.memory_space<hbm>> -> memref<32x144xf32, #tpu.memory_space<hbm>>
        %dma_start3A_107 = arith.constant 0 : i32
        %dma_start3A_108 = tpu.memref_slice %arg7[%arg0, %mul3A_102, %dma_start3A_107] : memref<2x10000x144xf32, #tpu.memory_space<hbm>> -> memref<1x32x144xf32, #tpu.memory_space<hbm>>
        %dma_start3A_109 = tpu.memref_squeeze %dma_start3A_108 : memref<1x32x144xf32, #tpu.memory_space<hbm>> -> memref<32x144xf32, #tpu.memory_space<hbm>>
        tpu.enqueue_dma source(%arg18 : memref<32x144xf32, #tpu.memory_space<vmem>>) target(%dma_start3A_109 : memref<32x144xf32, #tpu.memory_space<hbm>>) target_semaphore(%run_scoped3A_103 : memref<!tpu.dma_semaphore, #tpu.memory_space<semaphore_mem>>)
        %dma_wait3A_110 = arith.constant 0 : i32
        %dma_wait3A_111 = tpu.memref_slice %arg7[%arg0, %mul3A_102, %dma_wait3A_110] : memref<2x10000x144xf32, #tpu.memory_space<hbm>> -> memref<1x32x144xf32, #tpu.memory_space<hbm>>
        %dma_wait3A_112 = tpu.memref_squeeze %dma_wait3A_111 : memref<1x32x144xf32, #tpu.memory_space<hbm>> -> memref<32x144xf32, #tpu.memory_space<hbm>>
        %dma_wait3A_113 = arith.constant 0 : i32
        %dma_wait3A_114 = tpu.memref_slice %arg7[%arg0, %mul3A_102, %dma_wait3A_113] : memref<2x10000x144xf32, #tpu.memory_space<hbm>> -> memref<1x32x144xf32, #tpu.memory_space<hbm>>
        %dma_wait3A_115 = tpu.memref_squeeze %dma_wait3A_114 : memref<1x32x144xf32, #tpu.memory_space<hbm>> -> memref<32x144xf32, #tpu.memory_space<hbm>>
        tpu.wait_dma2 semaphore(%run_scoped3A_103 : memref<!tpu.dma_semaphore, #tpu.memory_space<semaphore_mem>>) src(%arg18 : memref<32x144xf32, #tpu.memory_space<vmem>>) dst(%dma_wait3A_115 : memref<32x144xf32, #tpu.memory_space<hbm>>)
        tpu.yield
      }) : () -> ()
    }
    %eq3A_92 = arith.constant 15 : i32
    %eq3A_93 = arith.cmpi eq, %arg1, %eq3A_92 : i32
    %convert_element_type3A_94 = arith.extui %eq3A_93 : i1 to i32
    %cond3A_95 = arith.constant 0 : i32
    %cond3A_96 = arith.cmpi ne, %convert_element_type3A_94, %cond3A_95 : i32
    scf.if %cond3A_96 {
      "tpu.region"() ({
        %run_scoped3A_97 = tpu.sem_alloc : memref<!tpu.dma_semaphore, #tpu.memory_space<semaphore_mem>>
        %dma_start3A_98 = arith.constant 0 : i32
        %dma_start3A_99 = arith.constant 0 : i32
        %dma_start3A_100 = tpu.memref_slice %arg18[%dma_start3A_98, %dma_start3A_99] : memref<32x144xf32, #tpu.memory_space<vmem>> -> memref<16x144xf32, #tpu.memory_space<vmem>>
        %dma_start3A_101 = arith.constant 9984 : i32
        %dma_start3A_102 = arith.constant 0 : i32
        %dma_start3A_103 = tpu.memref_slice %arg20[%dma_start3A_101, %dma_start3A_102] : memref<10000x144xf32, #tpu.memory_space<vmem_shared>> -> memref<16x144xf32, #tpu.memory_space<vmem_shared>>
        %dma_start3A_104 = arith.constant 0 : i32
        %dma_start3A_105 = arith.constant 0 : i32
        %dma_start3A_106 = tpu.memref_slice %arg18[%dma_start3A_104, %dma_start3A_105] : memref<32x144xf32, #tpu.memory_space<vmem>> -> memref<16x144xf32, #tpu.memory_space<vmem>>
        %dma_start3A_107 = arith.constant 9984 : i32
        %dma_start3A_108 = arith.constant 0 : i32
        %dma_start3A_109 = tpu.memref_slice %arg20[%dma_start3A_107, %dma_start3A_108] : memref<10000x144xf32, #tpu.memory_space<vmem_shared>> -> memref<16x144xf32, #tpu.memory_space<vmem_shared>>
        tpu.enqueue_dma source(%dma_start3A_109 : memref<16x144xf32, #tpu.memory_space<vmem_shared>>) target(%dma_start3A_106 : memref<16x144xf32, #tpu.memory_space<vmem>>) target_semaphore(%run_scoped3A_97 : memref<!tpu.dma_semaphore, #tpu.memory_space<semaphore_mem>>)
        %dma_wait3A_110 = arith.constant 0 : i32
        %dma_wait3A_111 = arith.constant 0 : i32
        %dma_wait3A_112 = tpu.memref_slice %arg18[%dma_wait3A_110, %dma_wait3A_111] : memref<32x144xf32, #tpu.memory_space<vmem>> -> memref<16x144xf32, #tpu.memory_space<vmem>>
        %dma_wait3A_113 = arith.constant 9984 : i32
        %dma_wait3A_114 = arith.constant 0 : i32
        %dma_wait3A_115 = tpu.memref_slice %arg20[%dma_wait3A_113, %dma_wait3A_114] : memref<10000x144xf32, #tpu.memory_space<vmem_shared>> -> memref<16x144xf32, #tpu.memory_space<vmem_shared>>
        %dma_wait3A_116 = arith.constant 0 : i32
        %dma_wait3A_117 = arith.constant 0 : i32
        %dma_wait3A_118 = tpu.memref_slice %arg18[%dma_wait3A_116, %dma_wait3A_117] : memref<32x144xf32, #tpu.memory_space<vmem>> -> memref<16x144xf32, #tpu.memory_space<vmem>>
        %dma_wait3A_119 = arith.constant 9984 : i32
        %dma_wait3A_120 = arith.constant 0 : i32
        %dma_wait3A_121 = tpu.memref_slice %arg20[%dma_wait3A_119, %dma_wait3A_120] : memref<10000x144xf32, #tpu.memory_space<vmem_shared>> -> memref<16x144xf32, #tpu.memory_space<vmem_shared>>
        tpu.wait_dma2 semaphore(%run_scoped3A_97 : memref<!tpu.dma_semaphore, #tpu.memory_space<semaphore_mem>>) src(%dma_wait3A_121 : memref<16x144xf32, #tpu.memory_space<vmem_shared>>) dst(%dma_wait3A_118 : memref<16x144xf32, #tpu.memory_space<vmem>>)
        tpu.yield
      }) : () -> ()
      "tpu.region"() ({
        %run_scoped3A_97 = tpu.sem_alloc : memref<!tpu.dma_semaphore, #tpu.memory_space<semaphore_mem>>
        %dma_start3A_98 = arith.constant 0 : i32
        %dma_start3A_99 = arith.constant 0 : i32
        %dma_start3A_100 = tpu.memref_slice %arg18[%dma_start3A_98, %dma_start3A_99] : memref<32x144xf32, #tpu.memory_space<vmem>> -> memref<16x144xf32, #tpu.memory_space<vmem>>
        %dma_start3A_101 = arith.constant 9984 : i32
        %dma_start3A_102 = arith.constant 0 : i32
        %dma_start3A_103 = tpu.memref_slice %arg7[%arg0, %dma_start3A_101, %dma_start3A_102] : memref<2x10000x144xf32, #tpu.memory_space<hbm>> -> memref<1x16x144xf32, #tpu.memory_space<hbm>>
        %dma_start3A_104 = tpu.memref_squeeze %dma_start3A_103 : memref<1x16x144xf32, #tpu.memory_space<hbm>> -> memref<16x144xf32, #tpu.memory_space<hbm>>
        %dma_start3A_105 = arith.constant 9984 : i32
        %dma_start3A_106 = arith.constant 0 : i32
        %dma_start3A_107 = tpu.memref_slice %arg7[%arg0, %dma_start3A_105, %dma_start3A_106] : memref<2x10000x144xf32, #tpu.memory_space<hbm>> -> memref<1x16x144xf32, #tpu.memory_space<hbm>>
        %dma_start3A_108 = tpu.memref_squeeze %dma_start3A_107 : memref<1x16x144xf32, #tpu.memory_space<hbm>> -> memref<16x144xf32, #tpu.memory_space<hbm>>
        %dma_start3A_109 = arith.constant 0 : i32
        %dma_start3A_110 = arith.constant 0 : i32
        %dma_start3A_111 = tpu.memref_slice %arg18[%dma_start3A_109, %dma_start3A_110] : memref<32x144xf32, #tpu.memory_space<vmem>> -> memref<16x144xf32, #tpu.memory_space<vmem>>
        tpu.enqueue_dma source(%dma_start3A_111 : memref<16x144xf32, #tpu.memory_space<vmem>>) target(%dma_start3A_108 : memref<16x144xf32, #tpu.memory_space<hbm>>) target_semaphore(%run_scoped3A_97 : memref<!tpu.dma_semaphore, #tpu.memory_space<semaphore_mem>>)
        %dma_wait3A_112 = arith.constant 0 : i32
        %dma_wait3A_113 = arith.constant 0 : i32
        %dma_wait3A_114 = tpu.memref_slice %arg18[%dma_wait3A_112, %dma_wait3A_113] : memref<32x144xf32, #tpu.memory_space<vmem>> -> memref<16x144xf32, #tpu.memory_space<vmem>>
        %dma_wait3A_115 = arith.constant 9984 : i32
        %dma_wait3A_116 = arith.constant 0 : i32
        %dma_wait3A_117 = tpu.memref_slice %arg7[%arg0, %dma_wait3A_115, %dma_wait3A_116] : memref<2x10000x144xf32, #tpu.memory_space<hbm>> -> memref<1x16x144xf32, #tpu.memory_space<hbm>>
        %dma_wait3A_118 = tpu.memref_squeeze %dma_wait3A_117 : memref<1x16x144xf32, #tpu.memory_space<hbm>> -> memref<16x144xf32, #tpu.memory_space<hbm>>
        %dma_wait3A_119 = arith.constant 9984 : i32
        %dma_wait3A_120 = arith.constant 0 : i32
        %dma_wait3A_121 = tpu.memref_slice %arg7[%arg0, %dma_wait3A_119, %dma_wait3A_120] : memref<2x10000x144xf32, #tpu.memory_space<hbm>> -> memref<1x16x144xf32, #tpu.memory_space<hbm>>
        %dma_wait3A_122 = tpu.memref_squeeze %dma_wait3A_121 : memref<1x16x144xf32, #tpu.memory_space<hbm>> -> memref<16x144xf32, #tpu.memory_space<hbm>>
        %dma_wait3A_123 = arith.constant 0 : i32
        %dma_wait3A_124 = arith.constant 0 : i32
        %dma_wait3A_125 = tpu.memref_slice %arg18[%dma_wait3A_123, %dma_wait3A_124] : memref<32x144xf32, #tpu.memory_space<vmem>> -> memref<16x144xf32, #tpu.memory_space<vmem>>
        tpu.wait_dma2 semaphore(%run_scoped3A_97 : memref<!tpu.dma_semaphore, #tpu.memory_space<semaphore_mem>>) src(%dma_wait3A_125 : memref<16x144xf32, #tpu.memory_space<vmem>>) dst(%dma_wait3A_122 : memref<16x144xf32, #tpu.memory_space<hbm>>)
        tpu.yield
      }) : () -> ()
    } else {
    }
    return
  }
}

module attributes {stable_mosaic.version = 14 : i64} {
  func.func @_proj_edges_body(%arg0: i32, %arg1: memref<4000x16xf32, #tpu.memory_space<vmem>>, %arg2: memref<16x128xf32, #tpu.memory_space<vmem>>, %arg3: memref<1x128xf32, #tpu.memory_space<vmem>>, %arg4: memref<4000x128xf32, #tpu.memory_space<vmem>>) attributes {dimension_semantics = [#tpu.dimension_semantics<arbitrary>], iteration_bounds = array<i64: 81>, scalar_prefetch = 0 : i64, scratch_operands = 0 : i64, tpu.core_type = #tpu.core_type<tc>, window_params = [{transform_indices = @transform_0, window_bounds = array<i64: 4000, 16>}, {pipeline_mode = #tpu.pipeline_mode<synchronous>, transform_indices = @transform_1, window_bounds = array<i64: 16, 128>}, {pipeline_mode = #tpu.pipeline_mode<synchronous>, transform_indices = @transform_2, window_bounds = array<i64: 1, 128>}, {transform_indices = @transform_3, window_bounds = array<i64: 4000, 128>}]} {
    %get3A = arith.constant 0 : index
    %get3A_0 = arith.constant 0 : index
    %get3A_1 = vector.load %arg1[%get3A, %get3A_0] : memref<4000x16xf32, #tpu.memory_space<vmem>>, vector<4000x16xf32>
    %get3A_2 = arith.constant 0 : index
    %get3A_3 = arith.constant 0 : index
    %get3A_4 = vector.load %arg2[%get3A_2, %get3A_3] : memref<16x128xf32, #tpu.memory_space<vmem>>, vector<16x128xf32>
    %dot_general3A = arith.constant dense<0.000000e+00> : vector<4000x128xf32>
    %dot_general3A_5 = tpu.matmul %get3A_1, %get3A_4, %dot_general3A {dimension_numbers = #tpu.dot_dimension_numbers<[1], [0], [0], [1], [0, 0, 1, 1], [], []>, precision = #tpu.contract_precision<fp32>, transpose_lhs_hint = false} : vector<4000x16xf32>, vector<16x128xf32>, vector<4000x128xf32> -> vector<4000x128xf32>
    %get3A_6 = arith.constant 0 : index
    %get3A_7 = arith.constant 0 : index
    %get3A_8 = vector.load %arg3[%get3A_6, %get3A_7] : memref<1x128xf32, #tpu.memory_space<vmem>>, vector<1x128xf32>
    %add3A = vector.broadcast %get3A_8 : vector<1x128xf32> to vector<4000x128xf32>
    %add3A_9 = arith.addf %dot_general3A_5, %add3A : vector<4000x128xf32>
    %swap3A = arith.constant 0 : index
    %swap3A_10 = arith.constant 0 : index
    %swap3A_11 = vector.load %arg4[%swap3A, %swap3A_10] : memref<4000x128xf32, #tpu.memory_space<vmem>>, vector<4000x128xf32>
    tpu.vector_store %arg4[%swap3A, %swap3A_10], %add3A_9 {strides = array<i32>} : memref<4000x128xf32, #tpu.memory_space<vmem>>, vector<4000x128xf32>,
    return
  }
  func.func @transform_0(%arg0: i32) -> (i32, i32) {
    %c0_i32 = arith.constant 0 : i32
    %c0_i32_0 = arith.constant 0 : i32
    return %arg0, %c0_i32 : i32, i32
  }
  func.func @transform_1(%arg0: i32) -> (i32, i32) {
    %c0_i32 = arith.constant 0 : i32
    %c0_i32_0 = arith.constant 0 : i32
    %c0_i32_1 = arith.constant 0 : i32
    return %c0_i32, %c0_i32_0 : i32, i32
  }
  func.func @transform_2(%arg0: i32) -> (i32, i32) {
    %c0_i32 = arith.constant 0 : i32
    %c0_i32_0 = arith.constant 0 : i32
    %c0_i32_1 = arith.constant 0 : i32
    return %c0_i32, %c0_i32_0 : i32, i32
  }
  func.func @transform_3(%arg0: i32) -> (i32, i32) {
    %c0_i32 = arith.constant 0 : i32
    %c0_i32_0 = arith.constant 0 : i32
    return %arg0, %c0_i32 : i32, i32
  }
}

module attributes {stable_mosaic.version = 14 : i64} {
  func.func @_proj_nodes_body(%arg0: i32, %arg1: memref<2000x128xf32, #tpu.memory_space<vmem>>, %arg2: memref<128x128xf32, #tpu.memory_space<vmem>>, %arg3: memref<128x128xf32, #tpu.memory_space<vmem>>, %arg4: memref<128x128xf32, #tpu.memory_space<vmem>>, %arg5: memref<3x128xf32, #tpu.memory_space<vmem>>, %arg6: memref<2000x128xf32, #tpu.memory_space<vmem>>, %arg7: memref<2000x128xf32, #tpu.memory_space<vmem>>, %arg8: memref<2000x128xf32, #tpu.memory_space<vmem>>) attributes {dimension_semantics = [#tpu.dimension_semantics<arbitrary>], iteration_bounds = array<i64: 5>, scalar_prefetch = 0 : i64, scratch_operands = 0 : i64, tpu.core_type = #tpu.core_type<tc>, window_params = [{transform_indices = @transform_0, window_bounds = array<i64: 2000, 128>}, {pipeline_mode = #tpu.pipeline_mode<synchronous>, transform_indices = @transform_1, window_bounds = array<i64: 128, 128>}, {pipeline_mode = #tpu.pipeline_mode<synchronous>, transform_indices = @transform_2, window_bounds = array<i64: 128, 128>}, {pipeline_mode = #tpu.pipeline_mode<synchronous>, transform_indices = @transform_3, window_bounds = array<i64: 128, 128>}, {pipeline_mode = #tpu.pipeline_mode<synchronous>, transform_indices = @transform_4, window_bounds = array<i64: 3, 128>}, {transform_indices = @transform_5, window_bounds = array<i64: 2000, 128>}, {transform_indices = @transform_6, window_bounds = array<i64: 2000, 128>}, {transform_indices = @transform_7, window_bounds = array<i64: 2000, 128>}]} {
    %get3A = arith.constant 0 : index
    %get3A_0 = arith.constant 0 : index
    %get3A_1 = vector.load %arg1[%get3A, %get3A_0] : memref<2000x128xf32, #tpu.memory_space<vmem>>, vector<2000x128xf32>
    %get3A_2 = arith.constant 0 : index
    %get3A_3 = arith.constant 0 : index
    %get3A_4 = vector.load %arg2[%get3A_2, %get3A_3] : memref<128x128xf32, #tpu.memory_space<vmem>>, vector<128x128xf32>
    %dot_general3A = arith.constant dense<0.000000e+00> : vector<2000x128xf32>
    %dot_general3A_5 = tpu.matmul %get3A_1, %get3A_4, %dot_general3A {dimension_numbers = #tpu.dot_dimension_numbers<[1], [0], [0], [1], [0, 0, 1, 1], [], []>, precision = #tpu.contract_precision<fp32>, transpose_lhs_hint = false} : vector<2000x128xf32>, vector<128x128xf32>, vector<2000x128xf32> -> vector<2000x128xf32>
    %get3A_6 = arith.constant 0 : index
    %get3A_7 = arith.constant 0 : index
    %get3A_8 = vector.load %arg5[%get3A_6, %get3A_7] : memref<3x128xf32, #tpu.memory_space<vmem>>, vector<1x128xf32>
    %add3A = vector.broadcast %get3A_8 : vector<1x128xf32> to vector<2000x128xf32>
    %add3A_9 = arith.addf %dot_general3A_5, %add3A : vector<2000x128xf32>
    %swap3A = arith.constant 0 : index
    %swap3A_10 = arith.constant 0 : index
    %swap3A_11 = vector.load %arg6[%swap3A, %swap3A_10] : memref<2000x128xf32, #tpu.memory_space<vmem>>, vector<2000x128xf32>
    tpu.vector_store %arg6[%swap3A, %swap3A_10], %add3A_9 {strides = array<i32>} : memref<2000x128xf32, #tpu.memory_space<vmem>>, vector<2000x128xf32>,
    %get3A_12 = arith.constant 0 : index
    %get3A_13 = arith.constant 0 : index
    %get3A_14 = vector.load %arg3[%get3A_12, %get3A_13] : memref<128x128xf32, #tpu.memory_space<vmem>>, vector<128x128xf32>
    %dot_general3A_15 = arith.constant dense<0.000000e+00> : vector<2000x128xf32>
    %dot_general3A_16 = tpu.matmul %get3A_1, %get3A_14, %dot_general3A_15 {dimension_numbers = #tpu.dot_dimension_numbers<[1], [0], [0], [1], [0, 0, 1, 1], [], []>, precision = #tpu.contract_precision<fp32>, transpose_lhs_hint = false} : vector<2000x128xf32>, vector<128x128xf32>, vector<2000x128xf32> -> vector<2000x128xf32>
    %get3A_17 = arith.constant 1 : index
    %get3A_18 = arith.constant 0 : index
    %get3A_19 = vector.load %arg5[%get3A_17, %get3A_18] : memref<3x128xf32, #tpu.memory_space<vmem>>, vector<1x128xf32>
    %add3A_20 = vector.broadcast %get3A_19 : vector<1x128xf32> to vector<2000x128xf32>
    %add3A_21 = arith.addf %dot_general3A_16, %add3A_20 : vector<2000x128xf32>
    %swap3A_22 = arith.constant 0 : index
    %swap3A_23 = arith.constant 0 : index
    %swap3A_24 = vector.load %arg7[%swap3A_22, %swap3A_23] : memref<2000x128xf32, #tpu.memory_space<vmem>>, vector<2000x128xf32>
    tpu.vector_store %arg7[%swap3A_22, %swap3A_23], %add3A_21 {strides = array<i32>} : memref<2000x128xf32, #tpu.memory_space<vmem>>, vector<2000x128xf32>,
    %get3A_25 = arith.constant 0 : index
    %get3A_26 = arith.constant 0 : index
    %get3A_27 = vector.load %arg4[%get3A_25, %get3A_26] : memref<128x128xf32, #tpu.memory_space<vmem>>, vector<128x128xf32>
    %dot_general3A_28 = arith.constant dense<0.000000e+00> : vector<2000x128xf32>
    %dot_general3A_29 = tpu.matmul %get3A_1, %get3A_27, %dot_general3A_28 {dimension_numbers = #tpu.dot_dimension_numbers<[1], [0], [0], [1], [0, 0, 1, 1], [], []>, precision = #tpu.contract_precision<fp32>, transpose_lhs_hint = false} : vector<2000x128xf32>, vector<128x128xf32>, vector<2000x128xf32> -> vector<2000x128xf32>
    %get3A_30 = arith.constant 2 : index
    %get3A_31 = arith.constant 0 : index
    %get3A_32 = vector.load %arg5[%get3A_30, %get3A_31] : memref<3x128xf32, #tpu.memory_space<vmem>>, vector<1x128xf32>
    %add3A_33 = vector.broadcast %get3A_32 : vector<1x128xf32> to vector<2000x128xf32>
    %add3A_34 = arith.addf %dot_general3A_29, %add3A_33 : vector<2000x128xf32>
    %swap3A_35 = arith.constant 0 : index
    %swap3A_36 = arith.constant 0 : index
    %swap3A_37 = vector.load %arg8[%swap3A_35, %swap3A_36] : memref<2000x128xf32, #tpu.memory_space<vmem>>, vector<2000x128xf32>
    tpu.vector_store %arg8[%swap3A_35, %swap3A_36], %add3A_34 {strides = array<i32>} : memref<2000x128xf32, #tpu.memory_space<vmem>>, vector<2000x128xf32>,
    return
  }
  func.func @transform_0(%arg0: i32) -> (i32, i32) {
    %c0_i32 = arith.constant 0 : i32
    %c0_i32_0 = arith.constant 0 : i32
    return %arg0, %c0_i32 : i32, i32
  }
  func.func @transform_1(%arg0: i32) -> (i32, i32) {
    %c0_i32 = arith.constant 0 : i32
    %c0_i32_0 = arith.constant 0 : i32
    %c0_i32_1 = arith.constant 0 : i32
    return %c0_i32, %c0_i32_0 : i32, i32
  }
  func.func @transform_2(%arg0: i32) -> (i32, i32) {
    %c0_i32 = arith.constant 0 : i32
    %c0_i32_0 = arith.constant 0 : i32
    %c0_i32_1 = arith.constant 0 : i32
    return %c0_i32, %c0_i32_0 : i32, i32
  }
  func.func @transform_3(%arg0: i32) -> (i32, i32) {
    %c0_i32 = arith.constant 0 : i32
    %c0_i32_0 = arith.constant 0 : i32
    %c0_i32_1 = arith.constant 0 : i32
    return %c0_i32, %c0_i32_0 : i32, i32
  }
  func.func @transform_4(%arg0: i32) -> (i32, i32) {
    %c0_i32 = arith.constant 0 : i32
    %c0_i32_0 = arith.constant 0 : i32
    %c0_i32_1 = arith.constant 0 : i32
    return %c0_i32, %c0_i32_0 : i32, i32
  }
  func.func @transform_5(%arg0: i32) -> (i32, i32) {
    %c0_i32 = arith.constant 0 : i32
    %c0_i32_0 = arith.constant 0 : i32
    return %arg0, %c0_i32 : i32, i32
  }
  func.func @transform_6(%arg0: i32) -> (i32, i32) {
    %c0_i32 = arith.constant 0 : i32
    %c0_i32_0 = arith.constant 0 : i32
    return %arg0, %c0_i32 : i32, i32
  }
  func.func @transform_7(%arg0: i32) -> (i32, i32) {
    %c0_i32 = arith.constant 0 : i32
    %c0_i32_0 = arith.constant 0 : i32
    return %arg0, %c0_i32 : i32, i32
  }
}

module attributes {stable_mosaic.version = 14 : i64} {
  func.func @_combine_body(%arg0: i32, %arg1: memref<2x2000x144xf32, #tpu.memory_space<vmem>>, %arg2: memref<2000x128xf32, #tpu.memory_space<vmem>>) attributes {dimension_semantics = [#tpu.dimension_semantics<arbitrary>], iteration_bounds = array<i64: 5>, scalar_prefetch = 0 : i64, scratch_operands = 0 : i64, tpu.core_type = #tpu.core_type<tc>, window_params = [{transform_indices = @transform_0, window_bounds = array<i64: 2, 2000, 144>}, {transform_indices = @transform_1, window_bounds = array<i64: 2000, 128>}]} {
    %get3A = arith.constant 0 : index
    %get3A_0 = arith.constant 0 : index
    %get3A_1 = arith.constant 0 : index
    %get3A_2 = vector.load %arg1[%get3A, %get3A_0, %get3A_1] : memref<2x2000x144xf32, #tpu.memory_space<vmem>>, vector<1x2000x144xf32>
    %get3A_3 = vector.shape_cast %get3A_2 : vector<1x2000x144xf32> to vector<2000x144xf32>
    %get3A_4 = arith.constant 1 : index
    %get3A_5 = arith.constant 0 : index
    %get3A_6 = arith.constant 0 : index
    %get3A_7 = vector.load %arg1[%get3A_4, %get3A_5, %get3A_6] : memref<2x2000x144xf32, #tpu.memory_space<vmem>>, vector<1x2000x144xf32>
    %get3A_8 = vector.shape_cast %get3A_7 : vector<1x2000x144xf32> to vector<2000x144xf32>
    %slice3A = vector.extract_strided_slice %get3A_3 {offsets = [0, 0], sizes = [2000, 128], strides = [1, 1]} : vector<2000x144xf32> to vector<2000x128xf32>
    %slice3A_9 = vector.extract_strided_slice %get3A_8 {offsets = [0, 0], sizes = [2000, 128], strides = [1, 1]} : vector<2000x144xf32> to vector<2000x128xf32>
    %add3A = arith.addf %slice3A, %slice3A_9 : vector<2000x128xf32>
    %slice3A_10 = vector.extract_strided_slice %get3A_3 {offsets = [0, 128], sizes = [2000, 8], strides = [1, 1]} : vector<2000x144xf32> to vector<2000x8xf32>
    %slice3A_11 = vector.extract_strided_slice %get3A_8 {offsets = [0, 128], sizes = [2000, 8], strides = [1, 1]} : vector<2000x144xf32> to vector<2000x8xf32>
    %add3A_12 = arith.addf %slice3A_10, %slice3A_11 : vector<2000x8xf32>
    %iota3A = tpu.iota {dimensions = array<i32: 1>} : vector<8x128xi32>
    %jit3A = arith.constant 16 : i32
    %div3A = vector.broadcast %jit3A : i32 to vector<8x128xi32>
    %div3A_13 = arith.divsi %iota3A, %div3A : vector<8x128xi32>
    %sign3A = arith.constant 0 : i32
    %sign3A_14 = vector.broadcast %sign3A : i32 to vector<8x128xi32>
    %sign3A_15 = arith.cmpi sgt, %iota3A, %sign3A_14 : vector<8x128xi32>
    %sign3A_16 = arith.extui %sign3A_15 : vector<8x128xi1> to vector<8x128xi32>
    %sign3A_17 = arith.constant 0 : i32
    %sign3A_18 = vector.broadcast %sign3A_17 : i32 to vector<8x128xi32>
    %sign3A_19 = arith.cmpi slt, %iota3A, %sign3A_18 : vector<8x128xi32>
    %sign3A_20 = arith.extui %sign3A_19 : vector<8x128xi1> to vector<8x128xi32>
    %sign3A_21 = arith.subi %sign3A_16, %sign3A_20 : vector<8x128xi32>
    %sign3A_22 = arith.constant 0 : i32
    %sign3A_23 = arith.cmpi sgt, %jit3A, %sign3A_22 : i32
    %sign3A_24 = arith.extui %sign3A_23 : i1 to i32
    %sign3A_25 = arith.constant 0 : i32
    %sign3A_26 = arith.cmpi slt, %jit3A, %sign3A_25 : i32
    %sign3A_27 = arith.extui %sign3A_26 : i1 to i32
    %sign3A_28 = arith.subi %sign3A_24, %sign3A_27 : i32
    %ne3A = vector.broadcast %sign3A_28 : i32 to vector<8x128xi32>
    %ne3A_29 = arith.cmpi ne, %sign3A_21, %ne3A : vector<8x128xi32>
    %rem3A = vector.broadcast %jit3A : i32 to vector<8x128xi32>
    %rem3A_30 = arith.remsi %iota3A, %rem3A : vector<8x128xi32>
    %ne3A_31 = arith.constant 0 : i32
    %ne3A_32 = vector.broadcast %ne3A_31 : i32 to vector<8x128xi32>
    %ne3A_33 = arith.cmpi ne, %rem3A_30, %ne3A_32 : vector<8x128xi32>
    %and3A = arith.andi %ne3A_29, %ne3A_33 : vector<8x128xi1>
    %sub3A = arith.constant 1 : i32
    %sub3A_34 = vector.broadcast %sub3A : i32 to vector<8x128xi32>
    %sub3A_35 = arith.subi %div3A_13, %sub3A_34 : vector<8x128xi32>
    %select_n3A = arith.select %and3A, %sub3A_35, %div3A_13 : vector<8x128xi1>, vector<8x128xi32>
    %iota3A_36 = tpu.iota {dimensions = array<i32: 0>} : vector<8x128xi32>
    %eq3A = arith.cmpi eq, %select_n3A, %iota3A_36 : vector<8x128xi32>
    %jit3A_37 = arith.constant 1.000000e+00 : f32
    %jit3A_38 = arith.constant 0.000000e+00 : f32
    %broadcast_in_dim3A = vector.broadcast %jit3A_37 : f32 to vector<8x128xf32>
    %broadcast_in_dim3A_39 = vector.broadcast %jit3A_38 : f32 to vector<8x128xf32>
    %select_n3A_40 = arith.select %eq3A, %broadcast_in_dim3A, %broadcast_in_dim3A_39 : vector<8x128xi1>, vector<8x128xf32>
    %dot_general3A = arith.constant dense<0.000000e+00> : vector<2000x128xf32>
    %dot_general3A_41 = tpu.matmul %add3A_12, %select_n3A_40, %dot_general3A {dimension_numbers = #tpu.dot_dimension_numbers<[1], [0], [0], [1], [0, 0, 1, 1], [], []>, precision = #tpu.contract_precision<fp32>, transpose_lhs_hint = false} : vector<2000x8xf32>, vector<8x128xf32>, vector<2000x128xf32> -> vector<2000x128xf32>
    %add3A_42 = arith.constant 9.99999997E-7 : f32
    %add3A_43 = vector.broadcast %add3A_42 : f32 to vector<2000x128xf32>
    %add3A_44 = arith.addf %dot_general3A_41, %add3A_43 : vector<2000x128xf32>
    %div3A_45 = arith.divf %add3A, %add3A_44 : vector<2000x128xf32>
    %swap3A = arith.constant 0 : index
    %swap3A_46 = arith.constant 0 : index
    %swap3A_47 = vector.load %arg2[%swap3A, %swap3A_46] : memref<2000x128xf32, #tpu.memory_space<vmem>>, vector<2000x128xf32>
    tpu.vector_store %arg2[%swap3A, %swap3A_46], %div3A_45 {strides = array<i32>} : memref<2000x128xf32, #tpu.memory_space<vmem>>, vector<2000x128xf32>,
    return
  }
  func.func @transform_0(%arg0: i32) -> (i32, i32, i32) {
    %c0_i32 = arith.constant 0 : i32
    %c0_i32_0 = arith.constant 0 : i32
    %c0_i32_1 = arith.constant 0 : i32
    return %c0_i32, %arg0, %c0_i32_0 : i32, i32, i32
  }
  func.func @transform_1(%arg0: i32) -> (i32, i32) {
    %c0_i32 = arith.constant 0 : i32
    %c0_i32_0 = arith.constant 0 : i32
    return %arg0, %c0_i32 : i32, i32
  }
}

</mosaic_0001>

<sc_bundles>
// kernel: kernel.6.cloned.1.call-start
scs
__scs_entry_jumppad:
0x0: {  	(pc) =	sbr.rel $0x88, $3  }
0x1: {  	(tag) =	ssettag $0x0;
	lr =	simm.s32 $0x1  }
0x2: {  	[smem:$0x3F96] =	sst lr;
	_ =	strace $0xD0000000  }
0x3: {  	_ = 	snop  }
0x4: {  	_ = 	snop  }
0x5: {  	_ = 	snop  }
0x6: {  	_ = 	snop  }
0x7: {  	_ = 	snop  }
__scs_overlays_trampoline_lowered:
0x8: {  	[smem:$0x3FA5] =	sst s0  }
0x9: {  	[smem:$0x3FA6] =	sst s1  }
0xa: {  	[smem:$0x3FA7] =	sst s2  }
0xb: {  	[smem:$0x3FA8] =	sst s3  }
0xc: {  	[smem:$0x3FA9] =	sst s4  }
0xd: {  	[smem:$0x3FAA] =	sst s5  }
0xe: {  	[smem:$0x3FAB] =	sst s6  }
0xf: {  	[smem:$0x3FAC] =	sst s7  }
0x10: {  	[smem:$0x3FAD] =	sst s8  }
0x11: {  	[smem:$0x3FAE] =	sst s9;
	s0 =	simm.s32 @!p0 $0x0  }
0x12: {  	s1 =	sld [smem:$0x3F94];
	s0 =	simm.s32 @p0 $0x1  }
0x13: {  	[smem:$0x3FAF] =	sst s0;
	s0 =	simm.s32 @!p1 $0x0  }
0x14: {  	s2 =	sld [smem:$0x3F93];
	s0 =	simm.s32 @p1 $0x1  }
0x15: {  	[smem:$0x3FB0] =	sst s0;
	s0 =	simm.s32 @!p2 $0x0  }
0x16: {  	s3 =	sld [smem:$0x3FDB];
	s0 =	simm.s32 @p2 $0x1  }
0x17: {  	s4 =	simm.s32 $0x1BF5;
	[smem:$0x3FB2] =	sst s0  }
0x18: {  	s0 =	sld [smem:$0x3F95];
	_ =	swait.ge [sflag:s4], $0x0  }
0x19: {  	s7 =	sld [smem:$0x3F96]  }
0x1a: {  	s8 =	sadd.s32 $0xFFFFE003, lr  }
0x1b: {  	s9 =	sadd.s32 $0xFFFFFEF7, lr;
	s5 =	simm.s32 $0xFFFFFFFF;
	p2 =	slt.u32 s8, $0xFFFFF086  }
0x1c: {  	p1 =	slt.u32 s9, $0xF7A;
	s5 =	simm.s32 @!p2 $0x0  }
0x1d: {  	s5 =	simm.s32 @p1 $0x1;
	p0 =	seq.s32 s7, s2  }
0x1e: {  	s7 =	smul.u32 @!p0 $0xF7A, s2;
	p2 =	seq.s32 @!p0 s5, $0x0  }
0x1f: {  	s9 =	smul.u32 $0xF7A, s1;
	s8 =	simm.s32 @!p0 $0x1BF5;
	p2 =	por !p2, p0  }
0x20: {  	[sflag:s8] =	ssyncset.s32 @!p0 $0xFFFFF086;
	s6 =	sadd.s32 @!p0 s3, s7;
	s7 =	simm.s32 @!p0 $0x108  }
0x21: {  	s3 =	sadd.s32 s3, s9;
	s6 =	sadd.s32 @!p0 $0x88, s6;
	s7 =	simm.s32 @p2 $0x1082  }
0x22: {  	[simem:s7], [sflag:s8] =	dma.local @!p0 [hbm:s6], $0xF7A  }
0x23: {  	s9 =	sor.u32 $0xD0000000, s2;
	s6 =	simm.s32 $0x108;
	_ =	swait.ge @!p0 [sflag:s8], $0x0  }
0x24: {  	s3 =	sadd.s32 $0x88, s3;
	s6 =	simm.s32 @!p1 $0x1082;
	[sflag:s4] =	ssyncset.s32 $0xFFFFF086  }
0x25: {  	[simem:s6], [sflag:s4] =	dma.local [hbm:s3], $0xF7A  }
0x26: {  	[smem:$0x3F96] =	sst s1;
	(tag) =	ssettag s2;
	_ =	strace s9  }
0x27: {  	s1 =	sld [smem:$0x3FA6]  }
0x28: {  	s2 =	sld [smem:$0x3FA7]  }
0x29: {  	s4 =	sld [smem:$0x3FA9]  }
0x2a: {  	p0 =	seq.s32 s5, $0x0;
	s5 =	sld [smem:$0x3FAA]  }
0x2b: {  	s6 =	sld [smem:$0x3FAB]  }
0x2c: {  	s7 =	sld [smem:$0x3FAC]  }
0x2d: {  	s3 =	simm.s32 $0x108;
	s8 =	sld [smem:$0x3FAD]  }
0x2e: {  	s3 =	simm.s32 @!p0 $0x1082;
	s9 =	sld [smem:$0x3FAE]  }
0x2f: {  	lr =	sadd.s32 s0, s3;
	s0 =	sld [smem:$0x3FA5]  }
0x30: {  	s3 =	sld [smem:$0x3FA8]  }
0x31: {  	[smem:$0x3FB1] =	sst s10  }
0x32: {  	s10 =	sld [smem:$0x3FAF];
	_ =	sdelay $0x3  }
0x33: {  	p0 =	seq.s32 s10, $0x1;
	s10 =	sld [smem:$0x3FB1];
	_ =	sdelay $0x3  }
0x34: {  	[smem:$0x3FB1] =	sst s10  }
0x35: {  	s10 =	sld [smem:$0x3FB0];
	_ =	sdelay $0x3  }
0x36: {  	p1 =	seq.s32 s10, $0x1;
	s10 =	sld [smem:$0x3FB1];
	_ =	sdelay $0x3  }
0x37: {  	[smem:$0x3FB1] =	sst s10  }
0x38: {  	s10 =	sld [smem:$0x3FB2]  }
0x39: {  	_ = 	snop;
	(pc) =	sbr.ind lr, $3  }
0x3a: {  	_ = 	snop  }
0x3b: {  	_ = 	snop  }
0x3c: {  	p2 =	seq.s32 s10, $0x1;
	s10 =	sld [smem:$0x3FB1]  }
0x3d: {  	_ =	shalt  }
0x3e: {  	_ =	shalt  }
0x3f: {  	_ =	shalt  }
0x40: {  	_ =	shalt  }
0x41: {  	_ =	shalt  }
0x42: {  	_ =	shalt  }
0x43: {  	_ =	shalt  }
0x44: {  	_ =	shalt  }
0x45: {  	_ =	shalt  }
0x46: {  	_ =	shalt  }
0x47: {  	_ =	shalt  }
0x48: {  	_ =	shalt  }
0x49: {  	_ =	shalt  }
0x4a: {  	_ =	shalt  }
0x4b: {  	_ =	shalt  }
0x4c: {  	_ =	shalt  }
0x4d: {  	_ =	shalt  }
0x4e: {  	_ =	shalt  }
0x4f: {  	_ =	shalt  }
0x50: {  	_ =	shalt  }
0x51: {  	_ =	shalt  }
0x52: {  	_ =	shalt  }
0x53: {  	_ =	shalt  }
0x54: {  	_ =	shalt  }
0x55: {  	_ =	shalt  }
0x56: {  	_ =	shalt  }
0x57: {  	_ =	shalt  }
0x58: {  	_ =	shalt  }
0x59: {  	_ =	shalt  }
0x5a: {  	_ =	shalt  }
0x5b: {  	_ =	shalt  }
0x5c: {  	_ =	shalt  }
0x5d: {  	_ =	shalt  }
0x5e: {  	_ =	shalt  }
0x5f: {  	_ =	shalt  }
0x60: {  	_ =	shalt  }
0x61: {  	_ =	shalt  }
0x62: {  	_ =	shalt  }
0x63: {  	_ =	shalt  }
0x64: {  	_ =	shalt  }
0x65: {  	_ =	shalt  }
0x66: {  	_ =	shalt  }
0x67: {  	_ =	shalt  }
0x68: {  	_ =	shalt  }
0x69: {  	_ =	shalt  }
0x6a: {  	_ =	shalt  }
0x6b: {  	_ =	shalt  }
0x6c: {  	_ =	shalt  }
0x6d: {  	_ =	shalt  }
0x6e: {  	_ =	shalt  }
0x6f: {  	_ =	shalt  }
0x70: {  	_ =	shalt  }
0x71: {  	_ =	shalt  }
0x72: {  	_ =	shalt  }
0x73: {  	_ =	shalt  }
0x74: {  	_ =	shalt  }
0x75: {  	_ =	shalt  }
0x76: {  	_ =	shalt  }
0x77: {  	_ =	shalt  }
0x78: {  	_ =	shalt  }
0x79: {  	_ =	shalt  }
0x7a: {  	_ =	shalt  }
0x7b: {  	_ =	shalt  }
0x7c: {  	_ =	shalt  }
0x7d: {  	_ =	shalt  }
0x7e: {  	_ =	shalt  }
0x7f: {  	_ =	shalt  }
0x80: {  	_ =	shalt  }
0x81: {  	_ =	shalt  }
0x82: {  	_ =	shalt  }
0x83: {  	_ =	shalt  }
0x84: {  	_ =	shalt  }
0x85: {  	_ =	shalt  }
0x86: {  	_ =	shalt  }
0x87: {  	_ =	shalt  }
.Lfunc_end0:
.L_simem_size_0:
called_computation_lowered:
.L_overlay_start_0:
0x88: {  	s2 =	sld [smem:$0x3FD9]  }
0x89: {  	s3 =	sld [smem:$0x3FFE];
	_ =	sdelay $0x1  }
0x8a: {  	s1 =	srdreg.scid  }
0x8b: {  	s0 =	sand.u32 $0x1, s1  }
0x8c: {  	s17 =	sshll.u32 s0, $0xA;
	s2 =	sadd.s32 s3, s2  }
0x8d: {  	s2 =	sadd.s32 s2, s17  }
0x8e: {  	[smem:$0x3FBD] =	sst s2  }
0x8f: {  	_ = 	snop  }
0x90: {  	s2 =	sld [smem:$0x3FD0];
	(tm) =	ssettm $0x1  }
0x91: {  	s18 =	sld [smem:$0x3FFB];
	_ =	sdelay $0x3  }
0x92: {  	_ =	strace s18  }
0x93: {  	s3 =	sld [smem:$0x3FFC];
	_ =	sdelay $0x3  }
0x94: {  	_ =	strace s3  }
0x95: {  	s3 =	sld [smem:$0x3FFD];
	_ =	sdelay $0x3  }
0x96: {  	_ =	strace s3  }
0x97: {  	_ =	strace $0x8FFFFFFF  }
0x98: {  	s19 =	sld [smem:$0x3FDB];
	_ =	sdelay $0x1  }
0x99: {  	s4 =	simm.s32 $_scs_section_size  }
0x9a: {  	s5 =	simm.s32 $_size__tile_overlayer_lowered;
	s6 =	simm.s32 $_tile_overlayer_lowered  }
0x9b: {  	s22 =	simm.s32 $0x1BFF;
	s21 =	sshll.u32 s6, $0x1;
	s3 =	sadd.s32 s4, s19  }
0x9c: {  	s7 =	simm.s32 $0x0;
	s20 =	sshll.u32 s5, $0x1;
	s5 =	sadd.s32 s21, s3  }
0x9d: {  	[timem:s7], [sflag:s22] =	dma.local [hbm:s5], s20  }
0x9e: {  	_ =	swait.ge [sflag:s22], s20  }
0x9f: {  	s4 =	ssub.s32 $0x0, s20;
	[sflag:s22] =	ssyncset.done $0x0  }
0xa0: {  	[sflag:s22] =	ssyncadd.s32 s4;
	_ =	sdelay $0x1  }
0xa1: {  	s23 =	simm.s32 $0x1B8B  }
0xa2: {  	_ =	swait.ge [sflag:s23], $0x1  }
0xa3: {  	[sflag:s23] =	ssyncset.done $0x0  }
0xa4: {  	s25 =	simm.s32 $0x1B8E;
	s24 =	sld [smem:$0x3FFE];
	[sflag:s23] =	ssyncadd.s32 $0xFFFFFFFF  }
0xa5: {  	s26 =	simm.s32 $execute0_lowered;
	[smem:$0x3FD2] =	sst s25  }
0xa6: {  	s5 =	sshll.u32 s26, $0x1;
	_ =	strace $0x80000046;
	[dreg:$0x1] =	wrdreg $0xFFFFFFFF  }
0xa7: {  	s28 =	simm.s32 $_size_execute0_lowered;
	s3 =	sadd.s32 s3, s5;
	[dreg:$0x0] =	wrdreg $0x0  }
0xa8: {  	s5 =	sshll.u32 s28, $0x1;
	[dreg:$0x2] =	wrdreg s3  }
0xa9: {  	[dreg:$0x3] =	wrdreg s5  }
0xaa: {  	[dreg:$0x4] =	wrdreg $0xC0  }
0xab: {  	_ =	task [dreg:s7], $0x5FFFF  }
0xac: {  	[dreg:$0x1] =	wrdreg $0xFFFFFFFF  }
0xad: {  	[dreg:$0x0] =	wrdreg $0x60  }
0xae: {  	[dreg:$0x2] =	wrdreg s2  }
0xaf: {  	[dreg:$0x3] =	wrdreg s24  }
0xb0: {  	[dreg:$0x4] =	wrdreg $0x92A00  }
0xb1: {  	[dreg:$0x5] =	wrdreg $0x9  }
0xb2: {  	_ =	task.clear_ibuf [dreg:s7], $0x6FFFF;
	_ =	strace $0x90000046  }
0xb3: {  	s29 =	simm.s32 $0x9;
	_ =	strace $0x80000048  }
0xb4: {  	_ =	swait.ge [sflag:s29], $0x1  }
0xb5: {  	[sflag:s29] =	ssyncadd.s32 $0xFFFFFFFF  }
0xb6: {  	_ =	strace $0x90000048  }
0xb7: {  	_ =	sfence  }
0xb8: {  	s30 =	sld [smem:$0x0];
	_ =	sdelay $0x2  }
0xb9: {  	s31 =	sshll.u32 s1, $0xD;
	s1 =	sshrl.u32 s1, $0x2  }
0xba: {  	s3 =	sand.u32 $0x4000, s31;
	s1 =	sadd.s32 s1, s30  }
0xbb: {  	s0 =	sor.u32 s3, s0;
	s1 =	sshll.u32 s1, $0x11  }
0xbc: {  	s0 =	sor.u32 s1, s0  }
0xbd: {  	s0 =	sadd.s32 $0x8F2B, s0  }
0xbe: {  	[sflag:s0] =	ssyncadd.remote.s32 $0x1  }
0xbf: {  	_ =	sfence.sel $0xFFFF  }
0xc0: {  	[dreg:$0x0] =	wrdreg $0xFFFFFFFF;
	(pc) =	sbr.abs _section_cstart, $3  }
0xc1: {  	[dreg:$0x1] =	wrdreg $0xFFFFFFFF  }
0xc2: {  	_ =	task.clear_ibuf [dreg:s7], $0x2FFFF;
	_ =	strace $0x9FFFFFFF  }
0xc3: {  	(tm) =	ssettm $0x7FFFFFFF  }
tec
execute0_lowered:
.L_overlay_start_1:
0x0: {  	(tag) =	ssettag $0x1  }
0x1: {  	s0 =	rddreg [dreg:$0x1]  }
0x2: {  	s13 =	rddreg [dreg:$0x2]  }
0x3: {  	s3 =	simm.s32 $0x0;
	s1 =	srdreg.scid;
	s14 =	stileid.u32  }
0x4: {  	s15 =	simm.s32 $0x14;
	s28 =	simm.s32 $0x80;
	s29 =	simm.s32 $0x1080  }
0x5: {  	s30 =	simm.s32 $0x2080;
	s31 =	simm.s32 $0x3080;
	[smem:$0x7FF] =	sst s3  }
0x6: {  	s5 =	sadd.s32 $0x2000, s0;
	s6 =	sadd.s32 $0x29200, s0;
	s7 =	sadd.s32 $0x9E9400, s0  }
0x7: {  	s1 =	sand.u32 $0x1, s1;
	s2 =	sshll.u32 s14, $0x1;
	s8 =	sadd.s32 $0x4E4000, s0  }
0x8: {  	v3 =	vimm.s32 $0x7654321;
	s0 =	sadd.s32 $0x50400, s0;
	p0 =	slt.u32 s14, $0x8;
	s24 =	smul.u32 $0x4800, s14  }
0x9: {  	v6 =	vimm.s32 $0x10765432;
	s16 =	sadd.s32 $0x15F000, s13;
	s26 =	smul.u32 $0x1200, s14;
	_ =	strace $0x80000047  }
0xa: {  	vm0 =	vcmask $0x3B1C;
	vm1 =	vcmask $0x3718;
	v8 =	vimm.s32 $0x21076543;
	s4 =	ssub.s32 $0x2, s1;
	s2 =	sor.u32 s1, s2;
	s1 =	smul.u32 $0x15F900, s1  }
0xb: {  	v0 =	vlaneseq.u32;
	vm2 =	vcmask $0x3314;
	v10 =	vimm.s32 $0x32107654;
	s15 =	simm.s32 @!p0 $0x13;
	p0 =	sne.s32 s14, $0xF;
	s10 =	smul.u32 $0x2710, s2  }
0xc: {  	vm4 =	vcmask $0x2F10;
	vm3 =	vcmask $0x2B0C;
	vm5 =	vcmask $0x2708;
	s14 =	simm.s32 $0x4;
	[dreg:$0x5] =	wrdreg s16;
	s11 =	smul.u32 $0x27100, s2  }
0xd: {  	v16 =	vimm.s32 $0x0;
	v17 =	vimm.s32 $0x54321076;
	v18 =	vimm.s32 $0x65432107;
	s9 =	sshrl.u32 s4, $0x1;
	s12 =	smul.u32 $0x138800, s2;
	s2 =	sshrl.u32 s24, $0x2  }
0xe: {  	vm6 =	vcmask $0x2304;
	v25 =	vimm.s32 $0x8;
	v15 =	vshrl.u32 v0, $0x3;
	s24 =	simm.s32 $0x8080;
	[dreg:$0x4] =	wrdreg s15;
	s4 =	ssub.s32 s4, s9  }
0xf: {  	v5 =	vunpack.c.l.s4.s8 v3;
	v12 =	vand.u32 $0x7, v0;
	v20 =	vsel vm0, $0x8, v16;
	s25 =	sshrl.u32 s1, $0x3;
	s1 =	sadd.s32 s26, s1;
	s21 =	sadd.s32 s7, s11  }
0x10: {  	v7 =	vunpack.c.l.s4.s8 v6;
	v21 =	vsel vm1, $0x8, v16;
	v9 =	vunpack.c.l.s4.s8 v8;
	s19 =	sshrl.u32 s10, $0x3;
	s18 =	sadd.s32 $0x2000, s12;
	[dreg:$0x8] =	wrdreg s21  }
0x11: {  	v22 =	vsel vm2, $0x8, v16;
	v11 =	vunpack.c.l.s4.s8 v10;
	v6 =	vsel vm3, $0x0, v25;
	[tilespmem:$0x1FF70] =	vst v12;
	s17 =	sadd.s32 $0x40, s10;
	s10 =	sadd.s32 $0x60, s10;
	[dreg:$0xb] =	wrdreg s18  }
0x12: {  	v10 =	vimm.s32 $0x43210765;
	v18 =	vunpack.c.l.s4.s8 v18;
	v8 =	vsel vm6, $0x0, v25;
	[tilespmem:$0x1FFA0] =	vst v6;
	s26 =	simm.s32 $0x20;
	s4 =	smax.u32 s4, $0x1;
	[dreg:$0xc] =	wrdreg s10  }
0x13: {  	v2 =	vmul.u32 $0x8, v15;
	v13 =	vunpack.c.l.s4.s8 v10;
	v10 =	vsel vm1, $0x0, v25;
	[tilespmem:$0x1FFC0] =	vst v8;
	s1 =	sshrl.u32 s1, $0x3;
	s9 =	sadd.s32 s8, s19;
	[dreg:$0xe] =	wrdreg s4  }
0x14: {  	v19 =	vmul.u32 $0xFFFFFFF8, v15;
	v14 =	vunpack.c.0.s8.s32 v5;
	v5 =	vsel vm4, $0x0, v25;
	[tilespmem:$0x1FFE0] =	vst v10;
	s21 =	sadd.s32 s2, s13;
	s4 =	simm.s32 $0x2;
	s13 =	simm.s32 $0x3  }
0x15: {  	v4 =	vunpack.c.0.s8.s32 v7;
	v40 =	vunpack.c.0.s8.s32 v9;
	v7 =	vsel vm5, $0x0, v25;
	[tilespmem:$0x1FF90] =	vst v5;
	s18 =	simm.s32 $0x7080;
	s19 =	simm.s32 $0x6080;
	[dreg:$0x6] =	wrdreg s9  }
0x16: {  	v23 =	vsel vm4, $0x8, v16;
	v24 =	vsel vm3, $0x8, v16;
	v0 =	vsel vm5, $0x8, v16;
	[tilespmem:$0x1FFB0] =	vst v7;
	s10 =	simm.s32 $0x0;
	s20 =	sadd.s32 $0x9C48, s9;
	[dreg:$0xf] =	wrdreg s21  }
0x17: {  	v17 =	vunpack.c.l.s4.s8 v17;
	v3 =	vsel vm6, $0x8, v16;
	v16 =	vmovc v2;
	v2 =	vadd.s32 $0x8, v19;
	[tilespmem:$0x1FF50] =	vst v40;
	s22 =	sadd.s32 $0x4, s9;
	s23 =	sadd.s32 $0x9C4C, s9;
	[dreg:$0x7] =	wrdreg s20  }
0x18: {  	[tilespmem:$0x1FFD0] =	vst v2;
	s9 =	sadd.s32 s0, s25;
	s0 =	sadd.s32 s1, s0;
	[dreg:$0x9] =	wrdreg s22  }
0x19: {  	v15 =	vunpack.c.0.s8.s32 v17;
	v17 =	vunpack.c.0.s8.s32 v18;
	v18 =	vmovc v4;
	v4 =	vsel vm2, $0x0, v25;
	[tilespmem:$0x1FFF0] =	vst v16;
	s25 =	simm.s32 $0xC;
	[dreg:$0xa] =	wrdreg s23;
	s9 =	sadd.s32 $0x2BE00, s9  }
0x1a: {  	v1 =	vimm.f32 $0.0e+00;
	v19 =	vmov v3;
	[tilespmem:$0x1FF80] =	vst v4;
	[dreg:$0x10] =	wrdreg s0;
	s0 =	simm.s32 $0x1;
	s20 =	simm.s32 $0x9  }
0x1b: {  	v11 =	vunpack.c.0.s8.s32 v11;
	v13 =	vunpack.c.0.s8.s32 v13;
	v3 =	vsel vm0, $0x0, v25;
	v25 =	vmovc v0;
	[tilespmem:$0x1FF60] =	vst v19;
	s22 =	simm.s32 $0x4080;
	[dreg:$0xd] =	wrdreg s9;
	s9 =	simm.s32 $0x5080  }
.LBB2_1:
0x1c: {  	s1 =	simm.s32 $0x0;
	s2 =	simm.s32 $0x240  }
.LBB2_2:
0x1d: {  	p1 =	sne.s32 s2, $0x45C0;
	[tilespmem:s1+$0x8100] =	vst v1  }
0x1e: {  	[tilespmem:s1+$0x8080] =	vst v1  }
0x1f: {  	[tilespmem:s1+$0x8090] =	vst v1  }
0x20: {  	[tilespmem:s1+$0x80A0] =	vst v1  }
.Ltmp0:
0x21: {  	[tilespmem:s1+$0x80B0] =	vst v1;
	(pc) =	sbr.rel @p1 .LBB2_2-.Ltmp0, $4  }
0x22: {  	[tilespmem:s1+$0x80C0] =	vst v1  }
0x23: {  	[tilespmem:s1+$0x80D0] =	vst v1  }
0x24: {  	[tilespmem:s1+$0x80E0] =	vst v1  }
0x25: {  	[tilespmem:s1+$0x80F0] =	vst v1;
	s1 =	sshra.s32 s2, $0x2;
	s2 =	sadd.s32 $0x240, s2  }
0x26: {  	[tilespmem:s1+$0x8100] =	vst v1  }
0x27: {  	[tilespmem:s1+$0x8080] =	vst v1  }
0x28: {  	[tilespmem:s1+$0x8090] =	vst v1  }
0x29: {  	[tilespmem:s1+$0x80A0] =	vst v1  }
0x2a: {  	[tilespmem:s1+$0x80B0] =	vst v1  }
0x2b: {  	[tilespmem:s1+$0x80C0] =	vst v1  }
0x2c: {  	[tilespmem:s1+$0x80D0] =	vst v1;
	p1 =	sne.s32 s15, $0x1  }
.Ltmp1:
0x2d: {  	[tilespmem:s1+$0x80E0] =	vst v1;
	(pc) =	sbr.rel @!p1 .LBB2_5-.Ltmp1, $4  }
0x2e: {  	[dreg:$0x11] =	wrdreg s10;
	[tilespmem:s1+$0x80F0] =	vst v1  }
0x2f: {  	[spmem:s21] =	stream.linear.scatter [tilespmem:s24], [sflag:$0xC], $0x1200, $0x38;
	[tilespmem:$0x1F230] =	vst v63  }
0x30: {  	_ =	swait.ge [sflag:s25], $0x1200  }
0x31: {  	s1 =	sadd.s32 $0xFFFFFFFF, s15;
	s2 =	smov.u32 s21;
	[sflag:s25] =	ssyncset.done $0x0  }
.LBB2_4:
0x32: {  	p2 =	sne.s32 s1, $0x1;
	[sflag:s25] =	ssyncadd.s32 $0xFFFFEE00;
	s2 =	sadd.s32 $0x12000, s2  }
.Ltmp2:
0x33: {  	s1 =	sadd.s32 $0xFFFFFFFF, s1;
	(pc) =	sbr.rel @p2 .LBB2_4-.Ltmp2, $4  }
0x34: {  	_ = 	snop  }
0x35: {  	[spmem:s2] =	stream.linear.scatter [tilespmem:s24], [sflag:$0xC], $0x1200, $0x38;
	[tilespmem:$0x1F230] =	vst v63  }
0x36: {  	_ =	swait.ge [sflag:s25], $0x1200  }
0x37: {  	[sflag:s25] =	ssyncset.done $0x0  }
.LBB2_5:
0x38: {  	[sflag:s25] =	ssyncadd.s32 $0xFFFFEE00;
	s1 =	simm.s32 @!p0 $0x8080  }
0x39: {  	[spmem:s16] =	stream.linear.scatter @!p0 [tilespmem:s1], [sflag:$0xC], $0x900, $0x38;
	[tilespmem:$0x1F230] =	vst v63  }
0x3a: {  	s1 =	simm.s32 @!p0 $0xC  }
0x3b: {  	_ =	swait.ge @!p0 [sflag:s1], $0x900  }
0x3c: {  	[sflag:s1] =	ssyncset.done @!p0 $0x0  }
0x3d: {  	[sflag:s1] =	ssyncadd.s32 @!p0 $0xFFFFF700  }
0x3e: {  	[bflag:$0x0] =	sbarrier.arrive $0xFFFF  }
0x3f: {  	s2 =	simm.s32 $0x0;
	s23 =	rddreg [dreg:$0x6]  }
0x40: {  	[tilespmem:s2], [sflag:$0xC] =	stream.linear.gather [hbm4b:s23+s2], $0x20, $0x38;
	[tilespmem:$0x1F230] =	vst v63  }
0x41: {  	_ =	swait.ge [sflag:s25], $0x20  }
0x42: {  	[sflag:s25] =	ssyncset.done $0x0  }
0x43: {  	s10 =	rddreg [dreg:$0x7];
	[sflag:s25] =	ssyncadd.s32 $0xFFFFFFE0  }
0x44: {  	[tilespmem:s26], [sflag:$0xC] =	stream.linear.gather [hbm4b:s10+s2], $0x20, $0x38;
	[tilespmem:$0x1F230] =	vst v63  }
0x45: {  	_ =	swait.ge [sflag:s25], $0x20  }
0x46: {  	[sflag:s25] =	ssyncset.done $0x0  }
0x47: {  	[sflag:s25] =	ssyncadd.s32 $0xFFFFFFE0  }
0x48: {  	s11 =	rddreg [dreg:$0x0]  }
0x49: {  	[tilespmem:s28], [sflag:$0x1] =	stream.indirect.gather [hbm4b:s11+s26], $0x80, s26, s26, $0xb8;
	[tilespmem:$0x1F230] =	vst v63  }
0x4a: {  	_ = 	snop  }
0x4b: {  	[tilespmem:s29], [sflag:$0x2] =	stream.indirect.gather [hbm4b:s5+s26], $0x80, s2, s26, $0xb8;
	[tilespmem:$0x1F230] =	vst v63  }
0x4c: {  	_ = 	snop  }
0x4d: {  	[tilespmem:s30], [sflag:$0x3] =	stream.indirect.gather [hbm4b:s6+s26], $0x80, s2, s26, $0xb8;
	[tilespmem:$0x1F230] =	vst v63  }
0x4e: {  	s15 =	rddreg [dreg:$0x8]  }
0x4f: {  	[tilespmem:s31], [sflag:$0x4] =	stream.linear.gather [hbm4b:s15+s2], $0x1000, $0x38;
	[tilespmem:$0x1F230] =	vst v63  }
.Ltmp3:
0x50: {  	s10 =	simm.s32 $0x40;
	s16 =	rddreg [dreg:$0x9];
	(pc) =	sbr.rel .LBB2_6-.Ltmp3, $4  }
0x51: {  	[tilespmem:s10], [sflag:$0xA] =	stream.linear.gather [hbm4b:s16+s2], $0x20, $0x38;
	[tilespmem:$0x1F230] =	vst v63  }
0x52: {  	s23 =	simm.s32 $0x60;
	s21 =	rddreg [dreg:$0xa]  }
0x53: {  	[tilespmem:s23], [sflag:$0xA] =	stream.linear.gather [hbm4b:s21+s2], $0x20, $0x38;
	[tilespmem:$0x1F230] =	vst v63  }
0x54: {  	s21 =	simm.s32 $0x0  }
.LBB2_16:
0x55: {  	s21 =	sadd.s32 $0x1, s21  }
0x56: {  	p2 =	sne.s32 s21, $0x9D  }
.Ltmp4:
0x57: {  	v4 =	vld [tilespmem:$0x1FF80];
	(pc) =	sbr.rel @!p2 .LBB2_17-.Ltmp4, $4  }
0x58: {  	v5 =	vld [tilespmem:$0x1FF90]  }
0x59: {  	v6 =	vld [tilespmem:$0x1FFA0]  }
0x5a: {  	v7 =	vld [tilespmem:$0x1FFB0]  }
0x5b: {  	v8 =	vld [tilespmem:$0x1FFC0]  }
.LBB2_6:
0x5c: {  	s1 =	sshllo.u32 s21, $0x1  }
0x5d: {  	p2 =	sgt.u32 s1, $0x138  }
0x5e: {  	s10 =	simm.s32 @!p2 $0xA  }
0x5f: {  	_ =	swait.ge @!p2 [sflag:s10], $0x20  }
0x60: {  	[sflag:s10] =	ssyncset.done @!p2 $0x0  }
0x61: {  	[sflag:s10] =	ssyncadd.s32 @!p2 $0xFFFFFFE0  }
0x62: {  	_ =	swait.ge @!p2 [sflag:s10], $0x20  }
0x63: {  	[sflag:s10] =	ssyncset.done @!p2 $0x0  }
0x64: {  	s11 =	simm.s32 @!p2 $0x60;
	[sflag:s10] =	ssyncadd.s32 @!p2 $0xFFFFFFE0  }
0x65: {  	s23 =	simm.s32 @!p2 $0x4080;
	s10 =	simm.s32 @!p2 $0x20;
	s15 =	rddreg [dreg:$0x0]  }
0x66: {  	[tilespmem:s23], [sflag:$0x5] =	stream.indirect.gather @!p2 [hbm4b:s15+s10], $0x80, s11, s10, $0xb8;
	[tilespmem:$0x1F230] =	vst v63  }
0x67: {  	s11 =	simm.s32 @!p2 $0x40;
	s23 =	simm.s32 @!p2 $0x5080  }
0x68: {  	[tilespmem:s23], [sflag:$0x6] =	stream.indirect.gather @!p2 [hbm4b:s5+s10], $0x80, s11, s10, $0xb8;
	[tilespmem:$0x1F230] =	vst v63  }
0x69: {  	s23 =	simm.s32 @!p2 $0x6080  }
0x6a: {  	[tilespmem:s23], [sflag:$0x7] =	stream.indirect.gather @!p2 [hbm4b:s6+s10], $0x80, s11, s10, $0xb8;
	[tilespmem:$0x1F230] =	vst v63  }
0x6b: {  	s10 =	sshll.u32 @!p2 s1, $0xC  }
0x6c: {  	s10 =	sadd.s32 @!p2 s12, s10  }
0x6d: {  	s10 =	sshrl.u32 @!p2 s10, $0x3  }
0x6e: {  	s11 =	simm.s32 @!p2 $0x0;
	s23 =	simm.s32 @!p2 $0x7080;
	s10 =	sadd.s32 @!p2 s7, s10  }
0x6f: {  	[tilespmem:s23], [sflag:$0x8] =	stream.linear.gather @!p2 [hbm4b:s10+s11], $0x1000, $0x38;
	[tilespmem:$0x1F230] =	vst v63  }
0x70: {  	_ =	swait.ge [sflag:s0], $0x1000  }
0x71: {  	[sflag:s0] =	ssyncset.done $0x0  }
0x72: {  	[sflag:s0] =	ssyncadd.s32 $0xFFFFF000  }
0x73: {  	_ =	swait.ge [sflag:s4], $0x1000  }
0x74: {  	[sflag:s4] =	ssyncset.done $0x0  }
0x75: {  	[sflag:s4] =	ssyncadd.s32 $0xFFFFF000  }
0x76: {  	v0 =	vlaneseq.u32;
	s10 =	sand.u32 $0x10, s2;
	_ =	swait.ge [sflag:s13], $0x1000  }
0x77: {  	s15 =	sand.u32 $0x7, s2;
	v0 =	vor.u32 s10, v0;
	[sflag:s13] =	ssyncset.done $0x0  }
0x78: {  	s16 =	sshll.u32 s15, $0x4;
	v26 =	vshll.u32 v0, $0x7;
	[tilespmem:$0x1FEF0] =	vst v0;
	[sflag:s13] =	ssyncadd.s32 $0xFFFFF000  }
0x79: {  	v27 =	vor.u32 v12, v26;
	v0 =	vor.u32 s16, v2;
	_ =	swait.ge [sflag:s14], $0x1000  }
0x7a: {  	v1 =	vor.u32 s16, v20;
	p2 =	seq.s32 s21, $0x0;
	v48 =	vor.u32 v0, v27;
	[tilespmem:$0x1FF40] =	vst v0;
	[sflag:s14] =	ssyncset.done $0x0  }
0x7b: {  	s23 =	simm.s32 @!p2 $0xB;
	[tilespmem:$0x1FF10] =	vst v1;
	[sflag:s14] =	ssyncadd.s32 $0xFFFFF000  }
0x7c: {  	_ =	swait.ge @!p2 [sflag:s23], $0x1200  }
0x7d: {  	v9 =	vor.u32 s16, v3;
	v34 =	vor.u32 v14, v26;
	[sflag:s23] =	ssyncset.done @!p2 $0x0  }
0x7e: {  	v52 =	vor.u32 v17, v26;
	v44 =	vor.u32 v1, v34;
	v1 =	vmovc v8;
	v8 =	vmovc v4;
	v4 =	vor.u32 s16, v19;
	[sflag:s23] =	ssyncadd.s32 @!p2 $0xFFFFEE00  }
0x7f: {  	v47 =	vor.u32 v9, v34;
	v46 =	vor.u32 v4, v52;
	[tilespmem:$0x1FF30] =	vst v4;
	v4 =	vld.idx.msk [tilespmem:v48+s29+$0x0], $0xffff;
	_ =	sdelay $0x4  }
0x80: {  	[tilespmem:$0x1FEC0] =	vst v4;
	v4 =	vld.idx.msk [tilespmem:v47+s29+$0x0], $0xffff;
	_ =	sdelay $0x1  }
0x81: {  	v54 =	vor.u32 s16, v23;
	v33 =	vor.u32 v11, v26  }
0x82: {  	v51 =	vor.u32 v15, v26;
	v39 =	vor.u32 v54, v33;
	v0 =	vmovc v10;
	v10 =	vor.u32 s16, v25;
	v41 =	vld.idx.msk [tilespmem:v44+s31+$0x0], $0xffff  }
0x83: {  	v45 =	vor.u32 v10, v51;
	v62 =	vld.idx.msk [tilespmem:v47+s28+$0x0], $0xffff  }
0x84: {  	[tilespmem:$0x1FED0] =	vst v4;
	v4 =	vld.idx.msk [tilespmem:v47+s31+$0x0], $0xffff  }
0x85: {  	v29 =	vld.idx.msk [tilespmem:v44+s28+$0x0], $0xffff  }
0x86: {  	v28 =	vld.idx.msk [tilespmem:v44+s29+$0x0], $0xffff  }
0x87: {  	v34 =	vld.idx.msk [tilespmem:v39+s31+$0x0], $0xffff  }
0x88: {  	v63 =	vor.u32 v40, v26;
	[tilespmem:$0x1FF20] =	vst v10;
	v10 =	vor.u32 s16, v22;
	v55 =	vld.idx.msk [tilespmem:v45+s31+$0x0], $0xffff  }
0x89: {  	v50 =	vor.u32 v10, v63;
	v57 =	vld.idx.msk [tilespmem:v46+s31+$0x0], $0xffff;
	[tilespmem:$0x1FEE0] =	vst v4;
	v4 =	vor.u32 s16, v16  }
0x8a: {  	v42 =	vor.u32 v18, v26;
	v53 =	vld.idx.msk [tilespmem:v45+s29+$0x0], $0xffff;
	[tilespmem:$0x1FF00] =	vst v4;
	v58 =	vor.u32 v4, v27;
	v4 =	vor.u32 s16, v21  }
0x8b: {  	v59 =	vld.idx.msk [tilespmem:v45+s28+$0x0], $0xffff;
	v49 =	vor.u32 v4, v42  }
0x8c: {  	v60 =	vld.idx.msk [tilespmem:v46+s29+$0x0], $0xffff  }
0x8d: {  	v61 =	vld.idx.msk [tilespmem:v46+s28+$0x0], $0xffff  }
0x8e: {  	v36 =	vld.idx.msk [tilespmem:v50+s31+$0x0], $0xffff  }
0x8f: {  	v37 =	vld.idx.msk [tilespmem:v58+s29+$0x0], $0xffff  }
0x90: {  	v32 =	vld.idx.msk [tilespmem:v49+s28+$0x0], $0xffff  }
0x91: {  	v56 =	vor.u32 s16, v24;
	v26 =	vor.u32 v13, v26;
	v27 =	vld.idx.msk [tilespmem:v49+s29+$0x0], $0xffff  }
0x92: {  	v38 =	vor.u32 v56, v26;
	v40 =	vld.idx.msk [tilespmem:v58+s28+$0x0], $0xffff  }
0x93: {  	v35 =	vld.idx.msk [tilespmem:v49+s31+$0x0], $0xffff  }
0x94: {  	v31 =	vld.idx.msk [tilespmem:v50+s28+$0x0], $0xffff  }
0x95: {  	v28 =	vmul.f32 v29, v28;
	v43 =	vld.idx.msk [tilespmem:v58+s31+$0x0], $0xffff  }
0x96: {  	v6 =	vor.u32 s16, v6;
	v30 =	vld.idx.msk [tilespmem:v50+s29+$0x0], $0xffff;
	v27 =	vmul.f32 v32, v27  }
0x97: {  	v41 =	vmul.f32 v41, v28;
	v28 =	vor.u32 v6, v26;
	v26 =	vld.idx.msk [tilespmem:v38+s29+$0x0], $0xffff  }
0x98: {  	v37 =	vmul.f32 v40, v37;
	v27 =	vmul.f32 v35, v27;
	v35 =	vld.idx.msk [tilespmem:v38+s28+$0x0], $0xffff  }
0x99: {  	v29 =	vld.idx.msk [tilespmem:v39+s29+$0x0], $0xffff  }
0x9a: {  	v53 =	vmul.f32 v59, v53;
	v59 =	vld.idx.msk [tilespmem:v48+s31+$0x0], $0xffff;
	v40 =	vor.u32 s16, v0;
	v43 =	vmul.f32 v43, v37  }
0x9b: {  	v42 =	vor.u32 v40, v42;
	v32 =	vld.idx.msk [tilespmem:v39+s28+$0x0], $0xffff  }
0x9c: {  	v0 =	vld [tilespmem:$0x1FEC0];
	v43 =	vadd.f32 $0.0e+00, v43  }
0x9d: {  	v30 =	vmul.f32 v31, v30;
	v26 =	vmul.f32 v35, v26;
	v35 =	vld.idx.msk [tilespmem:v48+s28+$0x0], $0xffff  }
0x9e: {  	v31 =	vld.idx.msk [tilespmem:v38+s31+$0x0], $0xffff;
	v41 =	vadd.f32 v41, v43  }
0x9f: {  	v53 =	vmul.f32 v55, v53;
	v30 =	vmul.f32 v36, v30;
	v55 =	vld.idx.msk [tilespmem:v28+s31+$0x0], $0xffff;
	v37 =	vor.u32 s16, v5  }
0xa0: {  	v33 =	vor.u32 v37, v33;
	v43 =	vld.idx.msk [tilespmem:v42+s31+$0x0], $0xffff;
	v32 =	vmul.f32 v32, v29;
	v27 =	vadd.f32 v27, v41  }
0xa1: {  	v36 =	vld.idx.msk [tilespmem:v42+s29+$0x0], $0xffff;
	v29 =	vor.u32 s16, v8  }
0xa2: {  	v27 =	vadd.f32 v30, v27;
	v30 =	vmul.f32 v34, v32;
	v35 =	vmul.f32 v35, v0;
	v0 =	vld [tilespmem:$0x1FED0]  }
0xa3: {  	v41 =	vld.idx.msk [tilespmem:v42+s28+$0x0], $0xffff;
	v34 =	vor.u32 v29, v63  }
0xa4: {  	v32 =	vld.idx.msk [tilespmem:v28+s29+$0x0], $0xffff;
	v26 =	vmul.f32 v31, v26;
	v27 =	vadd.f32 v30, v27  }
0xa5: {  	v31 =	vmul.f32 v61, v60;
	v60 =	vor.u32 s16, v7;
	v7 =	vld.idx.msk [tilespmem:v33+s29+$0x0], $0xffff  }
0xa6: {  	v30 =	vld.idx.msk [tilespmem:v28+s28+$0x0], $0xffff;
	v26 =	vadd.f32 v26, v27  }
0xa7: {  	v27 =	vor.u32 v60, v51;
	v51 =	vmul.f32 v62, v0;
	v0 =	vld [tilespmem:$0x1FEE0]  }
0xa8: {  	v31 =	vmul.f32 v57, v31;
	v61 =	vld.idx.msk [tilespmem:v34+s29+$0x0], $0xffff;
	v26 =	vadd.f32 v53, v26  }
0xa9: {  	v53 =	vld.idx.msk [tilespmem:v34+s28+$0x0], $0xffff  }
0xaa: {  	v57 =	vld.idx.msk [tilespmem:v33+s28+$0x0], $0xffff;
	v35 =	vmul.f32 v59, v35;
	v59 =	vor.u32 s16, v1;
	v31 =	vadd.f32 v31, v26  }
0xab: {  	v63 =	vld.idx.msk [tilespmem:v34+s31+$0x0], $0xffff;
	v26 =	vor.u32 v59, v52  }
0xac: {  	v36 =	vmul.f32 v41, v36;
	v41 =	vld.idx.msk [tilespmem:v27+s28+$0x0], $0xffff;
	v31 =	vadd.f32 v35, v31;
	v51 =	vmul.f32 v0, v51  }
0xad: {  	v35 =	vld.idx.msk [tilespmem:v33+s31+$0x0], $0xffff  }
0xae: {  	v36 =	vmul.f32 v43, v36;
	v52 =	vld.idx.msk [tilespmem:v27+s31+$0x0], $0xffff;
	v61 =	vmul.f32 v53, v61;
	v31 =	vadd.f32 v51, v31  }
0xaf: {  	v51 =	vld.idx.msk [tilespmem:v27+s29+$0x0], $0xffff  }
0xb0: {  	v62 =	vmul.f32 v57, v7;
	v7 =	vmul.f32 v63, v61;
	v43 =	vld.idx.msk [tilespmem:v26+s28+$0x0], $0xffff;
	v31 =	vadd.f32 v36, v31  }
0xb1: {  	v61 =	vld.idx.msk [tilespmem:v26+s29+$0x0], $0xffff  }
0xb2: {  	v30 =	vmul.f32 v30, v32;
	v62 =	vmul.f32 v35, v62;
	v31 =	vadd.f32 v7, v31  }
0xb3: {  	v63 =	vld.idx.msk [tilespmem:v26+s31+$0x0], $0xffff  }
0xb4: {  	v30 =	vmul.f32 v55, v30;
	v7 =	vmul.f32 v41, v51;
	v31 =	vadd.f32 v62, v31;
	_ =	sdelay $0x1  }
0xb5: {  	v36 =	vmul.f32 v43, v61;
	v30 =	vadd.f32 v30, v31;
	v31 =	vmul.f32 v52, v7;
	_ =	sdelay $0x1  }
0xb6: {  	v30 =	vadd.f32 v31, v30;
	v31 =	vmul.f32 v63, v36;
	_ =	sdelay $0x1  }
0xb7: {  	v30 =	vadd.f32 v31, v30;
	_ =	sdelay $0x1  }
0xb8: {  	v30 =	vmul.f32 $2.500000000e-01, v30;
	_ =	sdelay $0x1  }
0xb9: {  	v30 =	vmax.f32 v30, $-5.000000000e+00  }
0xba: {  	v30 =	vmin.f32 v30, $5.000000000e+00  }
0xbb: {  	v0 =	vld [tilespmem:$0x1FEF0];
	v30 =	vmul.f32 $1.442695020e+00, v30;
	_ =	sdelay $0x1  }
0xbc: {  	(erf) = vpow2.f32 v30  }
0xbd: {  	v30 =	vmov s15  }
0xbe: {  	v30 =	vor.u32 $0x80, v30  }
0xbf: {  	v31 =	vmul.u32 $0x90, v0;
	v30 =	vbroadcast v30, $0x0;
	_ =	sdelay $0x1  }
0xc0: {  	v41 =	vadd.s32 v31, v30;
	_ =	sdelay $0x1  }
0xc1: {  	v0 =	vld [tilespmem:$0x1FF00];
	_ =	sdelay $0x1  }
0xc2: {  	v30 =	vpop (erf)  }
0xc3: {  	[tilespmem:v41+s24+$0x0] =	vst.idx.msk $0xffff, v30  }
0xc4: {  	v32 =	vld.idx.msk [tilespmem:v58+s30+$0x0], $0xffff  }
0xc5: {  	v43 =	vadd.s32 v0, v31  }
0xc6: {  	v35 =	vor.u32 v12, v43;
	_ =	sdelay $0x1  }
0xc7: {  	v0 =	vld [tilespmem:$0x1FF10]  }
0xc8: {  	v32 =	vmul.f32 v30, v32;
	_ =	sdelay $0x1  }
0xc9: {  	[tilespmem:v35+s24+$0x0] =	vst.idx.msk $0xffff, v32  }
0xca: {  	v32 =	vld.idx.msk [tilespmem:v44+s30+$0x0], $0xffff  }
0xcb: {  	v51 =	vadd.s32 v0, v31  }
0xcc: {  	v35 =	vor.u32 v14, v51;
	_ =	sdelay $0x2  }
0xcd: {  	v32 =	vmul.f32 v30, v32;
	_ =	sdelay $0x1  }
0xce: {  	[tilespmem:v35+s24+$0x0] =	vst.idx.msk $0xffff, v32  }
0xcf: {  	v32 =	vld.idx.msk [tilespmem:v49+s30+$0x0], $0xffff  }
0xd0: {  	v52 =	vadd.s32 v4, v31  }
0xd1: {  	v35 =	vor.u32 v18, v52;
	_ =	sdelay $0x2  }
0xd2: {  	v0 =	vld [tilespmem:$0x1FF50];
	v32 =	vmul.f32 v30, v32;
	_ =	sdelay $0x1  }
0xd3: {  	[tilespmem:v35+s24+$0x0] =	vst.idx.msk $0xffff, v32  }
0xd4: {  	v32 =	vld.idx.msk [tilespmem:v50+s30+$0x0], $0xffff  }
0xd5: {  	v53 =	vadd.s32 v10, v31  }
0xd6: {  	v35 =	vor.u32 v0, v53;
	_ =	sdelay $0x2  }
0xd7: {  	v32 =	vmul.f32 v32, v30;
	_ =	sdelay $0x1  }
0xd8: {  	[tilespmem:v35+s24+$0x0] =	vst.idx.msk $0xffff, v32  }
0xd9: {  	v32 =	vld.idx.msk [tilespmem:v39+s30+$0x0], $0xffff  }
0xda: {  	v54 =	vadd.s32 v54, v31  }
0xdb: {  	v35 =	vor.u32 v11, v54;
	_ =	sdelay $0x2  }
0xdc: {  	v32 =	vmul.f32 v32, v30;
	_ =	sdelay $0x1  }
0xdd: {  	[tilespmem:v35+s24+$0x0] =	vst.idx.msk $0xffff, v32  }
0xde: {  	v32 =	vld.idx.msk [tilespmem:v38+s30+$0x0], $0xffff  }
0xdf: {  	v55 =	vadd.s32 v56, v31  }
0xe0: {  	v35 =	vor.u32 v13, v55;
	_ =	sdelay $0x1  }
0xe1: {  	v0 =	vld [tilespmem:$0x1FF20]  }
0xe2: {  	v32 =	vmul.f32 v32, v30;
	_ =	sdelay $0x1  }
0xe3: {  	[tilespmem:v35+s24+$0x0] =	vst.idx.msk $0xffff, v32  }
0xe4: {  	v32 =	vld.idx.msk [tilespmem:v45+s30+$0x0], $0xffff  }
0xe5: {  	v56 =	vadd.s32 v0, v31  }
0xe6: {  	v35 =	vor.u32 v15, v56;
	_ =	sdelay $0x1  }
0xe7: {  	v0 =	vld [tilespmem:$0x1FF30]  }
0xe8: {  	v32 =	vmul.f32 v32, v30;
	_ =	sdelay $0x1  }
0xe9: {  	[tilespmem:v35+s24+$0x0] =	vst.idx.msk $0xffff, v32  }
0xea: {  	v32 =	vld.idx.msk [tilespmem:v46+s30+$0x0], $0xffff  }
0xeb: {  	v57 =	vadd.s32 v0, v31  }
0xec: {  	v35 =	vor.u32 v17, v57;
	_ =	sdelay $0x1  }
0xed: {  	v0 =	vld [tilespmem:$0x1FF40]  }
0xee: {  	v32 =	vmul.f32 v32, v30;
	_ =	sdelay $0x1  }
0xef: {  	[tilespmem:v35+s24+$0x0] =	vst.idx.msk $0xffff, v32  }
0xf0: {  	v32 =	vld.idx.msk [tilespmem:v48+s30+$0x0], $0xffff  }
0xf1: {  	v58 =	vadd.s32 v0, v31  }
0xf2: {  	v35 =	vor.u32 v12, v58;
	_ =	sdelay $0x2  }
0xf3: {  	v32 =	vmul.f32 v32, v30;
	_ =	sdelay $0x1  }
0xf4: {  	[tilespmem:v35+s24+$0x0] =	vst.idx.msk $0xffff, v32  }
0xf5: {  	v32 =	vld.idx.msk [tilespmem:v47+s30+$0x0], $0xffff  }
0xf6: {  	v61 =	vadd.s32 v9, v31  }
0xf7: {  	v35 =	vor.u32 v14, v61;
	_ =	sdelay $0x2  }
0xf8: {  	v32 =	vmul.f32 v32, v30;
	_ =	sdelay $0x1  }
0xf9: {  	[tilespmem:v35+s24+$0x0] =	vst.idx.msk $0xffff, v32  }
0xfa: {  	v32 =	vld.idx.msk [tilespmem:v42+s30+$0x0], $0xffff  }
0xfb: {  	v62 =	vadd.s32 v40, v31  }
0xfc: {  	v35 =	vor.u32 v18, v62;
	_ =	sdelay $0x2  }
0xfd: {  	v40 =	vld [tilespmem:$0x1FF50];
	v32 =	vmul.f32 v32, v30;
	_ =	sdelay $0x1  }
0xfe: {  	[tilespmem:v35+s24+$0x0] =	vst.idx.msk $0xffff, v32  }
0xff: {  	v32 =	vld.idx.msk [tilespmem:v34+s30+$0x0], $0xffff  }
0x100: {  	v29 =	vadd.s32 v29, v31  }
0x101: {  	v29 =	vor.u32 v40, v29;
	_ =	sdelay $0x2  }
0x102: {  	v32 =	vmul.f32 v32, v30;
	_ =	sdelay $0x1  }
0x103: {  	[tilespmem:v29+s24+$0x0] =	vst.idx.msk $0xffff, v32  }
0x104: {  	v29 =	vld.idx.msk [tilespmem:v33+s30+$0x0], $0xffff  }
0x105: {  	v63 =	vadd.s32 v37, v31  }
0x106: {  	v32 =	vor.u32 v11, v63;
	_ =	sdelay $0x2  }
0x107: {  	v29 =	vmul.f32 v29, v30;
	_ =	sdelay $0x1  }
0x108: {  	[tilespmem:v32+s24+$0x0] =	vst.idx.msk $0xffff, v29;
	v29 =	vadd.s32 v6, v31  }
0x109: {  	s11 =	simm.s32 $0x1;
	s10 =	simm.s32 $0x0;
	v43 =	vadd.s32 v59, v31;
	v44 =	vadd.s32 v60, v31;
	v28 =	vld.idx.msk [tilespmem:v28+s30+$0x0], $0xffff;
	v29 =	vor.u32 v13, v29  }
.LBB2_7:
0x10a: {  	_ =	sdelay $0x3  }
0x10b: {  	v28 =	vmul.f32 v28, v30;
	_ =	sdelay $0x1  }
0x10c: {  	[tilespmem:v29+s24+$0x0] =	vst.idx.msk $0xffff, v28  }
0x10d: {  	v27 =	vld.idx.msk [tilespmem:v27+s30+$0x0], $0xffff;
	_ =	sdelay $0x1  }
0x10e: {  	v28 =	vor.u32 v15, v44;
	_ =	sdelay $0x2  }
0x10f: {  	v27 =	vmul.f32 v27, v30  }
0x110: {  	s10 =	sadd.s32 $0x2, s10;
	s23 =	smov.u32 s11  }
0x111: {  	v0 =	vlaneseq.u32;
	s15 =	sand.u32 $0x10, s10;
	s16 =	sand.u32 $0x7, s23;
	[tilespmem:v28+s24+$0x0] =	vst.idx.msk $0xffff, v27  }
0x112: {  	v34 =	vor.u32 v17, v43;
	s23 =	sshll.u32 s16, $0x4;
	v32 =	vmov s16;
	v44 =	vor.u32 s15, v0;
	v36 =	vld.idx.msk [tilespmem:v26+s30+$0x0], $0xffff  }
0x113: {  	v47 =	vor.u32 s23, v20;
	v45 =	vor.u32 s23, v25;
	v31 =	vshll.u32 v44, $0x7  }
0x114: {  	v49 =	vor.u32 s23, v3;
	v33 =	vor.u32 v14, v31;
	v28 =	vor.u32 $0x80, v32  }
0x115: {  	v48 =	vor.u32 s23, v19;
	v51 =	vbroadcast v28, $0x0;
	v28 =	vor.u32 v49, v33  }
0x116: {  	v35 =	vor.u32 v40, v31;
	v40 =	vor.u32 v47, v33;
	v27 =	vor.u32 v15, v31  }
0x117: {  	v26 =	vor.u32 v17, v31;
	v33 =	vor.u32 v45, v27;
	v36 =	vmul.f32 v36, v30  }
0x118: {  	v32 =	vor.u32 v48, v26  }
0x119: {  	[tilespmem:v34+s24+$0x0] =	vst.idx.msk $0xffff, v36  }
0x11a: {  	v36 =	vld.idx.msk [tilespmem:v28+s29+$0x0], $0xffff  }
0x11b: {  	v59 =	vld.idx.msk [tilespmem:v40+s31+$0x0], $0xffff  }
0x11c: {  	v46 =	vor.u32 s23, v16;
	v29 =	vor.u32 v12, v31;
	v34 =	vld.idx.msk [tilespmem:v33+s31+$0x0], $0xffff  }
0x11d: {  	v42 =	vor.u32 v46, v29;
	v61 =	vld.idx.msk [tilespmem:v32+s31+$0x0], $0xffff  }
0x11e: {  	v54 =	vld.idx.msk [tilespmem:v33+s29+$0x0], $0xffff  }
0x11f: {  	v55 =	vld.idx.msk [tilespmem:v33+s28+$0x0], $0xffff  }
0x120: {  	v62 =	vld.idx.msk [tilespmem:v32+s29+$0x0], $0xffff  }
0x121: {  	v5 =	vmovc v3;
	v43 =	vor.u32 s23, v2;
	v50 =	vor.u32 s23, v21;
	v57 =	vor.u32 v18, v31;
	v63 =	vld.idx.msk [tilespmem:v32+s28+$0x0], $0xffff  }
0x122: {  	v53 =	vor.u32 s23, v24;
	v3 =	vmovc v17;
	v56 =	vor.u32 v11, v31;
	v41 =	vor.u32 v50, v57;
	v0 =	vld.idx.msk [tilespmem:v42+s29+$0x0], $0xffff  }
0x123: {  	v31 =	vor.u32 v13, v31;
	v17 =	vmovc v15;
	v15 =	vmovc v13;
	v13 =	vmov v11;
	v11 =	vmov v2;
	v2 =	vld.idx.msk [tilespmem:v42+s31+$0x0], $0xffff  }
0x124: {  	v37 =	vor.u32 v53, v31;
	v30 =	vor.u32 s23, v22;
	v4 =	vld.idx.msk [tilespmem:v42+s28+$0x0], $0xffff  }
0x125: {  	v39 =	vor.u32 v30, v35;
	v6 =	vld.idx.msk [tilespmem:v40+s28+$0x0], $0xffff  }
0x126: {  	v8 =	vld.idx.msk [tilespmem:v40+s29+$0x0], $0xffff  }
0x127: {  	v12 =	vld.idx.msk [tilespmem:v41+s31+$0x0], $0xffff  }
0x128: {  	v7 =	vmov v14;
	v14 =	vld.idx.msk [tilespmem:v41+s28+$0x0], $0xffff  }
0x129: {  	v9 =	vmovc v18;
	v52 =	vor.u32 s23, v23;
	v19 =	vmovc v25;
	v25 =	vmov v24;
	v24 =	vmov v23;
	v18 =	vld.idx.msk [tilespmem:v37+s31+$0x0], $0xffff  }
0x12a: {  	v23 =	vmovc v22;
	v38 =	vor.u32 v52, v56;
	v22 =	vmovc v21;
	v21 =	vmov v20;
	v20 =	vmov v16;
	v16 =	vld.idx.msk [tilespmem:v39+s31+$0x0], $0xffff  }
0x12b: {  	v54 =	vmul.f32 v55, v54;
	v55 =	vld [tilespmem:$0x1FFE0]  }
0x12c: {  	v0 =	vmul.f32 v4, v0;
	v4 =	vld.idx.msk [tilespmem:v41+s29+$0x0], $0xffff  }
0x12d: {  	v62 =	vmul.f32 v63, v62;
	v63 =	vld [tilespmem:$0x1FF90];
	v10 =	vmul.f32 v34, v54  }
0x12e: {  	v54 =	vld [tilespmem:$0x1FFA0];
	v0 =	vmul.f32 v2, v0;
	v2 =	vmul.f32 v6, v8  }
0x12f: {  	v6 =	vld.idx.msk [tilespmem:v38+s31+$0x0], $0xffff  }
0x130: {  	v8 =	vld.idx.msk [tilespmem:v39+s28+$0x0], $0xffff;
	v0 =	vadd.f32 $0.0e+00, v0;
	v2 =	vmul.f32 v59, v2;
	v55 =	vor.u32 s23, v55  }
0x131: {  	v34 =	vor.u32 v55, v57;
	v57 =	vld.idx.msk [tilespmem:v39+s29+$0x0], $0xffff  }
0x132: {  	v59 =	vld.idx.msk [tilespmem:v38+s29+$0x0], $0xffff;
	v0 =	vadd.f32 v2, v0;
	v2 =	vmul.f32 v14, v4  }
0x133: {  	v4 =	vld.idx.msk [tilespmem:v38+s28+$0x0], $0xffff  }
0x134: {  	v14 =	vld.idx.msk [tilespmem:v37+s29+$0x0], $0xffff;
	v2 =	vmul.f32 v12, v2  }
0x135: {  	v12 =	vld.idx.msk [tilespmem:v37+s28+$0x0], $0xffff  }
0x136: {  	v29 =	vor.u32 v43, v29;
	v0 =	vadd.f32 v2, v0;
	v2 =	vmul.f32 v8, v57;
	v8 =	vld.idx.msk [tilespmem:v34+s29+$0x0], $0xffff  }
0x137: {  	v61 =	vmul.f32 v61, v62;
	v54 =	vor.u32 s23, v54;
	v57 =	vld.idx.msk [tilespmem:v34+s28+$0x0], $0xffff  }
0x138: {  	v31 =	vor.u32 v54, v31;
	v62 =	vld.idx.msk [tilespmem:v34+s31+$0x0], $0xffff;
	v4 =	vmul.f32 v4, v59;
	v2 =	vmul.f32 v16, v2  }
0x139: {  	v16 =	vld [tilespmem:$0x1FF80]  }
0x13a: {  	v1 =	vld.idx.msk [tilespmem:v28+s28+$0x0], $0xffff;
	v0 =	vadd.f32 v2, v0;
	v2 =	vmul.f32 v6, v4;
	v4 =	vmul.f32 v12, v14  }
0x13b: {  	v58 =	vld.idx.msk [tilespmem:v29+s29+$0x0], $0xffff  }
0x13c: {  	v60 =	vld.idx.msk [tilespmem:v28+s31+$0x0], $0xffff;
	v8 =	vmul.f32 v57, v8;
	v0 =	vadd.f32 v2, v0;
	v2 =	vmul.f32 v18, v4  }
0x13d: {  	v63 =	vor.u32 s23, v63;
	v59 =	vld.idx.msk [tilespmem:v31+s29+$0x0], $0xffff  }
0x13e: {  	v16 =	vor.u32 s23, v16;
	v8 =	vmul.f32 v62, v8;
	v62 =	vld [tilespmem:$0x1FFB0];
	v0 =	vadd.f32 v2, v0  }
0x13f: {  	v1 =	vmul.f32 v1, v36;
	v36 =	vor.u32 v16, v35;
	v35 =	vor.u32 v63, v56;
	v56 =	vld.idx.msk [tilespmem:v31+s28+$0x0], $0xffff  }
0x140: {  	v6 =	vld.idx.msk [tilespmem:v29+s28+$0x0], $0xffff;
	v0 =	vadd.f32 v10, v0  }
0x141: {  	v4 =	vld.idx.msk [tilespmem:v29+s31+$0x0], $0xffff  }
0x142: {  	v0 =	vadd.f32 v61, v0;
	v61 =	vld [tilespmem:$0x1FFC0]  }
0x143: {  	v12 =	vld.idx.msk [tilespmem:v31+s31+$0x0], $0xffff  }
0x144: {  	v2 =	vld.idx.msk [tilespmem:v35+s28+$0x0], $0xffff;
	v18 =	vmul.f32 v56, v59;
	v56 =	vor.u32 s23, v62  }
0x145: {  	v6 =	vmul.f32 v6, v58;
	v14 =	vld.idx.msk [tilespmem:v36+s28+$0x0], $0xffff;
	v27 =	vor.u32 v56, v27  }
0x146: {  	v10 =	vld.idx.msk [tilespmem:v36+s29+$0x0], $0xffff  }
0x147: {  	v1 =	vmul.f32 v60, v1;
	v4 =	vmul.f32 v4, v6;
	v60 =	vld.idx.msk [tilespmem:v35+s29+$0x0], $0xffff;
	v58 =	vor.u32 s23, v61  }
0x148: {  	v6 =	vld.idx.msk [tilespmem:v36+s31+$0x0], $0xffff;
	v26 =	vor.u32 v58, v26  }
0x149: {  	v0 =	vadd.f32 v4, v0;
	v4 =	vld.idx.msk [tilespmem:v35+s31+$0x0], $0xffff  }
0x14a: {  	v62 =	vld.idx.msk [tilespmem:v27+s28+$0x0], $0xffff  }
0x14b: {  	v0 =	vadd.f32 v1, v0;
	v1 =	vmul.f32 v14, v10;
	v10 =	vld.idx.msk [tilespmem:v27+s29+$0x0], $0xffff  }
0x14c: {  	v14 =	vld.idx.msk [tilespmem:v27+s31+$0x0], $0xffff  }
0x14d: {  	v2 =	vmul.f32 v2, v60;
	v0 =	vadd.f32 v8, v0;
	v1 =	vmul.f32 v6, v1;
	v6 =	vld.idx.msk [tilespmem:v26+s28+$0x0], $0xffff  }
0x14e: {  	v8 =	vld.idx.msk [tilespmem:v26+s29+$0x0], $0xffff  }
0x14f: {  	v0 =	vadd.f32 v1, v0;
	v1 =	vmul.f32 v4, v2  }
0x150: {  	v2 =	vld.idx.msk [tilespmem:v26+s31+$0x0], $0xffff  }
0x151: {  	v0 =	vadd.f32 v1, v0;
	v1 =	vmul.f32 v12, v18;
	v4 =	vmul.f32 v62, v10;
	_ =	sdelay $0x1  }
0x152: {  	v0 =	vadd.f32 v1, v0;
	v1 =	vmul.f32 v14, v4;
	v4 =	vmul.f32 v6, v8;
	_ =	sdelay $0x1  }
0x153: {  	v0 =	vadd.f32 v1, v0;
	v1 =	vmul.f32 v2, v4;
	_ =	sdelay $0x1  }
0x154: {  	v0 =	vadd.f32 v1, v0;
	_ =	sdelay $0x1  }
0x155: {  	v0 =	vmul.f32 $2.500000000e-01, v0;
	_ =	sdelay $0x1  }
0x156: {  	v0 =	vmax.f32 v0, $-5.000000000e+00  }
0x157: {  	v0 =	vmin.f32 v0, $5.000000000e+00  }
0x158: {  	v0 =	vmul.f32 $1.442695020e+00, v0;
	_ =	sdelay $0x1  }
0x159: {  	(erf) = vpow2.f32 v0;
	_ =	sdelay $0x2  }
0x15a: {  	v0 =	vmul.u32 $0x90, v44;
	_ =	sdelay $0x1  }
0x15b: {  	v1 =	vadd.s32 v0, v51;
	_ =	sdelay $0x2  }
0x15c: {  	v2 =	vadd.s32 v46, v0;
	v4 =	vadd.s32 v47, v0  }
0x15d: {  	v6 =	vadd.s32 v50, v0;
	v8 =	vadd.s32 v30, v0;
	v10 =	vadd.s32 v52, v0;
	v30 =	vpop (erf)  }
0x15e: {  	v12 =	vadd.s32 v53, v0;
	v14 =	vadd.s32 v45, v0;
	[tilespmem:v1+s24+$0x0] =	vst.idx.msk $0xffff, v30;
	v1 =	vld [tilespmem:$0x1FF70]  }
0x15f: {  	v18 =	vadd.s32 v48, v0;
	v59 =	vadd.s32 v43, v0;
	v49 =	vadd.s32 v49, v0  }
0x160: {  	v60 =	vadd.s32 v55, v0;
	v61 =	vadd.s32 v16, v0;
	v62 =	vadd.s32 v63, v0  }
0x161: {  	v63 =	vadd.s32 v54, v0;
	v44 =	vadd.s32 v56, v0;
	v43 =	vadd.s32 v58, v0;
	v0 =	vld.idx.msk [tilespmem:v42+s30+$0x0], $0xffff;
	_ =	sdelay $0x1  }
0x162: {  	v1 =	vor.u32 v1, v2;
	_ =	sdelay $0x2  }
0x163: {  	v0 =	vmul.f32 v30, v0;
	_ =	sdelay $0x1  }
0x164: {  	[tilespmem:v1+s24+$0x0] =	vst.idx.msk $0xffff, v0  }
0x165: {  	v0 =	vld.idx.msk [tilespmem:v40+s30+$0x0], $0xffff;
	_ =	sdelay $0x1  }
0x166: {  	v1 =	vor.u32 v7, v4;
	_ =	sdelay $0x2  }
0x167: {  	v0 =	vmul.f32 v30, v0;
	_ =	sdelay $0x1  }
0x168: {  	[tilespmem:v1+s24+$0x0] =	vst.idx.msk $0xffff, v0  }
0x169: {  	v0 =	vld.idx.msk [tilespmem:v41+s30+$0x0], $0xffff;
	_ =	sdelay $0x1  }
0x16a: {  	v1 =	vor.u32 v9, v6;
	_ =	sdelay $0x2  }
0x16b: {  	v40 =	vld [tilespmem:$0x1FF50];
	v0 =	vmul.f32 v30, v0;
	_ =	sdelay $0x1  }
0x16c: {  	[tilespmem:v1+s24+$0x0] =	vst.idx.msk $0xffff, v0  }
0x16d: {  	v0 =	vld.idx.msk [tilespmem:v39+s30+$0x0], $0xffff;
	_ =	sdelay $0x1  }
0x16e: {  	v1 =	vor.u32 v40, v8;
	_ =	sdelay $0x2  }
0x16f: {  	v0 =	vmul.f32 v0, v30;
	_ =	sdelay $0x1  }
0x170: {  	[tilespmem:v1+s24+$0x0] =	vst.idx.msk $0xffff, v0  }
0x171: {  	v0 =	vld.idx.msk [tilespmem:v38+s30+$0x0], $0xffff  }
0x172: {  	v2 =	vmov v11;
	v11 =	vmov v13  }
0x173: {  	v1 =	vor.u32 v11, v10;
	_ =	sdelay $0x2  }
0x174: {  	v0 =	vmul.f32 v0, v30;
	_ =	sdelay $0x1  }
0x175: {  	[tilespmem:v1+s24+$0x0] =	vst.idx.msk $0xffff, v0  }
0x176: {  	v0 =	vld.idx.msk [tilespmem:v37+s30+$0x0], $0xffff  }
0x177: {  	v13 =	vmov v15  }
0x178: {  	v1 =	vor.u32 v13, v12;
	_ =	sdelay $0x2  }
0x179: {  	v0 =	vmul.f32 v0, v30;
	_ =	sdelay $0x1  }
0x17a: {  	[tilespmem:v1+s24+$0x0] =	vst.idx.msk $0xffff, v0  }
0x17b: {  	v0 =	vld.idx.msk [tilespmem:v33+s30+$0x0], $0xffff  }
0x17c: {  	v15 =	vmov v17  }
0x17d: {  	v1 =	vor.u32 v15, v14;
	_ =	sdelay $0x2  }
0x17e: {  	v0 =	vmul.f32 v0, v30;
	_ =	sdelay $0x1  }
0x17f: {  	[tilespmem:v1+s24+$0x0] =	vst.idx.msk $0xffff, v0  }
0x180: {  	v0 =	vld.idx.msk [tilespmem:v32+s30+$0x0], $0xffff  }
0x181: {  	v17 =	vmov v3  }
0x182: {  	v1 =	vor.u32 v17, v18;
	_ =	sdelay $0x2  }
0x183: {  	v12 =	vld [tilespmem:$0x1FF70];
	v0 =	vmul.f32 v0, v30;
	_ =	sdelay $0x1  }
0x184: {  	[tilespmem:v1+s24+$0x0] =	vst.idx.msk $0xffff, v0  }
0x185: {  	v0 =	vld.idx.msk [tilespmem:v29+s30+$0x0], $0xffff;
	_ =	sdelay $0x1  }
0x186: {  	v1 =	vor.u32 v12, v59;
	_ =	sdelay $0x2  }
0x187: {  	v0 =	vmul.f32 v0, v30;
	_ =	sdelay $0x1  }
0x188: {  	[tilespmem:v1+s24+$0x0] =	vst.idx.msk $0xffff, v0  }
0x189: {  	v0 =	vld.idx.msk [tilespmem:v28+s30+$0x0], $0xffff;
	_ =	sdelay $0x1  }
0x18a: {  	v1 =	vor.u32 v7, v49;
	_ =	sdelay $0x2  }
0x18b: {  	v0 =	vmul.f32 v0, v30;
	_ =	sdelay $0x1  }
0x18c: {  	[tilespmem:v1+s24+$0x0] =	vst.idx.msk $0xffff, v0  }
0x18d: {  	v0 =	vld.idx.msk [tilespmem:v34+s30+$0x0], $0xffff;
	_ =	sdelay $0x1  }
0x18e: {  	v1 =	vor.u32 v9, v60;
	_ =	sdelay $0x2  }
0x18f: {  	v0 =	vmul.f32 v0, v30;
	_ =	sdelay $0x1  }
0x190: {  	[tilespmem:v1+s24+$0x0] =	vst.idx.msk $0xffff, v0  }
0x191: {  	v0 =	vld.idx.msk [tilespmem:v36+s30+$0x0], $0xffff;
	_ =	sdelay $0x1  }
0x192: {  	v1 =	vor.u32 v40, v61;
	_ =	sdelay $0x2  }
0x193: {  	v0 =	vmul.f32 v0, v30;
	_ =	sdelay $0x1  }
0x194: {  	[tilespmem:v1+s24+$0x0] =	vst.idx.msk $0xffff, v0  }
0x195: {  	v0 =	vld.idx.msk [tilespmem:v35+s30+$0x0], $0xffff;
	_ =	sdelay $0x1  }
0x196: {  	v1 =	vor.u32 v11, v62  }
0x197: {  	p2 =	sne.s32 s11, $0xF  }
.Ltmp5:
0x198: {  	_ = 	snop;
	(pc) =	sbr.rel @p2 .LBB2_7-.Ltmp5, $4  }
0x199: {  	v0 =	vmul.f32 v0, v30  }
0x19a: {  	v16 =	vmov v20;
	v20 =	vmov v21  }
0x19b: {  	v21 =	vmovc v22;
	v22 =	vmovc v23;
	v23 =	vmov v24;
	v24 =	vmov v25;
	v25 =	vmov v19;
	v19 =	vld [tilespmem:$0x1FF60];
	[tilespmem:v1+s24+$0x0] =	vst.idx.msk $0xffff, v0  }
0x19c: {  	s11 =	sadd.s32 $0x1, s11;
	v3 =	vmovc v5;
	v14 =	vmov v7;
	v18 =	vmov v9;
	v29 =	vor.u32 v13, v63;
	v28 =	vld.idx.msk [tilespmem:v31+s30+$0x0], $0xffff  }
0x19d: {  	_ =	sdelay $0x3  }
0x19e: {  	v0 =	vmul.f32 v28, v30;
	_ =	sdelay $0x1  }
0x19f: {  	[tilespmem:v29+s24+$0x0] =	vst.idx.msk $0xffff, v0  }
0x1a0: {  	v0 =	vld.idx.msk [tilespmem:v27+s30+$0x0], $0xffff;
	_ =	sdelay $0x1  }
0x1a1: {  	v1 =	vor.u32 v15, v44;
	_ =	sdelay $0x2  }
0x1a2: {  	v0 =	vmul.f32 v0, v30;
	_ =	sdelay $0x1  }
0x1a3: {  	[tilespmem:v1+s24+$0x0] =	vst.idx.msk $0xffff, v0  }
0x1a4: {  	v0 =	vld.idx.msk [tilespmem:v26+s30+$0x0], $0xffff;
	_ =	sdelay $0x1  }
0x1a5: {  	p2 =	seq.s32 s21, $0x9C;
	v1 =	vor.u32 v17, v43  }
.Ltmp6:
0x1a6: {  	_ = 	snop;
	(pc) =	sbr.rel @p2 .LBB2_9-.Ltmp6, $3  }
0x1a7: {  	_ = 	snop  }
0x1a8: {  	v0 =	vmul.f32 v0, v30;
	_ =	sdelay $0x1  }
0x1a9: {  	v5 =	vld [tilespmem:$0x1FFE0];
	[tilespmem:v1+s24+$0x0] =	vst.idx.msk $0xffff, v0  }
0x1aa: {  	v0 =	vld [tilespmem:$0x20]  }
0x1ab: {  	v1 =	vld [tilespmem:$0x30];
	_ =	sdelay $0x3  }
0x1ac: {  	[tilespmem:$0x9280] =	vst v0  }
0x1ad: {  	s10 =	rddreg [dreg:$0x2];
	s11 =	simm.s32 $0x9280;
	[tilespmem:$0x9290] =	vst v1  }
0x1ae: {  	[spmem:s10] =	stream.indirect.scatter.add.f32 [tilespmem:s24], [sflag:$0xB], $0x90, s11, s26, $0xb8;
	[tilespmem:$0x1F230] =	vst v63  }
0x1af: {  	s11 =	sshll.u32 s21, $0x6  }
0x1b0: {  	p2 =	slt.u32 s1, $0x139;
	s23 =	sadd.s32 s11, s17  }
.Ltmp7:
0x1b1: {  	s10 =	sshrl.u32 s23, $0x3;
	(pc) =	sbr.rel @!p2 .LBB2_16-.Ltmp7, $4  }
0x1b2: {  	s10 =	sadd.s32 s8, s10  }
0x1b3: {  	[tilespmem:s3], [sflag:$0x9] =	stream.linear.gather [hbm4b:s10+s3], $0x20, $0x38;
	[tilespmem:$0x1F230] =	vst v63  }
0x1b4: {  	s10 =	sadd.s32 $0x9C48, s10  }
0x1b5: {  	v10 =	vmov v5;
	[tilespmem:s26], [sflag:$0x9] =	stream.linear.gather [hbm4b:s10+s3], $0x20, $0x38;
	[tilespmem:$0x1F230] =	vst v63  }
0x1b6: {  	_ =	swait.ge [sflag:s20], $0x20  }
0x1b7: {  	[sflag:s20] =	ssyncset.done $0x0  }
0x1b8: {  	[sflag:s20] =	ssyncadd.s32 $0xFFFFFFE0  }
0x1b9: {  	_ =	swait.ge [sflag:s20], $0x20  }
0x1ba: {  	[sflag:s20] =	ssyncset.done $0x0  }
0x1bb: {  	s15 =	rddreg [dreg:$0xb];
	[sflag:s20] =	ssyncadd.s32 $0xFFFFFFE0  }
0x1bc: {  	s10 =	sshll.u32 s21, $0xD;
	s1 =	rddreg [dreg:$0x0]  }
0x1bd: {  	[tilespmem:s28], [sflag:$0x1] =	stream.indirect.gather [hbm4b:s1+s26], $0x80, s26, s26, $0xb8;
	[tilespmem:$0x1F230] =	vst v63  }
0x1be: {  	s10 =	sadd.s32 s10, s15;
	s1 =	simm.s32 $0x0  }
0x1bf: {  	[tilespmem:s29], [sflag:$0x2] =	stream.indirect.gather [hbm4b:s5+s26], $0x80, s1, s26, $0xb8;
	[tilespmem:$0x1F230] =	vst v63  }
0x1c0: {  	s10 =	sshrl.u32 s10, $0x3  }
0x1c1: {  	[tilespmem:s30], [sflag:$0x3] =	stream.indirect.gather [hbm4b:s6+s26], $0x80, s1, s26, $0xb8;
	[tilespmem:$0x1F230] =	vst v63  }
0x1c2: {  	s15 =	simm.s32 $0x5;
	s10 =	sadd.s32 s7, s10  }
0x1c3: {  	[tilespmem:s31], [sflag:$0x4] =	stream.linear.gather [hbm4b:s10+s1], $0x1000, $0x38;
	[tilespmem:$0x1F230] =	vst v63  }
0x1c4: {  	_ =	swait.ge [sflag:s15], $0x1000  }
0x1c5: {  	[sflag:s15] =	ssyncset.done $0x0  }
0x1c6: {  	s16 =	simm.s32 $0x6;
	[sflag:s15] =	ssyncadd.s32 $0xFFFFF000  }
0x1c7: {  	_ =	swait.ge [sflag:s16], $0x1000  }
0x1c8: {  	[sflag:s16] =	ssyncset.done $0x0  }
0x1c9: {  	[sflag:s16] =	ssyncadd.s32 $0xFFFFF000;
	s16 =	simm.s32 $0x7  }
0x1ca: {  	v0 =	vlaneseq.u32;
	s23 =	sand.u32 $0x10, s1;
	_ =	swait.ge [sflag:s16], $0x1000  }
0x1cb: {  	v30 =	vor.u32 s23, v0;
	s10 =	sand.u32 $0x7, s1;
	[sflag:s16] =	ssyncset.done $0x0  }
0x1cc: {  	v0 =	vshll.u32 v30, $0x7;
	s23 =	sshll.u32 s10, $0x4;
	[sflag:s16] =	ssyncadd.s32 $0xFFFFF000;
	s16 =	simm.s32 $0x8  }
0x1cd: {  	v1 =	vor.u32 v12, v0;
	v29 =	vor.u32 s23, v2;
	_ =	swait.ge [sflag:s16], $0x1000  }
0x1ce: {  	v2 =	vor.u32 v14, v0;
	v4 =	vor.u32 s23, v3;
	v32 =	vor.u32 v29, v1;
	[sflag:s16] =	ssyncset.done $0x0  }
0x1cf: {  	v39 =	vor.u32 s23, v20;
	v31 =	vor.u32 v4, v2;
	[tilespmem:$0x1FEB0] =	vst v4;
	[sflag:s16] =	ssyncadd.s32 $0xFFFFF000;
	s16 =	simm.s32 $0xB  }
0x1d0: {  	v41 =	vor.u32 v39, v2;
	_ =	swait.ge [sflag:s16], $0x1200  }
0x1d1: {  	v6 =	vor.u32 v17, v0;
	v34 =	vor.u32 s23, v19;
	[sflag:s16] =	ssyncset.done $0x0  }
0x1d2: {  	v35 =	vor.u32 v34, v6;
	[sflag:s16] =	ssyncadd.s32 $0xFFFFEE00  }
0x1d3: {  	v8 =	vld.idx.msk [tilespmem:v32+s9+$0x0], $0xffff  }
0x1d4: {  	v14 =	vld.idx.msk [tilespmem:v31+s9+$0x0], $0xffff  }
0x1d5: {  	v5 =	vmov v10;
	v46 =	vor.u32 s23, v16;
	v10 =	vld.idx.msk [tilespmem:v41+s18+$0x0], $0xffff  }
0x1d6: {  	v2 =	vor.u32 v46, v1;
	v28 =	vld.idx.msk [tilespmem:v31+s18+$0x0], $0xffff  }
0x1d7: {  	v16 =	vld.idx.msk [tilespmem:v35+s18+$0x0], $0xffff  }
0x1d8: {  	v27 =	vld.idx.msk [tilespmem:v35+s9+$0x0], $0xffff  }
0x1d9: {  	v51 =	vld.idx.msk [tilespmem:v35+s22+$0x0], $0xffff  }
0x1da: {  	v38 =	vor.u32 v9, v0;
	v44 =	vor.u32 s23, v21;
	v52 =	vld.idx.msk [tilespmem:v31+s22+$0x0], $0xffff  }
0x1db: {  	v49 =	vor.u32 v44, v38;
	v37 =	vld.idx.msk [tilespmem:v2+s9+$0x0], $0xffff  }
0x1dc: {  	v53 =	vor.u32 v40, v0;
	v45 =	vor.u32 s23, v22;
	v42 =	vld.idx.msk [tilespmem:v2+s18+$0x0], $0xffff  }
0x1dd: {  	v50 =	vor.u32 v45, v53;
	v40 =	vld.idx.msk [tilespmem:v2+s22+$0x0], $0xffff  }
0x1de: {  	v33 =	vor.u32 s23, v25;
	v4 =	vor.u32 v15, v0;
	v43 =	vld.idx.msk [tilespmem:v41+s22+$0x0], $0xffff  }
0x1df: {  	v36 =	vor.u32 v33, v4;
	v54 =	vld.idx.msk [tilespmem:v41+s9+$0x0], $0xffff  }
0x1e0: {  	v56 =	vld.idx.msk [tilespmem:v49+s18+$0x0], $0xffff  }
0x1e1: {  	v58 =	vld.idx.msk [tilespmem:v49+s22+$0x0], $0xffff  }
0x1e2: {  	v59 =	vld.idx.msk [tilespmem:v50+s18+$0x0], $0xffff  }
0x1e3: {  	v55 =	vor.u32 v11, v0;
	v47 =	vor.u32 s23, v23;
	v60 =	vld.idx.msk [tilespmem:v49+s9+$0x0], $0xffff  }
0x1e4: {  	v57 =	vor.u32 v47, v55;
	v18 =	vld.idx.msk [tilespmem:v36+s9+$0x0], $0xffff  }
0x1e5: {  	v26 =	vld.idx.msk [tilespmem:v36+s22+$0x0], $0xffff  }
0x1e6: {  	v37 =	vmul.f32 v40, v37;
	v40 =	vor.u32 s23, v5;
	v5 =	vld [tilespmem:$0x1FFA0]  }
0x1e7: {  	v62 =	vld.idx.msk [tilespmem:v50+s22+$0x0], $0xffff  }
0x1e8: {  	v63 =	vld.idx.msk [tilespmem:v50+s9+$0x0], $0xffff  }
0x1e9: {  	v48 =	vor.u32 s23, v24;
	v0 =	vor.u32 v13, v0;
	v1 =	vld.idx.msk [tilespmem:v57+s18+$0x0], $0xffff  }
0x1ea: {  	v61 =	vor.u32 v48, v0;
	v12 =	vld.idx.msk [tilespmem:v36+s18+$0x0], $0xffff;
	v43 =	vmul.f32 v43, v54;
	v37 =	vmul.f32 v42, v37  }
0x1eb: {  	v18 =	vmul.f32 v26, v18;
	v26 =	vmul.f32 v51, v27;
	v54 =	vor.u32 s23, v5;
	v5 =	vld [tilespmem:$0x1FF90]  }
0x1ec: {  	v51 =	vld.idx.msk [tilespmem:v32+s18+$0x0], $0xffff;
	v10 =	vmul.f32 v10, v43;
	v43 =	vmul.f32 v58, v60;
	v37 =	vadd.f32 $0.0e+00, v37  }
0x1ed: {  	v42 =	vor.u32 v40, v38;
	v38 =	vld.idx.msk [tilespmem:v57+s9+$0x0], $0xffff  }
0x1ee: {  	v58 =	vld.idx.msk [tilespmem:v57+s22+$0x0], $0xffff;
	v10 =	vadd.f32 v10, v37;
	v37 =	vmul.f32 v56, v43;
	v43 =	vmul.f32 v62, v63  }
0x1ef: {  	v60 =	vld.idx.msk [tilespmem:v61+s9+$0x0], $0xffff  }
0x1f0: {  	v10 =	vadd.f32 v37, v10;
	v37 =	vmul.f32 v59, v43;
	v43 =	vor.u32 s23, v5;
	v5 =	vld [tilespmem:$0x1FF80]  }
0x1f1: {  	v56 =	vld.idx.msk [tilespmem:v61+s22+$0x0], $0xffff  }
0x1f2: {  	v0 =	vor.u32 v54, v0;
	v62 =	vld.idx.msk [tilespmem:v61+s18+$0x0], $0xffff  }
0x1f3: {  	v63 =	vld.idx.msk [tilespmem:v42+s18+$0x0], $0xffff  }
0x1f4: {  	v38 =	vmul.f32 v58, v38;
	v58 =	vld.idx.msk [tilespmem:v42+s22+$0x0], $0xffff  }
0x1f5: {  	v10 =	vadd.f32 v37, v10;
	v37 =	vor.u32 s23, v5;
	v5 =	vld [tilespmem:$0x1FFB0]  }
0x1f6: {  	v59 =	vld.idx.msk [tilespmem:v42+s9+$0x0], $0xffff  }
0x1f7: {  	v1 =	vmul.f32 v1, v38;
	v38 =	vld.idx.msk [tilespmem:v0+s9+$0x0], $0xffff;
	v55 =	vor.u32 v43, v55;
	v56 =	vmul.f32 v56, v60  }
0x1f8: {  	v60 =	vld.idx.msk [tilespmem:v32+s22+$0x0], $0xffff;
	v53 =	vor.u32 v37, v53  }
0x1f9: {  	v12 =	vmul.f32 v12, v18;
	v18 =	vld.idx.msk [tilespmem:v0+s18+$0x0], $0xffff;
	v1 =	vadd.f32 v1, v10;
	v10 =	vmul.f32 v62, v56  }
0x1fa: {  	v62 =	vor.u32 s23, v5;
	v5 =	vld [tilespmem:$0x1FFC0]  }
0x1fb: {  	v56 =	vld.idx.msk [tilespmem:v0+s22+$0x0], $0xffff;
	v1 =	vadd.f32 v10, v1  }
0x1fc: {  	v10 =	vmul.f32 v16, v26;
	v16 =	vld.idx.msk [tilespmem:v55+s22+$0x0], $0xffff  }
0x1fd: {  	v8 =	vmul.f32 v60, v8;
	v1 =	vadd.f32 v12, v1;
	v12 =	vld.idx.msk [tilespmem:v53+s22+$0x0], $0xffff;
	v27 =	vor.u32 v62, v4  }
0x1fe: {  	v4 =	vmul.f32 v52, v14;
	v14 =	vld.idx.msk [tilespmem:v53+s9+$0x0], $0xffff  }
0x1ff: {  	v8 =	vmul.f32 v51, v8;
	v1 =	vadd.f32 v10, v1;
	v52 =	vld.idx.msk [tilespmem:v55+s9+$0x0], $0xffff;
	v10 =	vor.u32 s23, v5  }
0x200: {  	v60 =	vld.idx.msk [tilespmem:v53+s18+$0x0], $0xffff;
	v26 =	vor.u32 v10, v6  }
0x201: {  	v1 =	vadd.f32 v8, v1;
	v8 =	vld.idx.msk [tilespmem:v55+s18+$0x0], $0xffff;
	v4 =	vmul.f32 v28, v4;
	v6 =	vmul.f32 v58, v59  }
0x202: {  	v28 =	vld.idx.msk [tilespmem:v27+s22+$0x0], $0xffff  }
0x203: {  	v1 =	vadd.f32 v4, v1;
	v4 =	vmul.f32 v12, v14;
	v12 =	vld.idx.msk [tilespmem:v27+s9+$0x0], $0xffff;
	v6 =	vmul.f32 v63, v6  }
0x204: {  	v14 =	vld.idx.msk [tilespmem:v27+s18+$0x0], $0xffff  }
0x205: {  	v16 =	vmul.f32 v16, v52;
	v4 =	vmul.f32 v60, v4;
	v1 =	vadd.f32 v6, v1;
	v6 =	vld.idx.msk [tilespmem:v26+s22+$0x0], $0xffff  }
0x206: {  	v63 =	vld.idx.msk [tilespmem:v26+s9+$0x0], $0xffff  }
0x207: {  	v38 =	vmul.f32 v56, v38;
	v1 =	vadd.f32 v4, v1;
	v4 =	vmul.f32 v8, v16  }
0x208: {  	v8 =	vld.idx.msk [tilespmem:v26+s18+$0x0], $0xffff  }
0x209: {  	v12 =	vmul.f32 v28, v12;
	v1 =	vadd.f32 v4, v1;
	v4 =	vmul.f32 v18, v38;
	_ =	sdelay $0x1  }
0x20a: {  	v1 =	vadd.f32 v4, v1;
	v4 =	vmul.f32 v14, v12;
	v6 =	vmul.f32 v6, v63;
	_ =	sdelay $0x1  }
0x20b: {  	v1 =	vadd.f32 v4, v1;
	v4 =	vmul.f32 v8, v6;
	_ =	sdelay $0x1  }
0x20c: {  	v1 =	vadd.f32 v4, v1;
	_ =	sdelay $0x1  }
0x20d: {  	v1 =	vmul.f32 $2.500000000e-01, v1;
	_ =	sdelay $0x1  }
0x20e: {  	v1 =	vmax.f32 v1, $-5.000000000e+00  }
0x20f: {  	v1 =	vmin.f32 v1, $5.000000000e+00  }
0x210: {  	v1 =	vmul.f32 $1.442695020e+00, v1;
	_ =	sdelay $0x1  }
0x211: {  	(erf) = vpow2.f32 v1  }
0x212: {  	v1 =	vmov s10  }
0x213: {  	v1 =	vor.u32 $0x80, v1  }
0x214: {  	v4 =	vmul.u32 $0x90, v30;
	v1 =	vbroadcast v1, $0x0;
	_ =	sdelay $0x1  }
0x215: {  	v1 =	vadd.s32 v4, v1;
	_ =	sdelay $0x2  }
0x216: {  	v12 =	vld [tilespmem:$0x1FF70]  }
0x217: {  	v30 =	vpop (erf)  }
0x218: {  	[tilespmem:v1+s24+$0x0] =	vst.idx.msk $0xffff, v30  }
0x219: {  	v1 =	vld.idx.msk [tilespmem:v2+s19+$0x0], $0xffff  }
0x21a: {  	v2 =	vadd.s32 v46, v4  }
0x21b: {  	v2 =	vor.u32 v12, v2;
	_ =	sdelay $0x2  }
0x21c: {  	v1 =	vmul.f32 v30, v1;
	_ =	sdelay $0x1  }
0x21d: {  	[tilespmem:v2+s24+$0x0] =	vst.idx.msk $0xffff, v1  }
0x21e: {  	v1 =	vld.idx.msk [tilespmem:v41+s19+$0x0], $0xffff  }
0x21f: {  	v2 =	vadd.s32 v39, v4  }
0x220: {  	v2 =	vor.u32 v7, v2;
	_ =	sdelay $0x2  }
0x221: {  	v1 =	vmul.f32 v30, v1;
	_ =	sdelay $0x1  }
0x222: {  	[tilespmem:v2+s24+$0x0] =	vst.idx.msk $0xffff, v1  }
0x223: {  	v1 =	vld.idx.msk [tilespmem:v49+s19+$0x0], $0xffff  }
0x224: {  	v2 =	vadd.s32 v44, v4  }
0x225: {  	v2 =	vor.u32 v9, v2;
	_ =	sdelay $0x2  }
0x226: {  	v6 =	vld [tilespmem:$0x1FF50];
	v1 =	vmul.f32 v30, v1;
	_ =	sdelay $0x1  }
0x227: {  	[tilespmem:v2+s24+$0x0] =	vst.idx.msk $0xffff, v1  }
0x228: {  	v1 =	vld.idx.msk [tilespmem:v50+s19+$0x0], $0xffff  }
0x229: {  	v2 =	vadd.s32 v45, v4  }
0x22a: {  	v2 =	vor.u32 v6, v2;
	_ =	sdelay $0x2  }
0x22b: {  	v1 =	vmul.f32 v1, v30;
	_ =	sdelay $0x1  }
0x22c: {  	[tilespmem:v2+s24+$0x0] =	vst.idx.msk $0xffff, v1  }
0x22d: {  	v1 =	vld.idx.msk [tilespmem:v57+s19+$0x0], $0xffff  }
0x22e: {  	v2 =	vadd.s32 v47, v4  }
0x22f: {  	v2 =	vor.u32 v11, v2;
	_ =	sdelay $0x2  }
0x230: {  	v1 =	vmul.f32 v1, v30;
	_ =	sdelay $0x1  }
0x231: {  	[tilespmem:v2+s24+$0x0] =	vst.idx.msk $0xffff, v1  }
0x232: {  	v1 =	vld.idx.msk [tilespmem:v61+s19+$0x0], $0xffff  }
0x233: {  	v2 =	vadd.s32 v48, v4  }
0x234: {  	v2 =	vor.u32 v13, v2;
	_ =	sdelay $0x2  }
0x235: {  	v1 =	vmul.f32 v1, v30;
	_ =	sdelay $0x1  }
0x236: {  	[tilespmem:v2+s24+$0x0] =	vst.idx.msk $0xffff, v1  }
0x237: {  	v1 =	vld.idx.msk [tilespmem:v36+s19+$0x0], $0xffff  }
0x238: {  	v2 =	vadd.s32 v33, v4  }
0x239: {  	v2 =	vor.u32 v15, v2;
	_ =	sdelay $0x2  }
0x23a: {  	v1 =	vmul.f32 v1, v30;
	_ =	sdelay $0x1  }
0x23b: {  	[tilespmem:v2+s24+$0x0] =	vst.idx.msk $0xffff, v1  }
0x23c: {  	v1 =	vld.idx.msk [tilespmem:v35+s19+$0x0], $0xffff  }
0x23d: {  	v2 =	vadd.s32 v34, v4  }
0x23e: {  	v2 =	vor.u32 v17, v2;
	_ =	sdelay $0x2  }
0x23f: {  	v1 =	vmul.f32 v1, v30;
	_ =	sdelay $0x1  }
0x240: {  	[tilespmem:v2+s24+$0x0] =	vst.idx.msk $0xffff, v1  }
0x241: {  	v1 =	vld.idx.msk [tilespmem:v32+s19+$0x0], $0xffff  }
0x242: {  	v2 =	vadd.s32 v29, v4  }
0x243: {  	v2 =	vor.u32 v12, v2;
	_ =	sdelay $0x2  }
0x244: {  	v1 =	vmul.f32 v1, v30;
	_ =	sdelay $0x1  }
0x245: {  	[tilespmem:v2+s24+$0x0] =	vst.idx.msk $0xffff, v1;
	v2 =	vld [tilespmem:$0x1FEB0];
	_ =	sdelay $0x3  }
0x246: {  	v1 =	vld.idx.msk [tilespmem:v31+s19+$0x0], $0xffff  }
0x247: {  	v2 =	vadd.s32 v2, v4  }
0x248: {  	v2 =	vor.u32 v7, v2;
	_ =	sdelay $0x2  }
0x249: {  	v1 =	vmul.f32 v1, v30;
	_ =	sdelay $0x1  }
0x24a: {  	[tilespmem:v2+s24+$0x0] =	vst.idx.msk $0xffff, v1  }
0x24b: {  	v1 =	vld.idx.msk [tilespmem:v42+s19+$0x0], $0xffff  }
0x24c: {  	v2 =	vadd.s32 v40, v4  }
0x24d: {  	v2 =	vor.u32 v9, v2;
	_ =	sdelay $0x2  }
0x24e: {  	v40 =	vld [tilespmem:$0x1FF50];
	v1 =	vmul.f32 v1, v30;
	_ =	sdelay $0x1  }
0x24f: {  	[tilespmem:v2+s24+$0x0] =	vst.idx.msk $0xffff, v1  }
0x250: {  	v1 =	vld.idx.msk [tilespmem:v53+s19+$0x0], $0xffff  }
0x251: {  	v2 =	vadd.s32 v37, v4  }
0x252: {  	v2 =	vor.u32 v40, v2;
	_ =	sdelay $0x2  }
0x253: {  	v1 =	vmul.f32 v1, v30;
	_ =	sdelay $0x1  }
0x254: {  	[tilespmem:v2+s24+$0x0] =	vst.idx.msk $0xffff, v1  }
0x255: {  	v1 =	vld.idx.msk [tilespmem:v55+s19+$0x0], $0xffff  }
0x256: {  	v2 =	vadd.s32 v43, v4  }
0x257: {  	v2 =	vor.u32 v11, v2;
	_ =	sdelay $0x2  }
0x258: {  	v1 =	vmul.f32 v1, v30;
	_ =	sdelay $0x1  }
0x259: {  	v18 =	vmov v9;
	v14 =	vmov v7;
	[tilespmem:v2+s24+$0x0] =	vst.idx.msk $0xffff, v1;
	v1 =	vadd.s32 v54, v4  }
0x25a: {  	s10 =	simm.s32 $0x1;
	v44 =	vadd.s32 v62, v4;
	v43 =	vadd.s32 v10, v4;
	v28 =	vld.idx.msk [tilespmem:v0+s19+$0x0], $0xffff;
	v29 =	vor.u32 v13, v1  }
.LBB2_14:
0x25b: {  	_ =	sdelay $0x3  }
0x25c: {  	v0 =	vmul.f32 v28, v30;
	_ =	sdelay $0x1  }
0x25d: {  	[tilespmem:v29+s24+$0x0] =	vst.idx.msk $0xffff, v0  }
0x25e: {  	v0 =	vld.idx.msk [tilespmem:v27+s19+$0x0], $0xffff  }
0x25f: {  	s1 =	sadd.s32 $0x2, s1  }
0x260: {  	v1 =	vor.u32 v15, v44;
	v2 =	vlaneseq.u32;
	s16 =	sand.u32 $0x10, s1  }
0x261: {  	v44 =	vor.u32 s16, v2  }
0x262: {  	v2 =	vshll.u32 v44, $0x7  }
0x263: {  	v8 =	vor.u32 v12, v2;
	v12 =	vld [tilespmem:$0x1FFD0];
	v0 =	vmul.f32 v0, v30;
	_ =	sdelay $0x1  }
0x264: {  	s15 =	smov.u32 s10;
	[tilespmem:v1+s24+$0x0] =	vst.idx.msk $0xffff, v0  }
0x265: {  	s15 =	sand.u32 $0x7, s15;
	v1 =	vld.idx.msk [tilespmem:v26+s19+$0x0], $0xffff  }
0x266: {  	s23 =	sshll.u32 s15, $0x4  }
0x267: {  	v6 =	vor.u32 v17, v43;
	v48 =	vor.u32 s23, v19;
	v19 =	vld [tilespmem:$0x1FFE0];
	v43 =	vor.u32 s23, v12  }
0x268: {  	v49 =	vor.u32 s23, v3;
	v10 =	vor.u32 v14, v2;
	v29 =	vor.u32 v43, v8  }
0x269: {  	v45 =	vor.u32 s23, v25;
	v28 =	vor.u32 v49, v10;
	v27 =	vor.u32 v15, v2  }
0x26a: {  	v33 =	vor.u32 v45, v27;
	v0 =	vld [tilespmem:$0x1FFF0];
	v1 =	vmul.f32 v1, v30  }
0x26b: {  	v26 =	vor.u32 v17, v2  }
0x26c: {  	v55 =	vor.u32 s23, v19;
	v19 =	vld [tilespmem:$0x1FFA0];
	v32 =	vor.u32 v48, v26;
	[tilespmem:v6+s24+$0x0] =	vst.idx.msk $0xffff, v1  }
0x26d: {  	v1 =	vld.idx.msk [tilespmem:v29+s9+$0x0], $0xffff  }
0x26e: {  	v4 =	vmov s15;
	v47 =	vor.u32 s23, v20;
	v6 =	vld.idx.msk [tilespmem:v28+s9+$0x0], $0xffff  }
0x26f: {  	v46 =	vor.u32 s23, v0;
	v0 =	vor.u32 v40, v2;
	v40 =	vor.u32 v47, v10;
	v10 =	vld.idx.msk [tilespmem:v33+s18+$0x0], $0xffff  }
0x270: {  	v4 =	vor.u32 $0x80, v4;
	v14 =	vld.idx.msk [tilespmem:v28+s18+$0x0], $0xffff  }
0x271: {  	v50 =	vor.u32 s23, v21;
	v51 =	vbroadcast v4, $0x0;
	v4 =	vor.u32 v18, v2;
	v16 =	vld.idx.msk [tilespmem:v32+s18+$0x0], $0xffff  }
0x272: {  	v41 =	vor.u32 v50, v4;
	v18 =	vld.idx.msk [tilespmem:v33+s9+$0x0], $0xffff  }
0x273: {  	v42 =	vor.u32 v46, v8;
	v31 =	vld.idx.msk [tilespmem:v33+s22+$0x0], $0xffff  }
0x274: {  	v35 =	vld.idx.msk [tilespmem:v32+s9+$0x0], $0xffff  }
0x275: {  	v36 =	vld.idx.msk [tilespmem:v32+s22+$0x0], $0xffff  }
0x276: {  	v56 =	vld.idx.msk [tilespmem:v28+s22+$0x0], $0xffff  }
0x277: {  	v59 =	vld.idx.msk [tilespmem:v41+s22+$0x0], $0xffff  }
0x278: {  	v34 =	vld.idx.msk [tilespmem:v42+s9+$0x0], $0xffff  }
0x279: {  	v52 =	vor.u32 s23, v23;
	v12 =	vor.u32 v11, v2;
	v54 =	vld.idx.msk [tilespmem:v42+s22+$0x0], $0xffff  }
0x27a: {  	v38 =	vor.u32 v52, v12;
	v30 =	vor.u32 s23, v22;
	v58 =	vld.idx.msk [tilespmem:v40+s9+$0x0], $0xffff  }
0x27b: {  	v39 =	vor.u32 v30, v0;
	v57 =	vld.idx.msk [tilespmem:v42+s18+$0x0], $0xffff  }
0x27c: {  	v18 =	vmul.f32 v31, v18;
	v31 =	vld.idx.msk [tilespmem:v40+s22+$0x0], $0xffff  }
0x27d: {  	v61 =	vld.idx.msk [tilespmem:v41+s9+$0x0], $0xffff  }
0x27e: {  	v8 =	vld.idx.msk [tilespmem:v40+s18+$0x0], $0xffff;
	v34 =	vmul.f32 v54, v34  }
0x27f: {  	v53 =	vor.u32 s23, v24;
	v2 =	vor.u32 v13, v2;
	v63 =	vld.idx.msk [tilespmem:v38+s18+$0x0], $0xffff  }
0x280: {  	v37 =	vor.u32 v53, v2;
	v60 =	vld.idx.msk [tilespmem:v39+s18+$0x0], $0xffff;
	v57 =	vmul.f32 v57, v34  }
0x281: {  	v54 =	vor.u32 s23, v19;
	v34 =	vor.u32 v55, v4;
	v4 =	vld.idx.msk [tilespmem:v39+s22+$0x0], $0xffff;
	v58 =	vmul.f32 v31, v58  }
0x282: {  	v31 =	vor.u32 v54, v2;
	v2 =	vadd.f32 $0.0e+00, v57;
	v57 =	vld.idx.msk [tilespmem:v39+s9+$0x0], $0xffff  }
0x283: {  	v10 =	vmul.f32 v10, v18;
	v18 =	vld.idx.msk [tilespmem:v41+s18+$0x0], $0xffff;
	v8 =	vmul.f32 v8, v58  }
0x284: {  	v58 =	vld.idx.msk [tilespmem:v38+s9+$0x0], $0xffff  }
0x285: {  	v2 =	vadd.f32 v8, v2;
	v8 =	vmul.f32 v59, v61;
	v59 =	vld.idx.msk [tilespmem:v38+s22+$0x0], $0xffff  }
0x286: {  	v61 =	vld.idx.msk [tilespmem:v37+s9+$0x0], $0xffff  }
0x287: {  	v4 =	vmul.f32 v4, v57;
	v57 =	vld [tilespmem:$0x1FF90]  }
0x288: {  	v8 =	vmul.f32 v18, v8;
	v18 =	vld.idx.msk [tilespmem:v37+s22+$0x0], $0xffff  }
0x289: {  	v62 =	vld.idx.msk [tilespmem:v37+s18+$0x0], $0xffff  }
0x28a: {  	v35 =	vmul.f32 v36, v35;
	v2 =	vadd.f32 v8, v2;
	v4 =	vmul.f32 v60, v4;
	v60 =	vld [tilespmem:$0x1FF80]  }
0x28b: {  	v6 =	vmul.f32 v56, v6;
	v19 =	vld.idx.msk [tilespmem:v34+s18+$0x0], $0xffff;
	v58 =	vmul.f32 v59, v58  }
0x28c: {  	v16 =	vmul.f32 v16, v35;
	v56 =	vld.idx.msk [tilespmem:v34+s22+$0x0], $0xffff;
	v2 =	vadd.f32 v4, v2;
	v57 =	vor.u32 s23, v57  }
0x28d: {  	v8 =	vld.idx.msk [tilespmem:v34+s9+$0x0], $0xffff;
	v4 =	vmul.f32 v63, v58;
	v35 =	vor.u32 v57, v12;
	v12 =	vmul.f32 v18, v61  }
0x28e: {  	v6 =	vmul.f32 v14, v6;
	v14 =	vld.idx.msk [tilespmem:v31+s18+$0x0], $0xffff  }
0x28f: {  	v59 =	vor.u32 s23, v60;
	v2 =	vadd.f32 v4, v2;
	v4 =	vmul.f32 v62, v12;
	v62 =	vld [tilespmem:$0x1FFB0]  }
0x290: {  	v18 =	vld.idx.msk [tilespmem:v29+s22+$0x0], $0xffff;
	v36 =	vor.u32 v59, v0  }
0x291: {  	v60 =	vld.idx.msk [tilespmem:v31+s9+$0x0], $0xffff  }
0x292: {  	v8 =	vmul.f32 v56, v8;
	v12 =	vld.idx.msk [tilespmem:v29+s18+$0x0], $0xffff  }
0x293: {  	v0 =	vld.idx.msk [tilespmem:v31+s22+$0x0], $0xffff;
	v2 =	vadd.f32 v4, v2  }
0x294: {  	v8 =	vmul.f32 v19, v8;
	v4 =	vld.idx.msk [tilespmem:v35+s22+$0x0], $0xffff;
	v56 =	vor.u32 s23, v62  }
0x295: {  	v1 =	vmul.f32 v18, v1;
	v2 =	vadd.f32 v10, v2;
	v19 =	vld.idx.msk [tilespmem:v36+s22+$0x0], $0xffff;
	v27 =	vor.u32 v56, v27  }
0x296: {  	v10 =	vld.idx.msk [tilespmem:v36+s9+$0x0], $0xffff  }
0x297: {  	v18 =	vld.idx.msk [tilespmem:v35+s9+$0x0], $0xffff;
	v1 =	vmul.f32 v12, v1;
	v2 =	vadd.f32 v16, v2;
	v16 =	vor.u32 s23, v5  }
0x298: {  	v12 =	vld.idx.msk [tilespmem:v36+s18+$0x0], $0xffff;
	v26 =	vor.u32 v16, v26  }
0x299: {  	v1 =	vadd.f32 v1, v2;
	v2 =	vld.idx.msk [tilespmem:v35+s18+$0x0], $0xffff  }
0x29a: {  	v63 =	vld.idx.msk [tilespmem:v27+s22+$0x0], $0xffff  }
0x29b: {  	v1 =	vadd.f32 v6, v1;
	v6 =	vmul.f32 v19, v10;
	v10 =	vld.idx.msk [tilespmem:v27+s9+$0x0], $0xffff  }
0x29c: {  	v4 =	vmul.f32 v4, v18;
	v18 =	vld.idx.msk [tilespmem:v27+s18+$0x0], $0xffff  }
0x29d: {  	v1 =	vadd.f32 v8, v1;
	v6 =	vmul.f32 v12, v6;
	v8 =	vld.idx.msk [tilespmem:v26+s22+$0x0], $0xffff  }
0x29e: {  	v12 =	vld.idx.msk [tilespmem:v26+s9+$0x0], $0xffff  }
0x29f: {  	v0 =	vmul.f32 v0, v60;
	v2 =	vmul.f32 v2, v4;
	v1 =	vadd.f32 v6, v1  }
0x2a0: {  	v4 =	vld.idx.msk [tilespmem:v26+s18+$0x0], $0xffff  }
0x2a1: {  	v0 =	vmul.f32 v14, v0;
	v1 =	vadd.f32 v2, v1;
	v2 =	vmul.f32 v63, v10;
	_ =	sdelay $0x1  }
0x2a2: {  	v0 =	vadd.f32 v0, v1;
	v1 =	vmul.f32 v18, v2;
	v2 =	vmul.f32 v8, v12;
	_ =	sdelay $0x1  }
0x2a3: {  	v0 =	vadd.f32 v1, v0;
	v1 =	vmul.f32 v4, v2;
	_ =	sdelay $0x1  }
0x2a4: {  	v0 =	vadd.f32 v1, v0;
	_ =	sdelay $0x1  }
0x2a5: {  	v0 =	vmul.f32 $2.500000000e-01, v0;
	_ =	sdelay $0x1  }
0x2a6: {  	v0 =	vmax.f32 v0, $-5.000000000e+00  }
0x2a7: {  	v0 =	vmin.f32 v0, $5.000000000e+00  }
0x2a8: {  	v0 =	vmul.f32 $1.442695020e+00, v0;
	_ =	sdelay $0x1  }
0x2a9: {  	(erf) = vpow2.f32 v0;
	_ =	sdelay $0x2  }
0x2aa: {  	v0 =	vmul.u32 $0x90, v44;
	_ =	sdelay $0x1  }
0x2ab: {  	v1 =	vadd.s32 v0, v51;
	_ =	sdelay $0x2  }
0x2ac: {  	v2 =	vadd.s32 v46, v0;
	v4 =	vadd.s32 v47, v0  }
0x2ad: {  	v6 =	vadd.s32 v50, v0;
	v8 =	vadd.s32 v30, v0;
	v10 =	vadd.s32 v52, v0;
	v30 =	vpop (erf)  }
0x2ae: {  	v12 =	vadd.s32 v53, v0;
	v14 =	vadd.s32 v45, v0;
	[tilespmem:v1+s24+$0x0] =	vst.idx.msk $0xffff, v30;
	v1 =	vld [tilespmem:$0x1FF70]  }
0x2af: {  	v18 =	vadd.s32 v48, v0;
	v19 =	vadd.s32 v43, v0;
	v49 =	vadd.s32 v49, v0  }
0x2b0: {  	v60 =	vadd.s32 v55, v0;
	v61 =	vadd.s32 v59, v0;
	v62 =	vadd.s32 v57, v0  }
0x2b1: {  	v63 =	vadd.s32 v54, v0;
	v44 =	vadd.s32 v56, v0;
	v43 =	vadd.s32 v16, v0;
	v0 =	vld.idx.msk [tilespmem:v42+s19+$0x0], $0xffff;
	_ =	sdelay $0x1  }
0x2b2: {  	v1 =	vor.u32 v1, v2;
	_ =	sdelay $0x2  }
0x2b3: {  	v0 =	vmul.f32 v30, v0;
	_ =	sdelay $0x1  }
0x2b4: {  	[tilespmem:v1+s24+$0x0] =	vst.idx.msk $0xffff, v0  }
0x2b5: {  	v0 =	vld.idx.msk [tilespmem:v40+s19+$0x0], $0xffff;
	_ =	sdelay $0x1  }
0x2b6: {  	v1 =	vor.u32 v7, v4;
	_ =	sdelay $0x2  }
0x2b7: {  	v0 =	vmul.f32 v30, v0;
	_ =	sdelay $0x1  }
0x2b8: {  	[tilespmem:v1+s24+$0x0] =	vst.idx.msk $0xffff, v0  }
0x2b9: {  	v0 =	vld.idx.msk [tilespmem:v41+s19+$0x0], $0xffff;
	_ =	sdelay $0x1  }
0x2ba: {  	v1 =	vor.u32 v9, v6;
	_ =	sdelay $0x2  }
0x2bb: {  	v40 =	vld [tilespmem:$0x1FF50];
	v0 =	vmul.f32 v30, v0;
	_ =	sdelay $0x1  }
0x2bc: {  	[tilespmem:v1+s24+$0x0] =	vst.idx.msk $0xffff, v0  }
0x2bd: {  	v0 =	vld.idx.msk [tilespmem:v39+s19+$0x0], $0xffff;
	_ =	sdelay $0x1  }
0x2be: {  	v1 =	vor.u32 v40, v8;
	_ =	sdelay $0x2  }
0x2bf: {  	v0 =	vmul.f32 v0, v30;
	_ =	sdelay $0x1  }
0x2c0: {  	[tilespmem:v1+s24+$0x0] =	vst.idx.msk $0xffff, v0  }
0x2c1: {  	v0 =	vld.idx.msk [tilespmem:v38+s19+$0x0], $0xffff;
	_ =	sdelay $0x1  }
0x2c2: {  	v1 =	vor.u32 v11, v10;
	_ =	sdelay $0x2  }
0x2c3: {  	v0 =	vmul.f32 v0, v30;
	_ =	sdelay $0x1  }
0x2c4: {  	[tilespmem:v1+s24+$0x0] =	vst.idx.msk $0xffff, v0  }
0x2c5: {  	v0 =	vld.idx.msk [tilespmem:v37+s19+$0x0], $0xffff;
	_ =	sdelay $0x1  }
0x2c6: {  	v1 =	vor.u32 v13, v12;
	_ =	sdelay $0x2  }
0x2c7: {  	v0 =	vmul.f32 v0, v30;
	_ =	sdelay $0x1  }
0x2c8: {  	[tilespmem:v1+s24+$0x0] =	vst.idx.msk $0xffff, v0  }
0x2c9: {  	v0 =	vld.idx.msk [tilespmem:v33+s19+$0x0], $0xffff;
	_ =	sdelay $0x1  }
0x2ca: {  	v1 =	vor.u32 v15, v14;
	_ =	sdelay $0x2  }
0x2cb: {  	v0 =	vmul.f32 v0, v30;
	_ =	sdelay $0x1  }
0x2cc: {  	[tilespmem:v1+s24+$0x0] =	vst.idx.msk $0xffff, v0  }
0x2cd: {  	v0 =	vld.idx.msk [tilespmem:v32+s19+$0x0], $0xffff;
	_ =	sdelay $0x1  }
0x2ce: {  	v1 =	vor.u32 v17, v18;
	_ =	sdelay $0x2  }
0x2cf: {  	v12 =	vld [tilespmem:$0x1FF70];
	v0 =	vmul.f32 v0, v30;
	_ =	sdelay $0x1  }
0x2d0: {  	[tilespmem:v1+s24+$0x0] =	vst.idx.msk $0xffff, v0  }
0x2d1: {  	v0 =	vld.idx.msk [tilespmem:v29+s19+$0x0], $0xffff;
	_ =	sdelay $0x1  }
0x2d2: {  	v1 =	vor.u32 v12, v19;
	_ =	sdelay $0x2  }
0x2d3: {  	v0 =	vmul.f32 v0, v30;
	_ =	sdelay $0x1  }
0x2d4: {  	[tilespmem:v1+s24+$0x0] =	vst.idx.msk $0xffff, v0  }
0x2d5: {  	v0 =	vld.idx.msk [tilespmem:v28+s19+$0x0], $0xffff;
	_ =	sdelay $0x1  }
0x2d6: {  	v1 =	vor.u32 v7, v49;
	_ =	sdelay $0x2  }
0x2d7: {  	v0 =	vmul.f32 v0, v30;
	_ =	sdelay $0x1  }
0x2d8: {  	[tilespmem:v1+s24+$0x0] =	vst.idx.msk $0xffff, v0  }
0x2d9: {  	v0 =	vld.idx.msk [tilespmem:v34+s19+$0x0], $0xffff;
	_ =	sdelay $0x1  }
0x2da: {  	v1 =	vor.u32 v9, v60;
	_ =	sdelay $0x2  }
0x2db: {  	v0 =	vmul.f32 v0, v30;
	_ =	sdelay $0x1  }
0x2dc: {  	[tilespmem:v1+s24+$0x0] =	vst.idx.msk $0xffff, v0  }
0x2dd: {  	v0 =	vld.idx.msk [tilespmem:v36+s19+$0x0], $0xffff;
	_ =	sdelay $0x1  }
0x2de: {  	v1 =	vor.u32 v40, v61;
	_ =	sdelay $0x2  }
0x2df: {  	v0 =	vmul.f32 v0, v30;
	_ =	sdelay $0x1  }
0x2e0: {  	[tilespmem:v1+s24+$0x0] =	vst.idx.msk $0xffff, v0  }
0x2e1: {  	v0 =	vld.idx.msk [tilespmem:v35+s19+$0x0], $0xffff;
	_ =	sdelay $0x1  }
0x2e2: {  	v1 =	vor.u32 v11, v62  }
0x2e3: {  	p2 =	sne.s32 s10, $0xF  }
.Ltmp8:
0x2e4: {  	_ = 	snop;
	(pc) =	sbr.rel @p2 .LBB2_14-.Ltmp8, $3  }
0x2e5: {  	v0 =	vmul.f32 v0, v30;
	_ =	sdelay $0x1  }
0x2e6: {  	v19 =	vld [tilespmem:$0x1FF60];
	[tilespmem:v1+s24+$0x0] =	vst.idx.msk $0xffff, v0  }
0x2e7: {  	s10 =	sadd.s32 $0x1, s10;
	v14 =	vmov v7;
	v18 =	vmov v9;
	v29 =	vor.u32 v13, v63;
	v28 =	vld.idx.msk [tilespmem:v31+s19+$0x0], $0xffff  }
0x2e8: {  	_ =	sdelay $0x3  }
0x2e9: {  	v0 =	vmul.f32 v28, v30;
	_ =	sdelay $0x1  }
0x2ea: {  	[tilespmem:v29+s24+$0x0] =	vst.idx.msk $0xffff, v0  }
0x2eb: {  	v0 =	vld.idx.msk [tilespmem:v27+s19+$0x0], $0xffff;
	_ =	sdelay $0x1  }
0x2ec: {  	v1 =	vor.u32 v15, v44;
	_ =	sdelay $0x2  }
0x2ed: {  	v0 =	vmul.f32 v0, v30;
	_ =	sdelay $0x1  }
0x2ee: {  	[tilespmem:v1+s24+$0x0] =	vst.idx.msk $0xffff, v0  }
0x2ef: {  	v0 =	vld.idx.msk [tilespmem:v26+s19+$0x0], $0xffff;
	_ =	sdelay $0x1  }
0x2f0: {  	v1 =	vor.u32 v17, v43;
	_ =	sdelay $0x2  }
0x2f1: {  	v0 =	vmul.f32 v0, v30;
	_ =	sdelay $0x1  }
0x2f2: {  	[tilespmem:v1+s24+$0x0] =	vst.idx.msk $0xffff, v0  }
0x2f3: {  	v0 =	vld [tilespmem:$0x60]  }
0x2f4: {  	v1 =	vld [tilespmem:$0x70];
	_ =	sdelay $0x3  }
0x2f5: {  	[tilespmem:$0x9280] =	vst v0  }
0x2f6: {  	s1 =	rddreg [dreg:$0x2];
	s10 =	simm.s32 $0x9280;
	[tilespmem:$0x9290] =	vst v1  }
0x2f7: {  	[spmem:s1] =	stream.indirect.scatter.add.f32 [tilespmem:s24], [sflag:$0xB], $0x90, s10, s26, $0xb8;
	[tilespmem:$0x1F230] =	vst v63  }
0x2f8: {  	p2 =	sgt.u32 s21, $0x9A;
	s1 =	rddreg [dreg:$0xc]  }
0x2f9: {  	s1 =	sadd.s32 @!p2 s11, s1  }
.Ltmp9:
0x2fa: {  	s1 =	sshrl.u32 @!p2 s1, $0x3;
	(pc) =	sbr.rel .LBB2_16-.Ltmp9, $4  }
0x2fb: {  	s10 =	simm.s32 @!p2 $0x0;
	s11 =	simm.s32 @!p2 $0x40;
	s1 =	sadd.s32 @!p2 s8, s1  }
0x2fc: {  	v16 =	vld [tilespmem:$0x1FFF0];
	[tilespmem:s11], [sflag:$0xA] =	stream.linear.gather @!p2 [hbm4b:s1+s10], $0x20, $0x38  }
0x2fd: {  	v2 =	vld [tilespmem:$0x1FFD0];
	s1 =	sadd.s32 @!p2 $0x9C48, s1;
	s11 =	simm.s32 @!p2 $0x60  }
0x2fe: {  	v10 =	vld [tilespmem:$0x1FFE0];
	[tilespmem:s11], [sflag:$0xA] =	stream.linear.gather @!p2 [hbm4b:s1+s10], $0x20, $0x38  }
.LBB2_9:
0x2ff: {  	v4 =	vld [tilespmem:$0x1FF80]  }
0x300: {  	v6 =	vld [tilespmem:$0x1FFA0]  }
0x301: {  	v8 =	vld [tilespmem:$0x1FFC0]  }
0x302: {  	v7 =	vld [tilespmem:$0x1FFB0]  }
0x303: {  	s1 =	simm.s32 $0x0;
	s2 =	simm.s32 $0x240;
	v0 =	vimm.f32 $0.0e+00;
	v10 =	vmov v5;
	v5 =	vld [tilespmem:$0x1FF90]  }
.LBB2_10:
0x304: {  	p2 =	sne.s32 s2, $0x21C0;
	[tilespmem:s1+$0x8A00] =	vst v0  }
0x305: {  	[tilespmem:s1+$0x8980] =	vst v0  }
0x306: {  	[tilespmem:s1+$0x8990] =	vst v0  }
0x307: {  	[tilespmem:s1+$0x89A0] =	vst v0  }
.Ltmp10:
0x308: {  	[tilespmem:s1+$0x89B0] =	vst v0;
	(pc) =	sbr.rel @p2 .LBB2_10-.Ltmp10, $4  }
0x309: {  	[tilespmem:s1+$0x89C0] =	vst v0  }
0x30a: {  	[tilespmem:s1+$0x89D0] =	vst v0  }
0x30b: {  	[tilespmem:s1+$0x89E0] =	vst v0  }
0x30c: {  	[tilespmem:s1+$0x89F0] =	vst v0;
	s1 =	sshra.s32 s2, $0x2;
	s2 =	sadd.s32 $0x240, s2  }
0x30d: {  	[tilespmem:s1+$0x8A00] =	vst v0  }
0x30e: {  	[tilespmem:s1+$0x8980] =	vst v0  }
0x30f: {  	[tilespmem:s1+$0x8990] =	vst v0  }
0x310: {  	[tilespmem:s1+$0x89A0] =	vst v0  }
0x311: {  	[tilespmem:s1+$0x89B0] =	vst v0  }
0x312: {  	[tilespmem:s1+$0x89C0] =	vst v0  }
0x313: {  	[tilespmem:s1+$0x89D0] =	vst v0  }
0x314: {  	[tilespmem:s1+$0x89E0] =	vst v0  }
0x315: {  	[tilespmem:s1+$0x89F0] =	vst v0  }
0x316: {  	v0 =	vld [tilespmem:$0x20]  }
0x317: {  	v1 =	vld [tilespmem:$0x30];
	_ =	sdelay $0x3  }
0x318: {  	[tilespmem:$0x9280] =	vst v0  }
0x319: {  	s23 =	rddreg [dreg:$0x2];
	s2 =	simm.s32 $0x9280;
	[tilespmem:$0x9290] =	vst v1  }
0x31a: {  	[spmem:s23] =	stream.indirect.scatter.add.f32 [tilespmem:s24], [sflag:$0xB], $0x90, s2, s26, $0xb8;
	[tilespmem:$0x1F230] =	vst v63  }
.LBB2_17:
0x31b: {  	s1 =	simm.s32 $0xB  }
0x31c: {  	_ =	swait.ge [sflag:s1], $0x1200  }
0x31d: {  	[sflag:s1] =	ssyncset.done $0x0  }
0x31e: {  	[sflag:s1] =	ssyncadd.s32 $0xFFFFEE00  }
0x31f: {  	[bflag:$0x0] =	sbarrier.arrive $0xFFFF  }
0x320: {  	s21 =	rddreg [dreg:$0xf]  }
0x321: {  	[tilespmem:s24], [sflag:$0xC] =	stream.linear.gather [spmem:s21], $0x1200, $0x38;
	[tilespmem:$0x1F230] =	vst v63  }
0x322: {  	_ =	swait.ge [sflag:s25], $0x1200  }
0x323: {  	[sflag:s25] =	ssyncset.done $0x0  }
.Ltmp11:
0x324: {  	s2 =	rddreg [dreg:$0x10];
	[sflag:s25] =	ssyncadd.s32 $0xFFFFEE00;
	(pc) =	sbr.rel @!p1 .LBB2_19-.Ltmp11, $4  }
0x325: {  	[hbm4b:s2+s3] =	stream.linear.scatter [tilespmem:s24], [sflag:$0xC], $0x1200, $0x38;
	[tilespmem:$0x1F230] =	vst v63  }
0x326: {  	_ =	swait.ge [sflag:s25], $0x1200  }
0x327: {  	s15 =	rddreg [dreg:$0x4]  }
0x328: {  	s10 =	smov.u32 s21;
	[sflag:s25] =	ssyncset.done $0x0;
	s1 =	sadd.s32 $0xFFFFFFFF, s15  }
.LBB2_18:
0x329: {  	[sflag:s25] =	ssyncadd.s32 $0xFFFFEE00;
	s2 =	sadd.s32 $0x2400, s2;
	s10 =	sadd.s32 $0x12000, s10  }
0x32a: {  	[tilespmem:s24], [sflag:$0xC] =	stream.linear.gather [spmem:s10], $0x1200, $0x38;
	[tilespmem:$0x1F230] =	vst v63  }
0x32b: {  	p1 =	sne.s32 s1, $0x1;
	s1 =	sadd.s32 $0xFFFFFFFF, s1;
	_ =	swait.ge [sflag:s25], $0x1200  }
.Ltmp12:
0x32c: {  	[sflag:s25] =	ssyncset.done $0x0;
	(pc) =	sbr.rel @p1 .LBB2_18-.Ltmp12, $4  }
0x32d: {  	[sflag:s25] =	ssyncadd.s32 $0xFFFFEE00  }
0x32e: {  	[hbm4b:s2+s3] =	stream.linear.scatter [tilespmem:s24], [sflag:$0xC], $0x1200, $0x38;
	[tilespmem:$0x1F230] =	vst v63  }
0x32f: {  	_ =	swait.ge [sflag:s25], $0x1200  }
0x330: {  	[sflag:s25] =	ssyncset.done $0x0  }
.LBB2_19:
0x331: {  	[sflag:s25] =	ssyncadd.s32 $0xFFFFEE00  }
0x332: {  	s1 =	simm.s32 @!p0 $0x8080;
	s16 =	rddreg [dreg:$0x5];
	s2 =	simm.s32 @!p0 $0xC  }
0x333: {  	[tilespmem:s1], [sflag:$0xC] =	stream.linear.gather @!p0 [spmem:s16], $0x900, $0x38;
	[tilespmem:$0x1F230] =	vst v63  }
0x334: {  	_ =	swait.ge @!p0 [sflag:s2], $0x900  }
0x335: {  	[sflag:s2] =	ssyncset.done @!p0 $0x0  }
0x336: {  	s10 =	simm.s32 @!p0 $0x0;
	s11 =	rddreg [dreg:$0xd];
	[sflag:s2] =	ssyncadd.s32 @!p0 $0xFFFFF700  }
0x337: {  	[hbm4b:s11+s10] =	stream.linear.scatter @!p0 [tilespmem:s1], [sflag:$0xC], $0x900, $0x38;
	[tilespmem:$0x1F230] =	vst v63  }
0x338: {  	_ =	swait.ge @!p0 [sflag:s2], $0x900  }
0x339: {  	s11 =	rddreg [dreg:$0x11]  }
0x33a: {  	s23 =	rddreg [dreg:$0xe];
	s10 =	sadd.s32 $0x1, s11  }
0x33b: {  	p1 =	sne.s32 s10, s23  }
.Ltmp13:
0x33c: {  	_ = 	snop;
	(pc) =	sbr.rel @p1 .LBB2_1-.Ltmp13, $3  }
0x33d: {  	_ =	sdelay $0x1  }
0x33e: {  	[sflag:s2] =	ssyncset.done @!p0 $0x0  }
0x33f: {  	v1 =	vimm.f32 $0.0e+00;
	[sflag:s2] =	ssyncadd.s32 @!p0 $0xFFFFF700  }
0x340: {  	_ =	sfence.sel $0x180000  }
0x341: {  	[bflag:$0x0] =	sbarrier.arrive $0xFFFF  }
0x342: {  	_ =	strace $0x90000047  }
0x343: {  	s0 =	stileid.u32;
	[bflag:$0x2] =	sbarrier.arrive $0xFFFF  }
0x344: {  	p0 =	sne.s32 s0, $0x0;
	s0 =	rddreg [dreg:$0x3]  }
0x345: {  	s0 =	sadd.s32 @!p0 $0x100000, s0  }
0x346: {  	[sflag:s0] =	ssyncadd.tile.s32 @!p0 $0x1;
	_ =	shalt  }
.Lfunc_end2:
_tile_overlayer_lowered:
.L_overlay_start_2:
0x347: {  	(tag) =	ssettag $0x2  }
0x348: {  	s0 =	rddreg [dreg:$0x0];
	s2 =	stileid.u32  }
0x349: {  	s1 =	rddreg [dreg:$0x1];
	p0 =	sne.s32 s2, $0x0  }
0x34a: {  	s3 =	rddreg [dreg:$0x2];
	[bflag:$0x3] =	sbarrier.arrive $0xFFFF;
	s2 =	simm.s32 @!p0 $0x1C0C  }
0x34b: {  	[timem:s3], [sflag:s2] =	dma.local @!p0 [hbm:s0], s1  }
0x34c: {  	s0 =	simm.s32 @!p0 $0xC  }
0x34d: {  	_ =	swait.ge @!p0 [sflag:s0], s1  }
0x34e: {  	s1 =	ssub.s32 @!p0 $0x0, s1;
	[sflag:s0] =	ssyncset.done @!p0 $0x0  }
0x34f: {  	[sflag:s0] =	ssyncadd.s32 @!p0 s1  }
0x350: {  	[bflag:$0x3] =	sbarrier.arrive $0xFFFF  }
0x351: {  	_ =	shalt  }

</sc_bundles>
